<compile_context>
chip_gen: v7x
topology: tpu7x:2x2x1
jax: 0.10.2.dev20260603
libtpu: 0.0.44.dev20260713+nightly
codegen_flags: <defaults>
</compile_context>

<pallas_src>
import functools

import jax
import jax.numpy as jnp
from jax import lax
from jax.experimental import pallas as pl
from jax.experimental.pallas import tpu as pltpu
from jax.experimental.pallas import tpu_sc as plsc

_N_FEATURES = 8
_FREQUENCY = 0.01
_GAIN = 1.0

_LANES = 16
_NWORKERS = 32
_CHUNK = 16
_NBUF = 8
_LEAD = 4


def _season_params(num_cols):
    key = jax.random.key(42)
    key, kf = jax.random.split(key)
    features = jax.random.randint(kf, (_N_FEATURES,), 0, num_cols)
    freqs, gains = [], []
    for _ in range(_N_FEATURES):
        key, k1, k2 = jax.random.split(key, 3)
        freqs.append(jax.random.uniform(k1, (), dtype=jnp.float32) * _FREQUENCY)
        gains.append(jax.random.uniform(k2, (), dtype=jnp.float32) * _GAIN)
    return features, jnp.stack(freqs), jnp.stack(gains)


def _sc_body(feat_hbm, halfi_hbm, phs_hbm, gain_hbm, hrow_hbm, in_hbm,
             out_hbm, featv_ref, halfi_ref, phsv_ref, gainv_ref, hrowv_ref,
             buf0, buf1, buf2, buf3, buf4, buf5, buf6, buf7, insem,
             outsem, *, rows_total, cols):
    wid = lax.axis_index("s") * 2 + lax.axis_index("c")
    stripe = rows_total // _NWORKERS
    base = wid * stripe

    pltpu.sync_copy(feat_hbm, featv_ref)
    pltpu.sync_copy(halfi_hbm, halfi_ref)
    pltpu.sync_copy(phs_hbm, phsv_ref)
    pltpu.sync_copy(gain_hbm, gainv_ref)
    pltpu.sync_copy(hrow_hbm, hrowv_ref)

    nch = stripe // _CHUNK
    bufs = [buf0, buf1, buf2, buf3, buf4, buf5, buf6, buf7]

    def in_copy(c, b):
        return pltpu.make_async_copy(
            in_hbm.at[pl.ds(base + c * _CHUNK, _CHUNK), :],
            bufs[b], insem.at[b])

    def out_copy(c, b):
        return pltpu.make_async_copy(
            bufs[b],
            out_hbm.at[pl.ds(base + c * _CHUNK, _CHUNK), :],
            outsem.at[b])

    for b in range(_LEAD):
        in_copy(b, b).start()

    @pl.loop(0, nch // _NBUF)
    def superstep(s):
        for u in range(_NBUF):
            k = s * _NBUF + u
            in_copy(k, u).wait()
            row0 = base + k * _CHUNK
            featv = featv_ref[...]
            halfi = halfi_ref[...]
            phsv = phsv_ref[...]
            gainv = gainv_ref[...]
            rf = row0.astype(jnp.float32)
            rbase = jnp.full((_LANES,), rf, jnp.float32) + hrowv_ref[...]
            for jj in range(_CHUNK // 2):
                jrow = 2 * jj
                rglob = rbase + jnp.float32(jrow)
                x = rglob * phsv
                x2 = x * x
                p = x2 * jnp.float32(1.0 / 120.0) - jnp.float32(1.0 / 6.0)
                s_v = gainv * x * (x2 * p + jnp.float32(1.0))
                rloc = halfi + jnp.int32(jrow)
                plsc.addupdate_scatter(bufs[u], [rloc, featv], s_v)

            out_copy(k, u).start()

            @pl.when(k >= _LEAD)
            def _():
                out_copy(k - _LEAD, (u - _LEAD) % _NBUF).wait()

            @pl.when(k + _LEAD < nch)
            def _():
                in_copy(k + _LEAD, (u + _LEAD) % _NBUF).start()

    for i in range(_LEAD):
        out_copy(0, (nch - _LEAD + i) % _NBUF).wait()


def kernel(inp):
    rows, cols = inp.shape
    features, freqs, gains = _season_params(cols)
    feat2 = jnp.concatenate([features, features]).astype(jnp.int32)
    half = jnp.concatenate(
        [jnp.zeros((_N_FEATURES,)), jnp.ones((_N_FEATURES,))]
    )
    half_i = half.astype(jnp.int32)
    phase2 = (
        jnp.concatenate([freqs, freqs])
        * jnp.float32(2.0 * 3.14)
        * jnp.float32(1.0 / rows)
    )
    gain2 = jnp.concatenate([gains, gains])
    half_f = half.astype(jnp.float32)

    mesh = plsc.VectorSubcoreMesh(core_axis_name="c", subcore_axis_name="s")
    body = functools.partial(_sc_body, rows_total=rows, cols=cols)
    out = pl.kernel(
        body,
        out_type=jax.ShapeDtypeStruct((rows, cols), jnp.float32),
        mesh=mesh,
        compiler_params=pltpu.CompilerParams(needs_layout_passes=False),
        scratch_types=[
            pltpu.VMEM((_LANES,), jnp.int32),
            pltpu.VMEM((_LANES,), jnp.int32),
            pltpu.VMEM((_LANES,), jnp.float32),
            pltpu.VMEM((_LANES,), jnp.float32),
            pltpu.VMEM((_LANES,), jnp.float32),
            pltpu.VMEM((_CHUNK, cols), jnp.float32),
            pltpu.VMEM((_CHUNK, cols), jnp.float32),
            pltpu.VMEM((_CHUNK, cols), jnp.float32),
            pltpu.VMEM((_CHUNK, cols), jnp.float32),
            pltpu.VMEM((_CHUNK, cols), jnp.float32),
            pltpu.VMEM((_CHUNK, cols), jnp.float32),
            pltpu.VMEM((_CHUNK, cols), jnp.float32),
            pltpu.VMEM((_CHUNK, cols), jnp.float32),
            pltpu.SemaphoreType.DMA((_NBUF,)),
            pltpu.SemaphoreType.DMA((_NBUF,)),
        ],
    )(feat2, half_i, phase2, gain2, half_f, inp)
    return out

# --- scband reference (transcript-rebuilt; emitter-appended) ---
"""Pipeline reference for scband-seasonality-75033078661806 (READ-ONLY COPY).

The authoritative reference and input builder live on the scoring server;
editing this copy changes nothing except your own understanding.
"""

import jax, jax.numpy as jnp
import numpy as np

PROBABILITY = 1.0
GAIN = 1.0
FREQUENCY = 0.01
N_FEATURES = 8


def setup_inputs(seed: int = 0) -> dict:
    key = jax.random.key(seed)
    inp = jax.random.normal(key, (65536, 512), dtype=jnp.float32)
    return {"inp": inp}


def reference(inp):
    # Faithful translation of Seasonality.forward.
    # With probability=1.0 the branch `self.probability > torch.rand(1)` is
    # always taken (uniform samples lie in [0, 1)), so augmentation is always applied.
    T = inp.shape[0]
    F = inp.shape[-1]
    key = jax.random.key(42)
    key, kf = jax.random.split(key)
    features = jax.random.randint(kf, (N_FEATURES,), 0, F)
    # torch.arange(0, 1, 1/T) -> T evenly spaced points in [0, 1)
    t = jnp.arange(T, dtype=jnp.float32) / jnp.float32(T)
    out = inp
    for i in range(N_FEATURES):
        key, k1, k2 = jax.random.split(key, 3)
        frequency = jax.random.uniform(k1, (), dtype=jnp.float32) * FREQUENCY
        gain = jax.random.uniform(k2, (), dtype=jnp.float32) * GAIN
        x = t * 2.0 * 3.14 * frequency
        season = gain * jnp.sin(x)
        out = out.at[:, features[i]].add(season)
    return out

if __name__ == "__main__":
    import jax
    _d = setup_inputs()
    print(jax.jit(kernel)(*tuple(_d.values())))

</pallas_src>

<mosaic_0001>
#map = affine_map<(d0, d1) -> (0)>
#map1 = affine_map<(d0, d1) -> (0, 0)>
module attributes {stable_mosaic.version = 14 : i64} {
  func.func @_sc_body(%arg0: i32, %arg1: i32, %arg2: memref<16xi32, #tpu.memory_space<hbm>>, %arg3: memref<16xi32, #tpu.memory_space<hbm>>, %arg4: memref<16xf32, #tpu.memory_space<hbm>>, %arg5: memref<16xf32, #tpu.memory_space<hbm>>, %arg6: memref<16xf32, #tpu.memory_space<hbm>>, %arg7: memref<65536x512xf32, #tpu.memory_space<hbm>>, %arg8: memref<65536x512xf32, #tpu.memory_space<hbm>>, %arg9: memref<16xi32, #tpu.memory_space<vmem>>, %arg10: memref<16xi32, #tpu.memory_space<vmem>>, %arg11: memref<16xf32, #tpu.memory_space<vmem>>, %arg12: memref<16xf32, #tpu.memory_space<vmem>>, %arg13: memref<16xf32, #tpu.memory_space<vmem>>, %arg14: memref<16x512xf32, #tpu.memory_space<vmem>>, %arg15: memref<16x512xf32, #tpu.memory_space<vmem>>, %arg16: memref<16x512xf32, #tpu.memory_space<vmem>>, %arg17: memref<16x512xf32, #tpu.memory_space<vmem>>, %arg18: memref<16x512xf32, #tpu.memory_space<vmem>>, %arg19: memref<16x512xf32, #tpu.memory_space<vmem>>, %arg20: memref<16x512xf32, #tpu.memory_space<vmem>>, %arg21: memref<16x512xf32, #tpu.memory_space<vmem>>, %arg22: memref<8x!tpu.dma_semaphore, #tpu.memory_space<semaphore_mem>>, %arg23: memref<8x!tpu.dma_semaphore, #tpu.memory_space<semaphore_mem>>) attributes {dimension_semantics = [#tpu.dimension_semantics<core_parallel>, #tpu.dimension_semantics<subcore_parallel>], iteration_bounds = array<i64: 2, 16>, scalar_prefetch = 0 : i64, scratch_operands = 15 : i64, tpu.core_type = #tpu.core_type<sc_vector_subcore>, window_params = [{transform_indices = #map}, {transform_indices = #map}, {transform_indices = #map}, {transform_indices = #map}, {transform_indices = #map}, {transform_indices = #map1}, {transform_indices = #map1}]} {
    %mul3A = arith.constant 2 : i32
    %mul3A_0 = arith.muli %arg1, %mul3A : i32
    %add3A = arith.addi %mul3A_0, %arg0 : i32
    %mul3A_1 = arith.constant 2048 : i32
    %mul3A_2 = arith.muli %add3A, %mul3A_1 : i32
    "tpu.region"() ({
      %run_scoped3A = tpu.sem_alloc : memref<!tpu.dma_semaphore, #tpu.memory_space<semaphore_mem>>
      tpu.enqueue_dma source(%arg2 : memref<16xi32, #tpu.memory_space<hbm>>) target(%arg9 : memref<16xi32, #tpu.memory_space<vmem>>) target_semaphore(%run_scoped3A : memref<!tpu.dma_semaphore, #tpu.memory_space<semaphore_mem>>)
      tpu.wait_dma2 semaphore(%run_scoped3A : memref<!tpu.dma_semaphore, #tpu.memory_space<semaphore_mem>>) src(%arg2 : memref<16xi32, #tpu.memory_space<hbm>>) dst(%arg9 : memref<16xi32, #tpu.memory_space<vmem>>)
      tpu.yield
    }) : () -> ()
    "tpu.region"() ({
      %run_scoped3A = tpu.sem_alloc : memref<!tpu.dma_semaphore, #tpu.memory_space<semaphore_mem>>
      tpu.enqueue_dma source(%arg3 : memref<16xi32, #tpu.memory_space<hbm>>) target(%arg10 : memref<16xi32, #tpu.memory_space<vmem>>) target_semaphore(%run_scoped3A : memref<!tpu.dma_semaphore, #tpu.memory_space<semaphore_mem>>)
      tpu.wait_dma2 semaphore(%run_scoped3A : memref<!tpu.dma_semaphore, #tpu.memory_space<semaphore_mem>>) src(%arg3 : memref<16xi32, #tpu.memory_space<hbm>>) dst(%arg10 : memref<16xi32, #tpu.memory_space<vmem>>)
      tpu.yield
    }) : () -> ()
    "tpu.region"() ({
      %run_scoped3A = tpu.sem_alloc : memref<!tpu.dma_semaphore, #tpu.memory_space<semaphore_mem>>
      tpu.enqueue_dma source(%arg4 : memref<16xf32, #tpu.memory_space<hbm>>) target(%arg11 : memref<16xf32, #tpu.memory_space<vmem>>) target_semaphore(%run_scoped3A : memref<!tpu.dma_semaphore, #tpu.memory_space<semaphore_mem>>)
      tpu.wait_dma2 semaphore(%run_scoped3A : memref<!tpu.dma_semaphore, #tpu.memory_space<semaphore_mem>>) src(%arg4 : memref<16xf32, #tpu.memory_space<hbm>>) dst(%arg11 : memref<16xf32, #tpu.memory_space<vmem>>)
      tpu.yield
    }) : () -> ()
    "tpu.region"() ({
      %run_scoped3A = tpu.sem_alloc : memref<!tpu.dma_semaphore, #tpu.memory_space<semaphore_mem>>
      tpu.enqueue_dma source(%arg5 : memref<16xf32, #tpu.memory_space<hbm>>) target(%arg12 : memref<16xf32, #tpu.memory_space<vmem>>) target_semaphore(%run_scoped3A : memref<!tpu.dma_semaphore, #tpu.memory_space<semaphore_mem>>)
      tpu.wait_dma2 semaphore(%run_scoped3A : memref<!tpu.dma_semaphore, #tpu.memory_space<semaphore_mem>>) src(%arg5 : memref<16xf32, #tpu.memory_space<hbm>>) dst(%arg12 : memref<16xf32, #tpu.memory_space<vmem>>)
      tpu.yield
    }) : () -> ()
    "tpu.region"() ({
      %run_scoped3A = tpu.sem_alloc : memref<!tpu.dma_semaphore, #tpu.memory_space<semaphore_mem>>
      tpu.enqueue_dma source(%arg6 : memref<16xf32, #tpu.memory_space<hbm>>) target(%arg13 : memref<16xf32, #tpu.memory_space<vmem>>) target_semaphore(%run_scoped3A : memref<!tpu.dma_semaphore, #tpu.memory_space<semaphore_mem>>)
      tpu.wait_dma2 semaphore(%run_scoped3A : memref<!tpu.dma_semaphore, #tpu.memory_space<semaphore_mem>>) src(%arg6 : memref<16xf32, #tpu.memory_space<hbm>>) dst(%arg13 : memref<16xf32, #tpu.memory_space<vmem>>)
      tpu.yield
    }) : () -> ()
    %add3A_3 = arith.constant 0 : i32
    %add3A_4 = arith.addi %mul3A_2, %add3A_3 : i32
    %dma_start3A = arith.constant 0 : i32
    %dma_start3A_5 = arith.constant 0 : i32
    %dma_start3A_6 = tpu.memref_slice %arg7[%add3A_4, %dma_start3A_5] : memref<65536x512xf32, #tpu.memory_space<hbm>> -> memref<16x512xf32, #tpu.memory_space<hbm>>
    %dma_start3A_7 = tpu.memref_slice %arg22[%dma_start3A] : memref<8x!tpu.dma_semaphore, #tpu.memory_space<semaphore_mem>> -> memref<1x!tpu.dma_semaphore, #tpu.memory_space<semaphore_mem>>
    %dma_start3A_8 = tpu.memref_squeeze %dma_start3A_7 : memref<1x!tpu.dma_semaphore, #tpu.memory_space<semaphore_mem>> -> memref<!tpu.dma_semaphore, #tpu.memory_space<semaphore_mem>>
    %dma_start3A_9 = arith.constant 0 : i32
    %dma_start3A_10 = tpu.memref_slice %arg7[%add3A_4, %dma_start3A_9] : memref<65536x512xf32, #tpu.memory_space<hbm>> -> memref<16x512xf32, #tpu.memory_space<hbm>>
    tpu.enqueue_dma source(%dma_start3A_10 : memref<16x512xf32, #tpu.memory_space<hbm>>) target(%arg14 : memref<16x512xf32, #tpu.memory_space<vmem>>) target_semaphore(%dma_start3A_8 : memref<!tpu.dma_semaphore, #tpu.memory_space<semaphore_mem>>)
    %add3A_11 = arith.constant 16 : i32
    %add3A_12 = arith.addi %mul3A_2, %add3A_11 : i32
    %dma_start3A_13 = arith.constant 1 : i32
    %dma_start3A_14 = arith.constant 0 : i32
    %dma_start3A_15 = tpu.memref_slice %arg7[%add3A_12, %dma_start3A_14] : memref<65536x512xf32, #tpu.memory_space<hbm>> -> memref<16x512xf32, #tpu.memory_space<hbm>>
    %dma_start3A_16 = tpu.memref_slice %arg22[%dma_start3A_13] : memref<8x!tpu.dma_semaphore, #tpu.memory_space<semaphore_mem>> -> memref<1x!tpu.dma_semaphore, #tpu.memory_space<semaphore_mem>>
    %dma_start3A_17 = tpu.memref_squeeze %dma_start3A_16 : memref<1x!tpu.dma_semaphore, #tpu.memory_space<semaphore_mem>> -> memref<!tpu.dma_semaphore, #tpu.memory_space<semaphore_mem>>
    %dma_start3A_18 = arith.constant 0 : i32
    %dma_start3A_19 = tpu.memref_slice %arg7[%add3A_12, %dma_start3A_18] : memref<65536x512xf32, #tpu.memory_space<hbm>> -> memref<16x512xf32, #tpu.memory_space<hbm>>
    tpu.enqueue_dma source(%dma_start3A_19 : memref<16x512xf32, #tpu.memory_space<hbm>>) target(%arg15 : memref<16x512xf32, #tpu.memory_space<vmem>>) target_semaphore(%dma_start3A_17 : memref<!tpu.dma_semaphore, #tpu.memory_space<semaphore_mem>>)
    %add3A_20 = arith.constant 32 : i32
    %add3A_21 = arith.addi %mul3A_2, %add3A_20 : i32
    %dma_start3A_22 = arith.constant 2 : i32
    %dma_start3A_23 = arith.constant 0 : i32
    %dma_start3A_24 = tpu.memref_slice %arg7[%add3A_21, %dma_start3A_23] : memref<65536x512xf32, #tpu.memory_space<hbm>> -> memref<16x512xf32, #tpu.memory_space<hbm>>
    %dma_start3A_25 = tpu.memref_slice %arg22[%dma_start3A_22] : memref<8x!tpu.dma_semaphore, #tpu.memory_space<semaphore_mem>> -> memref<1x!tpu.dma_semaphore, #tpu.memory_space<semaphore_mem>>
    %dma_start3A_26 = tpu.memref_squeeze %dma_start3A_25 : memref<1x!tpu.dma_semaphore, #tpu.memory_space<semaphore_mem>> -> memref<!tpu.dma_semaphore, #tpu.memory_space<semaphore_mem>>
    %dma_start3A_27 = arith.constant 0 : i32
    %dma_start3A_28 = tpu.memref_slice %arg7[%add3A_21, %dma_start3A_27] : memref<65536x512xf32, #tpu.memory_space<hbm>> -> memref<16x512xf32, #tpu.memory_space<hbm>>
    tpu.enqueue_dma source(%dma_start3A_28 : memref<16x512xf32, #tpu.memory_space<hbm>>) target(%arg16 : memref<16x512xf32, #tpu.memory_space<vmem>>) target_semaphore(%dma_start3A_26 : memref<!tpu.dma_semaphore, #tpu.memory_space<semaphore_mem>>)
    %add3A_29 = arith.constant 48 : i32
    %add3A_30 = arith.addi %mul3A_2, %add3A_29 : i32
    %dma_start3A_31 = arith.constant 3 : i32
    %dma_start3A_32 = arith.constant 0 : i32
    %dma_start3A_33 = tpu.memref_slice %arg7[%add3A_30, %dma_start3A_32] : memref<65536x512xf32, #tpu.memory_space<hbm>> -> memref<16x512xf32, #tpu.memory_space<hbm>>
    %dma_start3A_34 = tpu.memref_slice %arg22[%dma_start3A_31] : memref<8x!tpu.dma_semaphore, #tpu.memory_space<semaphore_mem>> -> memref<1x!tpu.dma_semaphore, #tpu.memory_space<semaphore_mem>>
    %dma_start3A_35 = tpu.memref_squeeze %dma_start3A_34 : memref<1x!tpu.dma_semaphore, #tpu.memory_space<semaphore_mem>> -> memref<!tpu.dma_semaphore, #tpu.memory_space<semaphore_mem>>
    %dma_start3A_36 = arith.constant 0 : i32
    %dma_start3A_37 = tpu.memref_slice %arg7[%add3A_30, %dma_start3A_36] : memref<65536x512xf32, #tpu.memory_space<hbm>> -> memref<16x512xf32, #tpu.memory_space<hbm>>
    tpu.enqueue_dma source(%dma_start3A_37 : memref<16x512xf32, #tpu.memory_space<hbm>>) target(%arg17 : memref<16x512xf32, #tpu.memory_space<vmem>>) target_semaphore(%dma_start3A_35 : memref<!tpu.dma_semaphore, #tpu.memory_space<semaphore_mem>>)
    %scan3A = arith.constant 0 : i32
    %scan3A_38 = arith.constant 16 : i32
    %scan3A_39 = arith.addi %scan3A, %scan3A_38 : i32
    %scan3A_40 = arith.constant 1 : i32
    scf.for %scan3A_77 = %scan3A to %scan3A_39 step %scan3A_40  : i32 {
      %mul3A_78 = arith.constant 1 : i32
      %mul3A_79 = arith.muli %scan3A_77, %mul3A_78 : i32
      %add3A_80 = arith.constant 0 : i32
      %add3A_81 = arith.addi %add3A_80, %mul3A_79 : i32
      %mul3A_82 = arith.constant 8 : i32
      %mul3A_83 = arith.muli %add3A_81, %mul3A_82 : i32
      %add3A_84 = arith.constant 0 : i32
      %add3A_85 = arith.addi %mul3A_83, %add3A_84 : i32
      %mul3A_86 = arith.constant 16 : i32
      %mul3A_87 = arith.muli %add3A_85, %mul3A_86 : i32
      %add3A_88 = arith.addi %mul3A_2, %mul3A_87 : i32
      %dma_wait3A_89 = arith.constant 0 : i32
      %dma_wait3A_90 = arith.constant 0 : i32
      %dma_wait3A_91 = tpu.memref_slice %arg7[%add3A_88, %dma_wait3A_90] : memref<65536x512xf32, #tpu.memory_space<hbm>> -> memref<16x512xf32, #tpu.memory_space<hbm>>
      %dma_wait3A_92 = tpu.memref_slice %arg22[%dma_wait3A_89] : memref<8x!tpu.dma_semaphore, #tpu.memory_space<semaphore_mem>> -> memref<1x!tpu.dma_semaphore, #tpu.memory_space<semaphore_mem>>
      %dma_wait3A_93 = tpu.memref_squeeze %dma_wait3A_92 : memref<1x!tpu.dma_semaphore, #tpu.memory_space<semaphore_mem>> -> memref<!tpu.dma_semaphore, #tpu.memory_space<semaphore_mem>>
      %dma_wait3A_94 = arith.constant 0 : i32
      %dma_wait3A_95 = tpu.memref_slice %arg7[%add3A_88, %dma_wait3A_94] : memref<65536x512xf32, #tpu.memory_space<hbm>> -> memref<16x512xf32, #tpu.memory_space<hbm>>
      tpu.wait_dma2 semaphore(%dma_wait3A_93 : memref<!tpu.dma_semaphore, #tpu.memory_space<semaphore_mem>>) src(%dma_wait3A_95 : memref<16x512xf32, #tpu.memory_space<hbm>>) dst(%arg14 : memref<16x512xf32, #tpu.memory_space<vmem>>)
      %mul3A_96 = arith.constant 16 : i32
      %mul3A_97 = arith.muli %add3A_85, %mul3A_96 : i32
      %add3A_98 = arith.addi %mul3A_2, %mul3A_97 : i32
      %get3A = arith.constant 0 : index
      %get3A_99 = tpu.vector_load %arg9[%get3A] {strides = array<i32>} : memref<16xi32, #tpu.memory_space<vmem>>, vector<16xi32>,
      %get3A_100 = arith.constant 0 : index
      %get3A_101 = tpu.vector_load %arg10[%get3A_100] {strides = array<i32>} : memref<16xi32, #tpu.memory_space<vmem>>, vector<16xi32>,
      %get3A_102 = arith.constant 0 : index
      %get3A_103 = tpu.vector_load %arg11[%get3A_102] {strides = array<i32>} : memref<16xf32, #tpu.memory_space<vmem>>, vector<16xf32>,
      %get3A_104 = arith.constant 0 : index
      %get3A_105 = tpu.vector_load %arg12[%get3A_104] {strides = array<i32>} : memref<16xf32, #tpu.memory_space<vmem>>, vector<16xf32>,
      %convert_element_type3A = arith.sitofp %add3A_98 : i32 to f32
      %broadcast_in_dim3A = vector.broadcast %convert_element_type3A : f32 to vector<16xf32>
      %get3A_106 = arith.constant 0 : index
      %get3A_107 = tpu.vector_load %arg13[%get3A_106] {strides = array<i32>} : memref<16xf32, #tpu.memory_space<vmem>>, vector<16xf32>,
      %add3A_108 = arith.addf %broadcast_in_dim3A, %get3A_107 : vector<16xf32>
      %add3A_109 = arith.constant 0.000000e+00 : f32
      %add3A_110 = vector.broadcast %add3A_109 : f32 to vector<16xf32>
      %add3A_111 = arith.addf %add3A_108, %add3A_110 : vector<16xf32>
      %mul3A_112 = arith.mulf %add3A_111, %get3A_103 : vector<16xf32>
      %mul3A_113 = arith.mulf %mul3A_112, %mul3A_112 : vector<16xf32>
      %mul3A_114 = arith.constant 0.00833333377 : f32
      %mul3A_115 = vector.broadcast %mul3A_114 : f32 to vector<16xf32>
      %mul3A_116 = arith.mulf %mul3A_113, %mul3A_115 : vector<16xf32>
      %sub3A = arith.constant 0.166666672 : f32
      %sub3A_117 = vector.broadcast %sub3A : f32 to vector<16xf32>
      %sub3A_118 = arith.subf %mul3A_116, %sub3A_117 : vector<16xf32>
      %mul3A_119 = arith.mulf %get3A_105, %mul3A_112 : vector<16xf32>
      %mul3A_120 = arith.mulf %mul3A_113, %sub3A_118 : vector<16xf32>
      %add3A_121 = arith.constant 1.000000e+00 : f32
      %add3A_122 = vector.broadcast %add3A_121 : f32 to vector<16xf32>
      %add3A_123 = arith.addf %mul3A_120, %add3A_122 : vector<16xf32>
      %mul3A_124 = arith.mulf %mul3A_119, %add3A_123 : vector<16xf32>
      %add3A_125 = arith.constant 0 : i32
      %add3A_126 = vector.broadcast %add3A_125 : i32 to vector<16xi32>
      %add3A_127 = arith.addi %get3A_101, %add3A_126 : vector<16xi32>
      tpu.vector_store_idx %arg14[%add3A_127, %get3A_99], %mul3A_124 {add = true} : memref<16x512xf32, #tpu.memory_space<vmem>>[vector<16xi32>, vector<16xi32>], vector<16xf32>,
      %add3A_128 = arith.constant 2.000000e+00 : f32
      %add3A_129 = vector.broadcast %add3A_128 : f32 to vector<16xf32>
      %add3A_130 = arith.addf %add3A_108, %add3A_129 : vector<16xf32>
      %mul3A_131 = arith.mulf %add3A_130, %get3A_103 : vector<16xf32>
      %mul3A_132 = arith.mulf %mul3A_131, %mul3A_131 : vector<16xf32>
      %mul3A_133 = arith.constant 0.00833333377 : f32
      %mul3A_134 = vector.broadcast %mul3A_133 : f32 to vector<16xf32>
      %mul3A_135 = arith.mulf %mul3A_132, %mul3A_134 : vector<16xf32>
      %sub3A_136 = arith.constant 0.166666672 : f32
      %sub3A_137 = vector.broadcast %sub3A_136 : f32 to vector<16xf32>
      %sub3A_138 = arith.subf %mul3A_135, %sub3A_137 : vector<16xf32>
      %mul3A_139 = arith.mulf %get3A_105, %mul3A_131 : vector<16xf32>
      %mul3A_140 = arith.mulf %mul3A_132, %sub3A_138 : vector<16xf32>
      %add3A_141 = arith.constant 1.000000e+00 : f32
      %add3A_142 = vector.broadcast %add3A_141 : f32 to vector<16xf32>
      %add3A_143 = arith.addf %mul3A_140, %add3A_142 : vector<16xf32>
      %mul3A_144 = arith.mulf %mul3A_139, %add3A_143 : vector<16xf32>
      %add3A_145 = arith.constant 2 : i32
      %add3A_146 = vector.broadcast %add3A_145 : i32 to vector<16xi32>
      %add3A_147 = arith.addi %get3A_101, %add3A_146 : vector<16xi32>
      tpu.vector_store_idx %arg14[%add3A_147, %get3A_99], %mul3A_144 {add = true} : memref<16x512xf32, #tpu.memory_space<vmem>>[vector<16xi32>, vector<16xi32>], vector<16xf32>,
      %add3A_148 = arith.constant 4.000000e+00 : f32
      %add3A_149 = vector.broadcast %add3A_148 : f32 to vector<16xf32>
      %add3A_150 = arith.addf %add3A_108, %add3A_149 : vector<16xf32>
      %mul3A_151 = arith.mulf %add3A_150, %get3A_103 : vector<16xf32>
      %mul3A_152 = arith.mulf %mul3A_151, %mul3A_151 : vector<16xf32>
      %mul3A_153 = arith.constant 0.00833333377 : f32
      %mul3A_154 = vector.broadcast %mul3A_153 : f32 to vector<16xf32>
      %mul3A_155 = arith.mulf %mul3A_152, %mul3A_154 : vector<16xf32>
      %sub3A_156 = arith.constant 0.166666672 : f32
      %sub3A_157 = vector.broadcast %sub3A_156 : f32 to vector<16xf32>
      %sub3A_158 = arith.subf %mul3A_155, %sub3A_157 : vector<16xf32>
      %mul3A_159 = arith.mulf %get3A_105, %mul3A_151 : vector<16xf32>
      %mul3A_160 = arith.mulf %mul3A_152, %sub3A_158 : vector<16xf32>
      %add3A_161 = arith.constant 1.000000e+00 : f32
      %add3A_162 = vector.broadcast %add3A_161 : f32 to vector<16xf32>
      %add3A_163 = arith.addf %mul3A_160, %add3A_162 : vector<16xf32>
      %mul3A_164 = arith.mulf %mul3A_159, %add3A_163 : vector<16xf32>
      %add3A_165 = arith.constant 4 : i32
      %add3A_166 = vector.broadcast %add3A_165 : i32 to vector<16xi32>
      %add3A_167 = arith.addi %get3A_101, %add3A_166 : vector<16xi32>
      tpu.vector_store_idx %arg14[%add3A_167, %get3A_99], %mul3A_164 {add = true} : memref<16x512xf32, #tpu.memory_space<vmem>>[vector<16xi32>, vector<16xi32>], vector<16xf32>,
      %add3A_168 = arith.constant 6.000000e+00 : f32
      %add3A_169 = vector.broadcast %add3A_168 : f32 to vector<16xf32>
      %add3A_170 = arith.addf %add3A_108, %add3A_169 : vector<16xf32>
      %mul3A_171 = arith.mulf %add3A_170, %get3A_103 : vector<16xf32>
      %mul3A_172 = arith.mulf %mul3A_171, %mul3A_171 : vector<16xf32>
      %mul3A_173 = arith.constant 0.00833333377 : f32
      %mul3A_174 = vector.broadcast %mul3A_173 : f32 to vector<16xf32>
      %mul3A_175 = arith.mulf %mul3A_172, %mul3A_174 : vector<16xf32>
      %sub3A_176 = arith.constant 0.166666672 : f32
      %sub3A_177 = vector.broadcast %sub3A_176 : f32 to vector<16xf32>
      %sub3A_178 = arith.subf %mul3A_175, %sub3A_177 : vector<16xf32>
      %mul3A_179 = arith.mulf %get3A_105, %mul3A_171 : vector<16xf32>
      %mul3A_180 = arith.mulf %mul3A_172, %sub3A_178 : vector<16xf32>
      %add3A_181 = arith.constant 1.000000e+00 : f32
      %add3A_182 = vector.broadcast %add3A_181 : f32 to vector<16xf32>
      %add3A_183 = arith.addf %mul3A_180, %add3A_182 : vector<16xf32>
      %mul3A_184 = arith.mulf %mul3A_179, %add3A_183 : vector<16xf32>
      %add3A_185 = arith.constant 6 : i32
      %add3A_186 = vector.broadcast %add3A_185 : i32 to vector<16xi32>
      %add3A_187 = arith.addi %get3A_101, %add3A_186 : vector<16xi32>
      tpu.vector_store_idx %arg14[%add3A_187, %get3A_99], %mul3A_184 {add = true} : memref<16x512xf32, #tpu.memory_space<vmem>>[vector<16xi32>, vector<16xi32>], vector<16xf32>,
      %add3A_188 = arith.constant 8.000000e+00 : f32
      %add3A_189 = vector.broadcast %add3A_188 : f32 to vector<16xf32>
      %add3A_190 = arith.addf %add3A_108, %add3A_189 : vector<16xf32>
      %mul3A_191 = arith.mulf %add3A_190, %get3A_103 : vector<16xf32>
      %mul3A_192 = arith.mulf %mul3A_191, %mul3A_191 : vector<16xf32>
      %mul3A_193 = arith.constant 0.00833333377 : f32
      %mul3A_194 = vector.broadcast %mul3A_193 : f32 to vector<16xf32>
      %mul3A_195 = arith.mulf %mul3A_192, %mul3A_194 : vector<16xf32>
      %sub3A_196 = arith.constant 0.166666672 : f32
      %sub3A_197 = vector.broadcast %sub3A_196 : f32 to vector<16xf32>
      %sub3A_198 = arith.subf %mul3A_195, %sub3A_197 : vector<16xf32>
      %mul3A_199 = arith.mulf %get3A_105, %mul3A_191 : vector<16xf32>
      %mul3A_200 = arith.mulf %mul3A_192, %sub3A_198 : vector<16xf32>
      %add3A_201 = arith.constant 1.000000e+00 : f32
      %add3A_202 = vector.broadcast %add3A_201 : f32 to vector<16xf32>
      %add3A_203 = arith.addf %mul3A_200, %add3A_202 : vector<16xf32>
      %mul3A_204 = arith.mulf %mul3A_199, %add3A_203 : vector<16xf32>
      %add3A_205 = arith.constant 8 : i32
      %add3A_206 = vector.broadcast %add3A_205 : i32 to vector<16xi32>
      %add3A_207 = arith.addi %get3A_101, %add3A_206 : vector<16xi32>
      tpu.vector_store_idx %arg14[%add3A_207, %get3A_99], %mul3A_204 {add = true} : memref<16x512xf32, #tpu.memory_space<vmem>>[vector<16xi32>, vector<16xi32>], vector<16xf32>,
      %add3A_208 = arith.constant 1.000000e+01 : f32
      %add3A_209 = vector.broadcast %add3A_208 : f32 to vector<16xf32>
      %add3A_210 = arith.addf %add3A_108, %add3A_209 : vector<16xf32>
      %mul3A_211 = arith.mulf %add3A_210, %get3A_103 : vector<16xf32>
      %mul3A_212 = arith.mulf %mul3A_211, %mul3A_211 : vector<16xf32>
      %mul3A_213 = arith.constant 0.00833333377 : f32
      %mul3A_214 = vector.broadcast %mul3A_213 : f32 to vector<16xf32>
      %mul3A_215 = arith.mulf %mul3A_212, %mul3A_214 : vector<16xf32>
      %sub3A_216 = arith.constant 0.166666672 : f32
      %sub3A_217 = vector.broadcast %sub3A_216 : f32 to vector<16xf32>
      %sub3A_218 = arith.subf %mul3A_215, %sub3A_217 : vector<16xf32>
      %mul3A_219 = arith.mulf %get3A_105, %mul3A_211 : vector<16xf32>
      %mul3A_220 = arith.mulf %mul3A_212, %sub3A_218 : vector<16xf32>
      %add3A_221 = arith.constant 1.000000e+00 : f32
      %add3A_222 = vector.broadcast %add3A_221 : f32 to vector<16xf32>
      %add3A_223 = arith.addf %mul3A_220, %add3A_222 : vector<16xf32>
      %mul3A_224 = arith.mulf %mul3A_219, %add3A_223 : vector<16xf32>
      %add3A_225 = arith.constant 10 : i32
      %add3A_226 = vector.broadcast %add3A_225 : i32 to vector<16xi32>
      %add3A_227 = arith.addi %get3A_101, %add3A_226 : vector<16xi32>
      tpu.vector_store_idx %arg14[%add3A_227, %get3A_99], %mul3A_224 {add = true} : memref<16x512xf32, #tpu.memory_space<vmem>>[vector<16xi32>, vector<16xi32>], vector<16xf32>,
      %add3A_228 = arith.constant 1.200000e+01 : f32
      %add3A_229 = vector.broadcast %add3A_228 : f32 to vector<16xf32>
      %add3A_230 = arith.addf %add3A_108, %add3A_229 : vector<16xf32>
      %mul3A_231 = arith.mulf %add3A_230, %get3A_103 : vector<16xf32>
      %mul3A_232 = arith.mulf %mul3A_231, %mul3A_231 : vector<16xf32>
      %mul3A_233 = arith.constant 0.00833333377 : f32
      %mul3A_234 = vector.broadcast %mul3A_233 : f32 to vector<16xf32>
      %mul3A_235 = arith.mulf %mul3A_232, %mul3A_234 : vector<16xf32>
      %sub3A_236 = arith.constant 0.166666672 : f32
      %sub3A_237 = vector.broadcast %sub3A_236 : f32 to vector<16xf32>
      %sub3A_238 = arith.subf %mul3A_235, %sub3A_237 : vector<16xf32>
      %mul3A_239 = arith.mulf %get3A_105, %mul3A_231 : vector<16xf32>
      %mul3A_240 = arith.mulf %mul3A_232, %sub3A_238 : vector<16xf32>
      %add3A_241 = arith.constant 1.000000e+00 : f32
      %add3A_242 = vector.broadcast %add3A_241 : f32 to vector<16xf32>
      %add3A_243 = arith.addf %mul3A_240, %add3A_242 : vector<16xf32>
      %mul3A_244 = arith.mulf %mul3A_239, %add3A_243 : vector<16xf32>
      %add3A_245 = arith.constant 12 : i32
      %add3A_246 = vector.broadcast %add3A_245 : i32 to vector<16xi32>
      %add3A_247 = arith.addi %get3A_101, %add3A_246 : vector<16xi32>
      tpu.vector_store_idx %arg14[%add3A_247, %get3A_99], %mul3A_244 {add = true} : memref<16x512xf32, #tpu.memory_space<vmem>>[vector<16xi32>, vector<16xi32>], vector<16xf32>,
      %add3A_248 = arith.constant 1.400000e+01 : f32
      %add3A_249 = vector.broadcast %add3A_248 : f32 to vector<16xf32>
      %add3A_250 = arith.addf %add3A_108, %add3A_249 : vector<16xf32>
      %mul3A_251 = arith.mulf %add3A_250, %get3A_103 : vector<16xf32>
      %mul3A_252 = arith.mulf %mul3A_251, %mul3A_251 : vector<16xf32>
      %mul3A_253 = arith.constant 0.00833333377 : f32
      %mul3A_254 = vector.broadcast %mul3A_253 : f32 to vector<16xf32>
      %mul3A_255 = arith.mulf %mul3A_252, %mul3A_254 : vector<16xf32>
      %sub3A_256 = arith.constant 0.166666672 : f32
      %sub3A_257 = vector.broadcast %sub3A_256 : f32 to vector<16xf32>
      %sub3A_258 = arith.subf %mul3A_255, %sub3A_257 : vector<16xf32>
      %mul3A_259 = arith.mulf %get3A_105, %mul3A_251 : vector<16xf32>
      %mul3A_260 = arith.mulf %mul3A_252, %sub3A_258 : vector<16xf32>
      %add3A_261 = arith.constant 1.000000e+00 : f32
      %add3A_262 = vector.broadcast %add3A_261 : f32 to vector<16xf32>
      %add3A_263 = arith.addf %mul3A_260, %add3A_262 : vector<16xf32>
      %mul3A_264 = arith.mulf %mul3A_259, %add3A_263 : vector<16xf32>
      %add3A_265 = arith.constant 14 : i32
      %add3A_266 = vector.broadcast %add3A_265 : i32 to vector<16xi32>
      %add3A_267 = arith.addi %get3A_101, %add3A_266 : vector<16xi32>
      tpu.vector_store_idx %arg14[%add3A_267, %get3A_99], %mul3A_264 {add = true} : memref<16x512xf32, #tpu.memory_space<vmem>>[vector<16xi32>, vector<16xi32>], vector<16xf32>,
      %mul3A_268 = arith.constant 16 : i32
      %mul3A_269 = arith.muli %add3A_85, %mul3A_268 : i32
      %add3A_270 = arith.addi %mul3A_2, %mul3A_269 : i32
      %dma_start3A_271 = arith.constant 0 : i32
      %dma_start3A_272 = arith.constant 0 : i32
      %dma_start3A_273 = tpu.memref_slice %arg8[%add3A_270, %dma_start3A_272] : memref<65536x512xf32, #tpu.memory_space<hbm>> -> memref<16x512xf32, #tpu.memory_space<hbm>>
      %dma_start3A_274 = tpu.memref_slice %arg23[%dma_start3A_271] : memref<8x!tpu.dma_semaphore, #tpu.memory_space<semaphore_mem>> -> memref<1x!tpu.dma_semaphore, #tpu.memory_space<semaphore_mem>>
      %dma_start3A_275 = tpu.memref_squeeze %dma_start3A_274 : memref<1x!tpu.dma_semaphore, #tpu.memory_space<semaphore_mem>> -> memref<!tpu.dma_semaphore, #tpu.memory_space<semaphore_mem>>
      %dma_start3A_276 = arith.constant 0 : i32
      %dma_start3A_277 = tpu.memref_slice %arg8[%add3A_270, %dma_start3A_276] : memref<65536x512xf32, #tpu.memory_space<hbm>> -> memref<16x512xf32, #tpu.memory_space<hbm>>
      tpu.enqueue_dma source(%arg14 : memref<16x512xf32, #tpu.memory_space<vmem>>) target(%dma_start3A_277 : memref<16x512xf32, #tpu.memory_space<hbm>>) target_semaphore(%dma_start3A_275 : memref<!tpu.dma_semaphore, #tpu.memory_space<semaphore_mem>>)
      %ge3A = arith.constant 4 : i32
      %ge3A_278 = arith.cmpi sge, %add3A_85, %ge3A : i32
      %convert_element_type3A_279 = arith.extui %ge3A_278 : i1 to i32
      %cond3A = arith.constant 0 : i32
      %cond3A_280 = arith.cmpi ne, %convert_element_type3A_279, %cond3A : i32
      scf.if %cond3A_280 {
        %sub3A_1771 = arith.constant 4 : i32
        %sub3A_1772 = arith.subi %add3A_85, %sub3A_1771 : i32
        %mul3A_1773 = arith.constant 16 : i32
        %mul3A_1774 = arith.muli %sub3A_1772, %mul3A_1773 : i32
        %add3A_1775 = arith.addi %mul3A_2, %mul3A_1774 : i32
        %dma_wait3A_1776 = arith.constant 4 : i32
        %dma_wait3A_1777 = arith.constant 0 : i32
        %dma_wait3A_1778 = tpu.memref_slice %arg8[%add3A_1775, %dma_wait3A_1777] : memref<65536x512xf32, #tpu.memory_space<hbm>> -> memref<16x512xf32, #tpu.memory_space<hbm>>
        %dma_wait3A_1779 = tpu.memref_slice %arg23[%dma_wait3A_1776] : memref<8x!tpu.dma_semaphore, #tpu.memory_space<semaphore_mem>> -> memref<1x!tpu.dma_semaphore, #tpu.memory_space<semaphore_mem>>
        %dma_wait3A_1780 = tpu.memref_squeeze %dma_wait3A_1779 : memref<1x!tpu.dma_semaphore, #tpu.memory_space<semaphore_mem>> -> memref<!tpu.dma_semaphore, #tpu.memory_space<semaphore_mem>>
        %dma_wait3A_1781 = arith.constant 0 : i32
        %dma_wait3A_1782 = tpu.memref_slice %arg8[%add3A_1775, %dma_wait3A_1781] : memref<65536x512xf32, #tpu.memory_space<hbm>> -> memref<16x512xf32, #tpu.memory_space<hbm>>
        tpu.wait_dma2 semaphore(%dma_wait3A_1780 : memref<!tpu.dma_semaphore, #tpu.memory_space<semaphore_mem>>) src(%arg18 : memref<16x512xf32, #tpu.memory_space<vmem>>) dst(%dma_wait3A_1782 : memref<16x512xf32, #tpu.memory_space<hbm>>)
      } else {
      }
      %add3A_281 = arith.constant 4 : i32
      %add3A_282 = arith.addi %add3A_85, %add3A_281 : i32
      %lt3A = arith.constant 128 : i32
      %lt3A_283 = arith.cmpi slt, %add3A_282, %lt3A : i32
      %convert_element_type3A_284 = arith.extui %lt3A_283 : i1 to i32
      %cond3A_285 = arith.constant 0 : i32
      %cond3A_286 = arith.cmpi ne, %convert_element_type3A_284, %cond3A_285 : i32
      scf.if %cond3A_286 {
        %add3A_1771 = arith.constant 4 : i32
        %add3A_1772 = arith.addi %add3A_85, %add3A_1771 : i32
        %mul3A_1773 = arith.constant 16 : i32
        %mul3A_1774 = arith.muli %add3A_1772, %mul3A_1773 : i32
        %add3A_1775 = arith.addi %mul3A_2, %mul3A_1774 : i32
        %dma_start3A_1776 = arith.constant 4 : i32
        %dma_start3A_1777 = arith.constant 0 : i32
        %dma_start3A_1778 = tpu.memref_slice %arg7[%add3A_1775, %dma_start3A_1777] : memref<65536x512xf32, #tpu.memory_space<hbm>> -> memref<16x512xf32, #tpu.memory_space<hbm>>
        %dma_start3A_1779 = tpu.memref_slice %arg22[%dma_start3A_1776] : memref<8x!tpu.dma_semaphore, #tpu.memory_space<semaphore_mem>> -> memref<1x!tpu.dma_semaphore, #tpu.memory_space<semaphore_mem>>
        %dma_start3A_1780 = tpu.memref_squeeze %dma_start3A_1779 : memref<1x!tpu.dma_semaphore, #tpu.memory_space<semaphore_mem>> -> memref<!tpu.dma_semaphore, #tpu.memory_space<semaphore_mem>>
        %dma_start3A_1781 = arith.constant 0 : i32
        %dma_start3A_1782 = tpu.memref_slice %arg7[%add3A_1775, %dma_start3A_1781] : memref<65536x512xf32, #tpu.memory_space<hbm>> -> memref<16x512xf32, #tpu.memory_space<hbm>>
        tpu.enqueue_dma source(%dma_start3A_1782 : memref<16x512xf32, #tpu.memory_space<hbm>>) target(%arg18 : memref<16x512xf32, #tpu.memory_space<vmem>>) target_semaphore(%dma_start3A_1780 : memref<!tpu.dma_semaphore, #tpu.memory_space<semaphore_mem>>)
      } else {
      }
      %mul3A_287 = arith.constant 8 : i32
      %mul3A_288 = arith.muli %add3A_81, %mul3A_287 : i32
      %add3A_289 = arith.constant 1 : i32
      %add3A_290 = arith.addi %mul3A_288, %add3A_289 : i32
      %mul3A_291 = arith.constant 16 : i32
      %mul3A_292 = arith.muli %add3A_290, %mul3A_291 : i32
      %add3A_293 = arith.addi %mul3A_2, %mul3A_292 : i32
      %dma_wait3A_294 = arith.constant 1 : i32
      %dma_wait3A_295 = arith.constant 0 : i32
      %dma_wait3A_296 = tpu.memref_slice %arg7[%add3A_293, %dma_wait3A_295] : memref<65536x512xf32, #tpu.memory_space<hbm>> -> memref<16x512xf32, #tpu.memory_space<hbm>>
      %dma_wait3A_297 = tpu.memref_slice %arg22[%dma_wait3A_294] : memref<8x!tpu.dma_semaphore, #tpu.memory_space<semaphore_mem>> -> memref<1x!tpu.dma_semaphore, #tpu.memory_space<semaphore_mem>>
      %dma_wait3A_298 = tpu.memref_squeeze %dma_wait3A_297 : memref<1x!tpu.dma_semaphore, #tpu.memory_space<semaphore_mem>> -> memref<!tpu.dma_semaphore, #tpu.memory_space<semaphore_mem>>
      %dma_wait3A_299 = arith.constant 0 : i32
      %dma_wait3A_300 = tpu.memref_slice %arg7[%add3A_293, %dma_wait3A_299] : memref<65536x512xf32, #tpu.memory_space<hbm>> -> memref<16x512xf32, #tpu.memory_space<hbm>>
      tpu.wait_dma2 semaphore(%dma_wait3A_298 : memref<!tpu.dma_semaphore, #tpu.memory_space<semaphore_mem>>) src(%dma_wait3A_300 : memref<16x512xf32, #tpu.memory_space<hbm>>) dst(%arg15 : memref<16x512xf32, #tpu.memory_space<vmem>>)
      %mul3A_301 = arith.constant 16 : i32
      %mul3A_302 = arith.muli %add3A_290, %mul3A_301 : i32
      %add3A_303 = arith.addi %mul3A_2, %mul3A_302 : i32
      %get3A_304 = arith.constant 0 : index
      %get3A_305 = tpu.vector_load %arg9[%get3A_304] {strides = array<i32>} : memref<16xi32, #tpu.memory_space<vmem>>, vector<16xi32>,
      %get3A_306 = arith.constant 0 : index
      %get3A_307 = tpu.vector_load %arg10[%get3A_306] {strides = array<i32>} : memref<16xi32, #tpu.memory_space<vmem>>, vector<16xi32>,
      %get3A_308 = arith.constant 0 : index
      %get3A_309 = tpu.vector_load %arg11[%get3A_308] {strides = array<i32>} : memref<16xf32, #tpu.memory_space<vmem>>, vector<16xf32>,
      %get3A_310 = arith.constant 0 : index
      %get3A_311 = tpu.vector_load %arg12[%get3A_310] {strides = array<i32>} : memref<16xf32, #tpu.memory_space<vmem>>, vector<16xf32>,
      %convert_element_type3A_312 = arith.sitofp %add3A_303 : i32 to f32
      %broadcast_in_dim3A_313 = vector.broadcast %convert_element_type3A_312 : f32 to vector<16xf32>
      %get3A_314 = arith.constant 0 : index
      %get3A_315 = tpu.vector_load %arg13[%get3A_314] {strides = array<i32>} : memref<16xf32, #tpu.memory_space<vmem>>, vector<16xf32>,
      %add3A_316 = arith.addf %broadcast_in_dim3A_313, %get3A_315 : vector<16xf32>
      %add3A_317 = arith.constant 0.000000e+00 : f32
      %add3A_318 = vector.broadcast %add3A_317 : f32 to vector<16xf32>
      %add3A_319 = arith.addf %add3A_316, %add3A_318 : vector<16xf32>
      %mul3A_320 = arith.mulf %add3A_319, %get3A_309 : vector<16xf32>
      %mul3A_321 = arith.mulf %mul3A_320, %mul3A_320 : vector<16xf32>
      %mul3A_322 = arith.constant 0.00833333377 : f32
      %mul3A_323 = vector.broadcast %mul3A_322 : f32 to vector<16xf32>
      %mul3A_324 = arith.mulf %mul3A_321, %mul3A_323 : vector<16xf32>
      %sub3A_325 = arith.constant 0.166666672 : f32
      %sub3A_326 = vector.broadcast %sub3A_325 : f32 to vector<16xf32>
      %sub3A_327 = arith.subf %mul3A_324, %sub3A_326 : vector<16xf32>
      %mul3A_328 = arith.mulf %get3A_311, %mul3A_320 : vector<16xf32>
      %mul3A_329 = arith.mulf %mul3A_321, %sub3A_327 : vector<16xf32>
      %add3A_330 = arith.constant 1.000000e+00 : f32
      %add3A_331 = vector.broadcast %add3A_330 : f32 to vector<16xf32>
      %add3A_332 = arith.addf %mul3A_329, %add3A_331 : vector<16xf32>
      %mul3A_333 = arith.mulf %mul3A_328, %add3A_332 : vector<16xf32>
      %add3A_334 = arith.constant 0 : i32
      %add3A_335 = vector.broadcast %add3A_334 : i32 to vector<16xi32>
      %add3A_336 = arith.addi %get3A_307, %add3A_335 : vector<16xi32>
      tpu.vector_store_idx %arg15[%add3A_336, %get3A_305], %mul3A_333 {add = true} : memref<16x512xf32, #tpu.memory_space<vmem>>[vector<16xi32>, vector<16xi32>], vector<16xf32>,
      %add3A_337 = arith.constant 2.000000e+00 : f32
      %add3A_338 = vector.broadcast %add3A_337 : f32 to vector<16xf32>
      %add3A_339 = arith.addf %add3A_316, %add3A_338 : vector<16xf32>
      %mul3A_340 = arith.mulf %add3A_339, %get3A_309 : vector<16xf32>
      %mul3A_341 = arith.mulf %mul3A_340, %mul3A_340 : vector<16xf32>
      %mul3A_342 = arith.constant 0.00833333377 : f32
      %mul3A_343 = vector.broadcast %mul3A_342 : f32 to vector<16xf32>
      %mul3A_344 = arith.mulf %mul3A_341, %mul3A_343 : vector<16xf32>
      %sub3A_345 = arith.constant 0.166666672 : f32
      %sub3A_346 = vector.broadcast %sub3A_345 : f32 to vector<16xf32>
      %sub3A_347 = arith.subf %mul3A_344, %sub3A_346 : vector<16xf32>
      %mul3A_348 = arith.mulf %get3A_311, %mul3A_340 : vector<16xf32>
      %mul3A_349 = arith.mulf %mul3A_341, %sub3A_347 : vector<16xf32>
      %add3A_350 = arith.constant 1.000000e+00 : f32
      %add3A_351 = vector.broadcast %add3A_350 : f32 to vector<16xf32>
      %add3A_352 = arith.addf %mul3A_349, %add3A_351 : vector<16xf32>
      %mul3A_353 = arith.mulf %mul3A_348, %add3A_352 : vector<16xf32>
      %add3A_354 = arith.constant 2 : i32
      %add3A_355 = vector.broadcast %add3A_354 : i32 to vector<16xi32>
      %add3A_356 = arith.addi %get3A_307, %add3A_355 : vector<16xi32>
      tpu.vector_store_idx %arg15[%add3A_356, %get3A_305], %mul3A_353 {add = true} : memref<16x512xf32, #tpu.memory_space<vmem>>[vector<16xi32>, vector<16xi32>], vector<16xf32>,
      %add3A_357 = arith.constant 4.000000e+00 : f32
      %add3A_358 = vector.broadcast %add3A_357 : f32 to vector<16xf32>
      %add3A_359 = arith.addf %add3A_316, %add3A_358 : vector<16xf32>
      %mul3A_360 = arith.mulf %add3A_359, %get3A_309 : vector<16xf32>
      %mul3A_361 = arith.mulf %mul3A_360, %mul3A_360 : vector<16xf32>
      %mul3A_362 = arith.constant 0.00833333377 : f32
      %mul3A_363 = vector.broadcast %mul3A_362 : f32 to vector<16xf32>
      %mul3A_364 = arith.mulf %mul3A_361, %mul3A_363 : vector<16xf32>
      %sub3A_365 = arith.constant 0.166666672 : f32
      %sub3A_366 = vector.broadcast %sub3A_365 : f32 to vector<16xf32>
      %sub3A_367 = arith.subf %mul3A_364, %sub3A_366 : vector<16xf32>
      %mul3A_368 = arith.mulf %get3A_311, %mul3A_360 : vector<16xf32>
      %mul3A_369 = arith.mulf %mul3A_361, %sub3A_367 : vector<16xf32>
      %add3A_370 = arith.constant 1.000000e+00 : f32
      %add3A_371 = vector.broadcast %add3A_370 : f32 to vector<16xf32>
      %add3A_372 = arith.addf %mul3A_369, %add3A_371 : vector<16xf32>
      %mul3A_373 = arith.mulf %mul3A_368, %add3A_372 : vector<16xf32>
      %add3A_374 = arith.constant 4 : i32
      %add3A_375 = vector.broadcast %add3A_374 : i32 to vector<16xi32>
      %add3A_376 = arith.addi %get3A_307, %add3A_375 : vector<16xi32>
      tpu.vector_store_idx %arg15[%add3A_376, %get3A_305], %mul3A_373 {add = true} : memref<16x512xf32, #tpu.memory_space<vmem>>[vector<16xi32>, vector<16xi32>], vector<16xf32>,
      %add3A_377 = arith.constant 6.000000e+00 : f32
      %add3A_378 = vector.broadcast %add3A_377 : f32 to vector<16xf32>
      %add3A_379 = arith.addf %add3A_316, %add3A_378 : vector<16xf32>
      %mul3A_380 = arith.mulf %add3A_379, %get3A_309 : vector<16xf32>
      %mul3A_381 = arith.mulf %mul3A_380, %mul3A_380 : vector<16xf32>
      %mul3A_382 = arith.constant 0.00833333377 : f32
      %mul3A_383 = vector.broadcast %mul3A_382 : f32 to vector<16xf32>
      %mul3A_384 = arith.mulf %mul3A_381, %mul3A_383 : vector<16xf32>
      %sub3A_385 = arith.constant 0.166666672 : f32
      %sub3A_386 = vector.broadcast %sub3A_385 : f32 to vector<16xf32>
      %sub3A_387 = arith.subf %mul3A_384, %sub3A_386 : vector<16xf32>
      %mul3A_388 = arith.mulf %get3A_311, %mul3A_380 : vector<16xf32>
      %mul3A_389 = arith.mulf %mul3A_381, %sub3A_387 : vector<16xf32>
      %add3A_390 = arith.constant 1.000000e+00 : f32
      %add3A_391 = vector.broadcast %add3A_390 : f32 to vector<16xf32>
      %add3A_392 = arith.addf %mul3A_389, %add3A_391 : vector<16xf32>
      %mul3A_393 = arith.mulf %mul3A_388, %add3A_392 : vector<16xf32>
      %add3A_394 = arith.constant 6 : i32
      %add3A_395 = vector.broadcast %add3A_394 : i32 to vector<16xi32>
      %add3A_396 = arith.addi %get3A_307, %add3A_395 : vector<16xi32>
      tpu.vector_store_idx %arg15[%add3A_396, %get3A_305], %mul3A_393 {add = true} : memref<16x512xf32, #tpu.memory_space<vmem>>[vector<16xi32>, vector<16xi32>], vector<16xf32>,
      %add3A_397 = arith.constant 8.000000e+00 : f32
      %add3A_398 = vector.broadcast %add3A_397 : f32 to vector<16xf32>
      %add3A_399 = arith.addf %add3A_316, %add3A_398 : vector<16xf32>
      %mul3A_400 = arith.mulf %add3A_399, %get3A_309 : vector<16xf32>
      %mul3A_401 = arith.mulf %mul3A_400, %mul3A_400 : vector<16xf32>
      %mul3A_402 = arith.constant 0.00833333377 : f32
      %mul3A_403 = vector.broadcast %mul3A_402 : f32 to vector<16xf32>
      %mul3A_404 = arith.mulf %mul3A_401, %mul3A_403 : vector<16xf32>
      %sub3A_405 = arith.constant 0.166666672 : f32
      %sub3A_406 = vector.broadcast %sub3A_405 : f32 to vector<16xf32>
      %sub3A_407 = arith.subf %mul3A_404, %sub3A_406 : vector<16xf32>
      %mul3A_408 = arith.mulf %get3A_311, %mul3A_400 : vector<16xf32>
      %mul3A_409 = arith.mulf %mul3A_401, %sub3A_407 : vector<16xf32>
      %add3A_410 = arith.constant 1.000000e+00 : f32
      %add3A_411 = vector.broadcast %add3A_410 : f32 to vector<16xf32>
      %add3A_412 = arith.addf %mul3A_409, %add3A_411 : vector<16xf32>
      %mul3A_413 = arith.mulf %mul3A_408, %add3A_412 : vector<16xf32>
      %add3A_414 = arith.constant 8 : i32
      %add3A_415 = vector.broadcast %add3A_414 : i32 to vector<16xi32>
      %add3A_416 = arith.addi %get3A_307, %add3A_415 : vector<16xi32>
      tpu.vector_store_idx %arg15[%add3A_416, %get3A_305], %mul3A_413 {add = true} : memref<16x512xf32, #tpu.memory_space<vmem>>[vector<16xi32>, vector<16xi32>], vector<16xf32>,
      %add3A_417 = arith.constant 1.000000e+01 : f32
      %add3A_418 = vector.broadcast %add3A_417 : f32 to vector<16xf32>
      %add3A_419 = arith.addf %add3A_316, %add3A_418 : vector<16xf32>
      %mul3A_420 = arith.mulf %add3A_419, %get3A_309 : vector<16xf32>
      %mul3A_421 = arith.mulf %mul3A_420, %mul3A_420 : vector<16xf32>
      %mul3A_422 = arith.constant 0.00833333377 : f32
      %mul3A_423 = vector.broadcast %mul3A_422 : f32 to vector<16xf32>
      %mul3A_424 = arith.mulf %mul3A_421, %mul3A_423 : vector<16xf32>
      %sub3A_425 = arith.constant 0.166666672 : f32
      %sub3A_426 = vector.broadcast %sub3A_425 : f32 to vector<16xf32>
      %sub3A_427 = arith.subf %mul3A_424, %sub3A_426 : vector<16xf32>
      %mul3A_428 = arith.mulf %get3A_311, %mul3A_420 : vector<16xf32>
      %mul3A_429 = arith.mulf %mul3A_421, %sub3A_427 : vector<16xf32>
      %add3A_430 = arith.constant 1.000000e+00 : f32
      %add3A_431 = vector.broadcast %add3A_430 : f32 to vector<16xf32>
      %add3A_432 = arith.addf %mul3A_429, %add3A_431 : vector<16xf32>
      %mul3A_433 = arith.mulf %mul3A_428, %add3A_432 : vector<16xf32>
      %add3A_434 = arith.constant 10 : i32
      %add3A_435 = vector.broadcast %add3A_434 : i32 to vector<16xi32>
      %add3A_436 = arith.addi %get3A_307, %add3A_435 : vector<16xi32>
      tpu.vector_store_idx %arg15[%add3A_436, %get3A_305], %mul3A_433 {add = true} : memref<16x512xf32, #tpu.memory_space<vmem>>[vector<16xi32>, vector<16xi32>], vector<16xf32>,
      %add3A_437 = arith.constant 1.200000e+01 : f32
      %add3A_438 = vector.broadcast %add3A_437 : f32 to vector<16xf32>
      %add3A_439 = arith.addf %add3A_316, %add3A_438 : vector<16xf32>
      %mul3A_440 = arith.mulf %add3A_439, %get3A_309 : vector<16xf32>
      %mul3A_441 = arith.mulf %mul3A_440, %mul3A_440 : vector<16xf32>
      %mul3A_442 = arith.constant 0.00833333377 : f32
      %mul3A_443 = vector.broadcast %mul3A_442 : f32 to vector<16xf32>
      %mul3A_444 = arith.mulf %mul3A_441, %mul3A_443 : vector<16xf32>
      %sub3A_445 = arith.constant 0.166666672 : f32
      %sub3A_446 = vector.broadcast %sub3A_445 : f32 to vector<16xf32>
      %sub3A_447 = arith.subf %mul3A_444, %sub3A_446 : vector<16xf32>
      %mul3A_448 = arith.mulf %get3A_311, %mul3A_440 : vector<16xf32>
      %mul3A_449 = arith.mulf %mul3A_441, %sub3A_447 : vector<16xf32>
      %add3A_450 = arith.constant 1.000000e+00 : f32
      %add3A_451 = vector.broadcast %add3A_450 : f32 to vector<16xf32>
      %add3A_452 = arith.addf %mul3A_449, %add3A_451 : vector<16xf32>
      %mul3A_453 = arith.mulf %mul3A_448, %add3A_452 : vector<16xf32>
      %add3A_454 = arith.constant 12 : i32
      %add3A_455 = vector.broadcast %add3A_454 : i32 to vector<16xi32>
      %add3A_456 = arith.addi %get3A_307, %add3A_455 : vector<16xi32>
      tpu.vector_store_idx %arg15[%add3A_456, %get3A_305], %mul3A_453 {add = true} : memref<16x512xf32, #tpu.memory_space<vmem>>[vector<16xi32>, vector<16xi32>], vector<16xf32>,
      %add3A_457 = arith.constant 1.400000e+01 : f32
      %add3A_458 = vector.broadcast %add3A_457 : f32 to vector<16xf32>
      %add3A_459 = arith.addf %add3A_316, %add3A_458 : vector<16xf32>
      %mul3A_460 = arith.mulf %add3A_459, %get3A_309 : vector<16xf32>
      %mul3A_461 = arith.mulf %mul3A_460, %mul3A_460 : vector<16xf32>
      %mul3A_462 = arith.constant 0.00833333377 : f32
      %mul3A_463 = vector.broadcast %mul3A_462 : f32 to vector<16xf32>
      %mul3A_464 = arith.mulf %mul3A_461, %mul3A_463 : vector<16xf32>
      %sub3A_465 = arith.constant 0.166666672 : f32
      %sub3A_466 = vector.broadcast %sub3A_465 : f32 to vector<16xf32>
      %sub3A_467 = arith.subf %mul3A_464, %sub3A_466 : vector<16xf32>
      %mul3A_468 = arith.mulf %get3A_311, %mul3A_460 : vector<16xf32>
      %mul3A_469 = arith.mulf %mul3A_461, %sub3A_467 : vector<16xf32>
      %add3A_470 = arith.constant 1.000000e+00 : f32
      %add3A_471 = vector.broadcast %add3A_470 : f32 to vector<16xf32>
      %add3A_472 = arith.addf %mul3A_469, %add3A_471 : vector<16xf32>
      %mul3A_473 = arith.mulf %mul3A_468, %add3A_472 : vector<16xf32>
      %add3A_474 = arith.constant 14 : i32
      %add3A_475 = vector.broadcast %add3A_474 : i32 to vector<16xi32>
      %add3A_476 = arith.addi %get3A_307, %add3A_475 : vector<16xi32>
      tpu.vector_store_idx %arg15[%add3A_476, %get3A_305], %mul3A_473 {add = true} : memref<16x512xf32, #tpu.memory_space<vmem>>[vector<16xi32>, vector<16xi32>], vector<16xf32>,
      %mul3A_477 = arith.constant 16 : i32
      %mul3A_478 = arith.muli %add3A_290, %mul3A_477 : i32
      %add3A_479 = arith.addi %mul3A_2, %mul3A_478 : i32
      %dma_start3A_480 = arith.constant 1 : i32
      %dma_start3A_481 = arith.constant 0 : i32
      %dma_start3A_482 = tpu.memref_slice %arg8[%add3A_479, %dma_start3A_481] : memref<65536x512xf32, #tpu.memory_space<hbm>> -> memref<16x512xf32, #tpu.memory_space<hbm>>
      %dma_start3A_483 = tpu.memref_slice %arg23[%dma_start3A_480] : memref<8x!tpu.dma_semaphore, #tpu.memory_space<semaphore_mem>> -> memref<1x!tpu.dma_semaphore, #tpu.memory_space<semaphore_mem>>
      %dma_start3A_484 = tpu.memref_squeeze %dma_start3A_483 : memref<1x!tpu.dma_semaphore, #tpu.memory_space<semaphore_mem>> -> memref<!tpu.dma_semaphore, #tpu.memory_space<semaphore_mem>>
      %dma_start3A_485 = arith.constant 0 : i32
      %dma_start3A_486 = tpu.memref_slice %arg8[%add3A_479, %dma_start3A_485] : memref<65536x512xf32, #tpu.memory_space<hbm>> -> memref<16x512xf32, #tpu.memory_space<hbm>>
      tpu.enqueue_dma source(%arg15 : memref<16x512xf32, #tpu.memory_space<vmem>>) target(%dma_start3A_486 : memref<16x512xf32, #tpu.memory_space<hbm>>) target_semaphore(%dma_start3A_484 : memref<!tpu.dma_semaphore, #tpu.memory_space<semaphore_mem>>)
      %ge3A_487 = arith.constant 4 : i32
      %ge3A_488 = arith.cmpi sge, %add3A_290, %ge3A_487 : i32
      %convert_element_type3A_489 = arith.extui %ge3A_488 : i1 to i32
      %cond3A_490 = arith.constant 0 : i32
      %cond3A_491 = arith.cmpi ne, %convert_element_type3A_489, %cond3A_490 : i32
      scf.if %cond3A_491 {
        %sub3A_1771 = arith.constant 4 : i32
        %sub3A_1772 = arith.subi %add3A_290, %sub3A_1771 : i32
        %mul3A_1773 = arith.constant 16 : i32
        %mul3A_1774 = arith.muli %sub3A_1772, %mul3A_1773 : i32
        %add3A_1775 = arith.addi %mul3A_2, %mul3A_1774 : i32
        %dma_wait3A_1776 = arith.constant 5 : i32
        %dma_wait3A_1777 = arith.constant 0 : i32
        %dma_wait3A_1778 = tpu.memref_slice %arg8[%add3A_1775, %dma_wait3A_1777] : memref<65536x512xf32, #tpu.memory_space<hbm>> -> memref<16x512xf32, #tpu.memory_space<hbm>>
        %dma_wait3A_1779 = tpu.memref_slice %arg23[%dma_wait3A_1776] : memref<8x!tpu.dma_semaphore, #tpu.memory_space<semaphore_mem>> -> memref<1x!tpu.dma_semaphore, #tpu.memory_space<semaphore_mem>>
        %dma_wait3A_1780 = tpu.memref_squeeze %dma_wait3A_1779 : memref<1x!tpu.dma_semaphore, #tpu.memory_space<semaphore_mem>> -> memref<!tpu.dma_semaphore, #tpu.memory_space<semaphore_mem>>
        %dma_wait3A_1781 = arith.constant 0 : i32
        %dma_wait3A_1782 = tpu.memref_slice %arg8[%add3A_1775, %dma_wait3A_1781] : memref<65536x512xf32, #tpu.memory_space<hbm>> -> memref<16x512xf32, #tpu.memory_space<hbm>>
        tpu.wait_dma2 semaphore(%dma_wait3A_1780 : memref<!tpu.dma_semaphore, #tpu.memory_space<semaphore_mem>>) src(%arg19 : memref<16x512xf32, #tpu.memory_space<vmem>>) dst(%dma_wait3A_1782 : memref<16x512xf32, #tpu.memory_space<hbm>>)
      } else {
      }
      %add3A_492 = arith.constant 4 : i32
      %add3A_493 = arith.addi %add3A_290, %add3A_492 : i32
      %lt3A_494 = arith.constant 128 : i32
      %lt3A_495 = arith.cmpi slt, %add3A_493, %lt3A_494 : i32
      %convert_element_type3A_496 = arith.extui %lt3A_495 : i1 to i32
      %cond3A_497 = arith.constant 0 : i32
      %cond3A_498 = arith.cmpi ne, %convert_element_type3A_496, %cond3A_497 : i32
      scf.if %cond3A_498 {
        %add3A_1771 = arith.constant 4 : i32
        %add3A_1772 = arith.addi %add3A_290, %add3A_1771 : i32
        %mul3A_1773 = arith.constant 16 : i32
        %mul3A_1774 = arith.muli %add3A_1772, %mul3A_1773 : i32
        %add3A_1775 = arith.addi %mul3A_2, %mul3A_1774 : i32
        %dma_start3A_1776 = arith.constant 5 : i32
        %dma_start3A_1777 = arith.constant 0 : i32
        %dma_start3A_1778 = tpu.memref_slice %arg7[%add3A_1775, %dma_start3A_1777] : memref<65536x512xf32, #tpu.memory_space<hbm>> -> memref<16x512xf32, #tpu.memory_space<hbm>>
        %dma_start3A_1779 = tpu.memref_slice %arg22[%dma_start3A_1776] : memref<8x!tpu.dma_semaphore, #tpu.memory_space<semaphore_mem>> -> memref<1x!tpu.dma_semaphore, #tpu.memory_space<semaphore_mem>>
        %dma_start3A_1780 = tpu.memref_squeeze %dma_start3A_1779 : memref<1x!tpu.dma_semaphore, #tpu.memory_space<semaphore_mem>> -> memref<!tpu.dma_semaphore, #tpu.memory_space<semaphore_mem>>
        %dma_start3A_1781 = arith.constant 0 : i32
        %dma_start3A_1782 = tpu.memref_slice %arg7[%add3A_1775, %dma_start3A_1781] : memref<65536x512xf32, #tpu.memory_space<hbm>> -> memref<16x512xf32, #tpu.memory_space<hbm>>
        tpu.enqueue_dma source(%dma_start3A_1782 : memref<16x512xf32, #tpu.memory_space<hbm>>) target(%arg19 : memref<16x512xf32, #tpu.memory_space<vmem>>) target_semaphore(%dma_start3A_1780 : memref<!tpu.dma_semaphore, #tpu.memory_space<semaphore_mem>>)
      } else {
      }
      %mul3A_499 = arith.constant 8 : i32
      %mul3A_500 = arith.muli %add3A_81, %mul3A_499 : i32
      %add3A_501 = arith.constant 2 : i32
      %add3A_502 = arith.addi %mul3A_500, %add3A_501 : i32
      %mul3A_503 = arith.constant 16 : i32
      %mul3A_504 = arith.muli %add3A_502, %mul3A_503 : i32
      %add3A_505 = arith.addi %mul3A_2, %mul3A_504 : i32
      %dma_wait3A_506 = arith.constant 2 : i32
      %dma_wait3A_507 = arith.constant 0 : i32
      %dma_wait3A_508 = tpu.memref_slice %arg7[%add3A_505, %dma_wait3A_507] : memref<65536x512xf32, #tpu.memory_space<hbm>> -> memref<16x512xf32, #tpu.memory_space<hbm>>
      %dma_wait3A_509 = tpu.memref_slice %arg22[%dma_wait3A_506] : memref<8x!tpu.dma_semaphore, #tpu.memory_space<semaphore_mem>> -> memref<1x!tpu.dma_semaphore, #tpu.memory_space<semaphore_mem>>
      %dma_wait3A_510 = tpu.memref_squeeze %dma_wait3A_509 : memref<1x!tpu.dma_semaphore, #tpu.memory_space<semaphore_mem>> -> memref<!tpu.dma_semaphore, #tpu.memory_space<semaphore_mem>>
      %dma_wait3A_511 = arith.constant 0 : i32
      %dma_wait3A_512 = tpu.memref_slice %arg7[%add3A_505, %dma_wait3A_511] : memref<65536x512xf32, #tpu.memory_space<hbm>> -> memref<16x512xf32, #tpu.memory_space<hbm>>
      tpu.wait_dma2 semaphore(%dma_wait3A_510 : memref<!tpu.dma_semaphore, #tpu.memory_space<semaphore_mem>>) src(%dma_wait3A_512 : memref<16x512xf32, #tpu.memory_space<hbm>>) dst(%arg16 : memref<16x512xf32, #tpu.memory_space<vmem>>)
      %mul3A_513 = arith.constant 16 : i32
      %mul3A_514 = arith.muli %add3A_502, %mul3A_513 : i32
      %add3A_515 = arith.addi %mul3A_2, %mul3A_514 : i32
      %get3A_516 = arith.constant 0 : index
      %get3A_517 = tpu.vector_load %arg9[%get3A_516] {strides = array<i32>} : memref<16xi32, #tpu.memory_space<vmem>>, vector<16xi32>,
      %get3A_518 = arith.constant 0 : index
      %get3A_519 = tpu.vector_load %arg10[%get3A_518] {strides = array<i32>} : memref<16xi32, #tpu.memory_space<vmem>>, vector<16xi32>,
      %get3A_520 = arith.constant 0 : index
      %get3A_521 = tpu.vector_load %arg11[%get3A_520] {strides = array<i32>} : memref<16xf32, #tpu.memory_space<vmem>>, vector<16xf32>,
      %get3A_522 = arith.constant 0 : index
      %get3A_523 = tpu.vector_load %arg12[%get3A_522] {strides = array<i32>} : memref<16xf32, #tpu.memory_space<vmem>>, vector<16xf32>,
      %convert_element_type3A_524 = arith.sitofp %add3A_515 : i32 to f32
      %broadcast_in_dim3A_525 = vector.broadcast %convert_element_type3A_524 : f32 to vector<16xf32>
      %get3A_526 = arith.constant 0 : index
      %get3A_527 = tpu.vector_load %arg13[%get3A_526] {strides = array<i32>} : memref<16xf32, #tpu.memory_space<vmem>>, vector<16xf32>,
      %add3A_528 = arith.addf %broadcast_in_dim3A_525, %get3A_527 : vector<16xf32>
      %add3A_529 = arith.constant 0.000000e+00 : f32
      %add3A_530 = vector.broadcast %add3A_529 : f32 to vector<16xf32>
      %add3A_531 = arith.addf %add3A_528, %add3A_530 : vector<16xf32>
      %mul3A_532 = arith.mulf %add3A_531, %get3A_521 : vector<16xf32>
      %mul3A_533 = arith.mulf %mul3A_532, %mul3A_532 : vector<16xf32>
      %mul3A_534 = arith.constant 0.00833333377 : f32
      %mul3A_535 = vector.broadcast %mul3A_534 : f32 to vector<16xf32>
      %mul3A_536 = arith.mulf %mul3A_533, %mul3A_535 : vector<16xf32>
      %sub3A_537 = arith.constant 0.166666672 : f32
      %sub3A_538 = vector.broadcast %sub3A_537 : f32 to vector<16xf32>
      %sub3A_539 = arith.subf %mul3A_536, %sub3A_538 : vector<16xf32>
      %mul3A_540 = arith.mulf %get3A_523, %mul3A_532 : vector<16xf32>
      %mul3A_541 = arith.mulf %mul3A_533, %sub3A_539 : vector<16xf32>
      %add3A_542 = arith.constant 1.000000e+00 : f32
      %add3A_543 = vector.broadcast %add3A_542 : f32 to vector<16xf32>
      %add3A_544 = arith.addf %mul3A_541, %add3A_543 : vector<16xf32>
      %mul3A_545 = arith.mulf %mul3A_540, %add3A_544 : vector<16xf32>
      %add3A_546 = arith.constant 0 : i32
      %add3A_547 = vector.broadcast %add3A_546 : i32 to vector<16xi32>
      %add3A_548 = arith.addi %get3A_519, %add3A_547 : vector<16xi32>
      tpu.vector_store_idx %arg16[%add3A_548, %get3A_517], %mul3A_545 {add = true} : memref<16x512xf32, #tpu.memory_space<vmem>>[vector<16xi32>, vector<16xi32>], vector<16xf32>,
      %add3A_549 = arith.constant 2.000000e+00 : f32
      %add3A_550 = vector.broadcast %add3A_549 : f32 to vector<16xf32>
      %add3A_551 = arith.addf %add3A_528, %add3A_550 : vector<16xf32>
      %mul3A_552 = arith.mulf %add3A_551, %get3A_521 : vector<16xf32>
      %mul3A_553 = arith.mulf %mul3A_552, %mul3A_552 : vector<16xf32>
      %mul3A_554 = arith.constant 0.00833333377 : f32
      %mul3A_555 = vector.broadcast %mul3A_554 : f32 to vector<16xf32>
      %mul3A_556 = arith.mulf %mul3A_553, %mul3A_555 : vector<16xf32>
      %sub3A_557 = arith.constant 0.166666672 : f32
      %sub3A_558 = vector.broadcast %sub3A_557 : f32 to vector<16xf32>
      %sub3A_559 = arith.subf %mul3A_556, %sub3A_558 : vector<16xf32>
      %mul3A_560 = arith.mulf %get3A_523, %mul3A_552 : vector<16xf32>
      %mul3A_561 = arith.mulf %mul3A_553, %sub3A_559 : vector<16xf32>
      %add3A_562 = arith.constant 1.000000e+00 : f32
      %add3A_563 = vector.broadcast %add3A_562 : f32 to vector<16xf32>
      %add3A_564 = arith.addf %mul3A_561, %add3A_563 : vector<16xf32>
      %mul3A_565 = arith.mulf %mul3A_560, %add3A_564 : vector<16xf32>
      %add3A_566 = arith.constant 2 : i32
      %add3A_567 = vector.broadcast %add3A_566 : i32 to vector<16xi32>
      %add3A_568 = arith.addi %get3A_519, %add3A_567 : vector<16xi32>
      tpu.vector_store_idx %arg16[%add3A_568, %get3A_517], %mul3A_565 {add = true} : memref<16x512xf32, #tpu.memory_space<vmem>>[vector<16xi32>, vector<16xi32>], vector<16xf32>,
      %add3A_569 = arith.constant 4.000000e+00 : f32
      %add3A_570 = vector.broadcast %add3A_569 : f32 to vector<16xf32>
      %add3A_571 = arith.addf %add3A_528, %add3A_570 : vector<16xf32>
      %mul3A_572 = arith.mulf %add3A_571, %get3A_521 : vector<16xf32>
      %mul3A_573 = arith.mulf %mul3A_572, %mul3A_572 : vector<16xf32>
      %mul3A_574 = arith.constant 0.00833333377 : f32
      %mul3A_575 = vector.broadcast %mul3A_574 : f32 to vector<16xf32>
      %mul3A_576 = arith.mulf %mul3A_573, %mul3A_575 : vector<16xf32>
      %sub3A_577 = arith.constant 0.166666672 : f32
      %sub3A_578 = vector.broadcast %sub3A_577 : f32 to vector<16xf32>
      %sub3A_579 = arith.subf %mul3A_576, %sub3A_578 : vector<16xf32>
      %mul3A_580 = arith.mulf %get3A_523, %mul3A_572 : vector<16xf32>
      %mul3A_581 = arith.mulf %mul3A_573, %sub3A_579 : vector<16xf32>
      %add3A_582 = arith.constant 1.000000e+00 : f32
      %add3A_583 = vector.broadcast %add3A_582 : f32 to vector<16xf32>
      %add3A_584 = arith.addf %mul3A_581, %add3A_583 : vector<16xf32>
      %mul3A_585 = arith.mulf %mul3A_580, %add3A_584 : vector<16xf32>
      %add3A_586 = arith.constant 4 : i32
      %add3A_587 = vector.broadcast %add3A_586 : i32 to vector<16xi32>
      %add3A_588 = arith.addi %get3A_519, %add3A_587 : vector<16xi32>
      tpu.vector_store_idx %arg16[%add3A_588, %get3A_517], %mul3A_585 {add = true} : memref<16x512xf32, #tpu.memory_space<vmem>>[vector<16xi32>, vector<16xi32>], vector<16xf32>,
      %add3A_589 = arith.constant 6.000000e+00 : f32
      %add3A_590 = vector.broadcast %add3A_589 : f32 to vector<16xf32>
      %add3A_591 = arith.addf %add3A_528, %add3A_590 : vector<16xf32>
      %mul3A_592 = arith.mulf %add3A_591, %get3A_521 : vector<16xf32>
      %mul3A_593 = arith.mulf %mul3A_592, %mul3A_592 : vector<16xf32>
      %mul3A_594 = arith.constant 0.00833333377 : f32
      %mul3A_595 = vector.broadcast %mul3A_594 : f32 to vector<16xf32>
      %mul3A_596 = arith.mulf %mul3A_593, %mul3A_595 : vector<16xf32>
      %sub3A_597 = arith.constant 0.166666672 : f32
      %sub3A_598 = vector.broadcast %sub3A_597 : f32 to vector<16xf32>
      %sub3A_599 = arith.subf %mul3A_596, %sub3A_598 : vector<16xf32>
      %mul3A_600 = arith.mulf %get3A_523, %mul3A_592 : vector<16xf32>
      %mul3A_601 = arith.mulf %mul3A_593, %sub3A_599 : vector<16xf32>
      %add3A_602 = arith.constant 1.000000e+00 : f32
      %add3A_603 = vector.broadcast %add3A_602 : f32 to vector<16xf32>
      %add3A_604 = arith.addf %mul3A_601, %add3A_603 : vector<16xf32>
      %mul3A_605 = arith.mulf %mul3A_600, %add3A_604 : vector<16xf32>
      %add3A_606 = arith.constant 6 : i32
      %add3A_607 = vector.broadcast %add3A_606 : i32 to vector<16xi32>
      %add3A_608 = arith.addi %get3A_519, %add3A_607 : vector<16xi32>
      tpu.vector_store_idx %arg16[%add3A_608, %get3A_517], %mul3A_605 {add = true} : memref<16x512xf32, #tpu.memory_space<vmem>>[vector<16xi32>, vector<16xi32>], vector<16xf32>,
      %add3A_609 = arith.constant 8.000000e+00 : f32
      %add3A_610 = vector.broadcast %add3A_609 : f32 to vector<16xf32>
      %add3A_611 = arith.addf %add3A_528, %add3A_610 : vector<16xf32>
      %mul3A_612 = arith.mulf %add3A_611, %get3A_521 : vector<16xf32>
      %mul3A_613 = arith.mulf %mul3A_612, %mul3A_612 : vector<16xf32>
      %mul3A_614 = arith.constant 0.00833333377 : f32
      %mul3A_615 = vector.broadcast %mul3A_614 : f32 to vector<16xf32>
      %mul3A_616 = arith.mulf %mul3A_613, %mul3A_615 : vector<16xf32>
      %sub3A_617 = arith.constant 0.166666672 : f32
      %sub3A_618 = vector.broadcast %sub3A_617 : f32 to vector<16xf32>
      %sub3A_619 = arith.subf %mul3A_616, %sub3A_618 : vector<16xf32>
      %mul3A_620 = arith.mulf %get3A_523, %mul3A_612 : vector<16xf32>
      %mul3A_621 = arith.mulf %mul3A_613, %sub3A_619 : vector<16xf32>
      %add3A_622 = arith.constant 1.000000e+00 : f32
      %add3A_623 = vector.broadcast %add3A_622 : f32 to vector<16xf32>
      %add3A_624 = arith.addf %mul3A_621, %add3A_623 : vector<16xf32>
      %mul3A_625 = arith.mulf %mul3A_620, %add3A_624 : vector<16xf32>
      %add3A_626 = arith.constant 8 : i32
      %add3A_627 = vector.broadcast %add3A_626 : i32 to vector<16xi32>
      %add3A_628 = arith.addi %get3A_519, %add3A_627 : vector<16xi32>
      tpu.vector_store_idx %arg16[%add3A_628, %get3A_517], %mul3A_625 {add = true} : memref<16x512xf32, #tpu.memory_space<vmem>>[vector<16xi32>, vector<16xi32>], vector<16xf32>,
      %add3A_629 = arith.constant 1.000000e+01 : f32
      %add3A_630 = vector.broadcast %add3A_629 : f32 to vector<16xf32>
      %add3A_631 = arith.addf %add3A_528, %add3A_630 : vector<16xf32>
      %mul3A_632 = arith.mulf %add3A_631, %get3A_521 : vector<16xf32>
      %mul3A_633 = arith.mulf %mul3A_632, %mul3A_632 : vector<16xf32>
      %mul3A_634 = arith.constant 0.00833333377 : f32
      %mul3A_635 = vector.broadcast %mul3A_634 : f32 to vector<16xf32>
      %mul3A_636 = arith.mulf %mul3A_633, %mul3A_635 : vector<16xf32>
      %sub3A_637 = arith.constant 0.166666672 : f32
      %sub3A_638 = vector.broadcast %sub3A_637 : f32 to vector<16xf32>
      %sub3A_639 = arith.subf %mul3A_636, %sub3A_638 : vector<16xf32>
      %mul3A_640 = arith.mulf %get3A_523, %mul3A_632 : vector<16xf32>
      %mul3A_641 = arith.mulf %mul3A_633, %sub3A_639 : vector<16xf32>
      %add3A_642 = arith.constant 1.000000e+00 : f32
      %add3A_643 = vector.broadcast %add3A_642 : f32 to vector<16xf32>
      %add3A_644 = arith.addf %mul3A_641, %add3A_643 : vector<16xf32>
      %mul3A_645 = arith.mulf %mul3A_640, %add3A_644 : vector<16xf32>
      %add3A_646 = arith.constant 10 : i32
      %add3A_647 = vector.broadcast %add3A_646 : i32 to vector<16xi32>
      %add3A_648 = arith.addi %get3A_519, %add3A_647 : vector<16xi32>
      tpu.vector_store_idx %arg16[%add3A_648, %get3A_517], %mul3A_645 {add = true} : memref<16x512xf32, #tpu.memory_space<vmem>>[vector<16xi32>, vector<16xi32>], vector<16xf32>,
      %add3A_649 = arith.constant 1.200000e+01 : f32
      %add3A_650 = vector.broadcast %add3A_649 : f32 to vector<16xf32>
      %add3A_651 = arith.addf %add3A_528, %add3A_650 : vector<16xf32>
      %mul3A_652 = arith.mulf %add3A_651, %get3A_521 : vector<16xf32>
      %mul3A_653 = arith.mulf %mul3A_652, %mul3A_652 : vector<16xf32>
      %mul3A_654 = arith.constant 0.00833333377 : f32
      %mul3A_655 = vector.broadcast %mul3A_654 : f32 to vector<16xf32>
      %mul3A_656 = arith.mulf %mul3A_653, %mul3A_655 : vector<16xf32>
      %sub3A_657 = arith.constant 0.166666672 : f32
      %sub3A_658 = vector.broadcast %sub3A_657 : f32 to vector<16xf32>
      %sub3A_659 = arith.subf %mul3A_656, %sub3A_658 : vector<16xf32>
      %mul3A_660 = arith.mulf %get3A_523, %mul3A_652 : vector<16xf32>
      %mul3A_661 = arith.mulf %mul3A_653, %sub3A_659 : vector<16xf32>
      %add3A_662 = arith.constant 1.000000e+00 : f32
      %add3A_663 = vector.broadcast %add3A_662 : f32 to vector<16xf32>
      %add3A_664 = arith.addf %mul3A_661, %add3A_663 : vector<16xf32>
      %mul3A_665 = arith.mulf %mul3A_660, %add3A_664 : vector<16xf32>
      %add3A_666 = arith.constant 12 : i32
      %add3A_667 = vector.broadcast %add3A_666 : i32 to vector<16xi32>
      %add3A_668 = arith.addi %get3A_519, %add3A_667 : vector<16xi32>
      tpu.vector_store_idx %arg16[%add3A_668, %get3A_517], %mul3A_665 {add = true} : memref<16x512xf32, #tpu.memory_space<vmem>>[vector<16xi32>, vector<16xi32>], vector<16xf32>,
      %add3A_669 = arith.constant 1.400000e+01 : f32
      %add3A_670 = vector.broadcast %add3A_669 : f32 to vector<16xf32>
      %add3A_671 = arith.addf %add3A_528, %add3A_670 : vector<16xf32>
      %mul3A_672 = arith.mulf %add3A_671, %get3A_521 : vector<16xf32>
      %mul3A_673 = arith.mulf %mul3A_672, %mul3A_672 : vector<16xf32>
      %mul3A_674 = arith.constant 0.00833333377 : f32
      %mul3A_675 = vector.broadcast %mul3A_674 : f32 to vector<16xf32>
      %mul3A_676 = arith.mulf %mul3A_673, %mul3A_675 : vector<16xf32>
      %sub3A_677 = arith.constant 0.166666672 : f32
      %sub3A_678 = vector.broadcast %sub3A_677 : f32 to vector<16xf32>
      %sub3A_679 = arith.subf %mul3A_676, %sub3A_678 : vector<16xf32>
      %mul3A_680 = arith.mulf %get3A_523, %mul3A_672 : vector<16xf32>
      %mul3A_681 = arith.mulf %mul3A_673, %sub3A_679 : vector<16xf32>
      %add3A_682 = arith.constant 1.000000e+00 : f32
      %add3A_683 = vector.broadcast %add3A_682 : f32 to vector<16xf32>
      %add3A_684 = arith.addf %mul3A_681, %add3A_683 : vector<16xf32>
      %mul3A_685 = arith.mulf %mul3A_680, %add3A_684 : vector<16xf32>
      %add3A_686 = arith.constant 14 : i32
      %add3A_687 = vector.broadcast %add3A_686 : i32 to vector<16xi32>
      %add3A_688 = arith.addi %get3A_519, %add3A_687 : vector<16xi32>
      tpu.vector_store_idx %arg16[%add3A_688, %get3A_517], %mul3A_685 {add = true} : memref<16x512xf32, #tpu.memory_space<vmem>>[vector<16xi32>, vector<16xi32>], vector<16xf32>,
      %mul3A_689 = arith.constant 16 : i32
      %mul3A_690 = arith.muli %add3A_502, %mul3A_689 : i32
      %add3A_691 = arith.addi %mul3A_2, %mul3A_690 : i32
      %dma_start3A_692 = arith.constant 2 : i32
      %dma_start3A_693 = arith.constant 0 : i32
      %dma_start3A_694 = tpu.memref_slice %arg8[%add3A_691, %dma_start3A_693] : memref<65536x512xf32, #tpu.memory_space<hbm>> -> memref<16x512xf32, #tpu.memory_space<hbm>>
      %dma_start3A_695 = tpu.memref_slice %arg23[%dma_start3A_692] : memref<8x!tpu.dma_semaphore, #tpu.memory_space<semaphore_mem>> -> memref<1x!tpu.dma_semaphore, #tpu.memory_space<semaphore_mem>>
      %dma_start3A_696 = tpu.memref_squeeze %dma_start3A_695 : memref<1x!tpu.dma_semaphore, #tpu.memory_space<semaphore_mem>> -> memref<!tpu.dma_semaphore, #tpu.memory_space<semaphore_mem>>
      %dma_start3A_697 = arith.constant 0 : i32
      %dma_start3A_698 = tpu.memref_slice %arg8[%add3A_691, %dma_start3A_697] : memref<65536x512xf32, #tpu.memory_space<hbm>> -> memref<16x512xf32, #tpu.memory_space<hbm>>
      tpu.enqueue_dma source(%arg16 : memref<16x512xf32, #tpu.memory_space<vmem>>) target(%dma_start3A_698 : memref<16x512xf32, #tpu.memory_space<hbm>>) target_semaphore(%dma_start3A_696 : memref<!tpu.dma_semaphore, #tpu.memory_space<semaphore_mem>>)
      %ge3A_699 = arith.constant 4 : i32
      %ge3A_700 = arith.cmpi sge, %add3A_502, %ge3A_699 : i32
      %convert_element_type3A_701 = arith.extui %ge3A_700 : i1 to i32
      %cond3A_702 = arith.constant 0 : i32
      %cond3A_703 = arith.cmpi ne, %convert_element_type3A_701, %cond3A_702 : i32
      scf.if %cond3A_703 {
        %sub3A_1771 = arith.constant 4 : i32
        %sub3A_1772 = arith.subi %add3A_502, %sub3A_1771 : i32
        %mul3A_1773 = arith.constant 16 : i32
        %mul3A_1774 = arith.muli %sub3A_1772, %mul3A_1773 : i32
        %add3A_1775 = arith.addi %mul3A_2, %mul3A_1774 : i32
        %dma_wait3A_1776 = arith.constant 6 : i32
        %dma_wait3A_1777 = arith.constant 0 : i32
        %dma_wait3A_1778 = tpu.memref_slice %arg8[%add3A_1775, %dma_wait3A_1777] : memref<65536x512xf32, #tpu.memory_space<hbm>> -> memref<16x512xf32, #tpu.memory_space<hbm>>
        %dma_wait3A_1779 = tpu.memref_slice %arg23[%dma_wait3A_1776] : memref<8x!tpu.dma_semaphore, #tpu.memory_space<semaphore_mem>> -> memref<1x!tpu.dma_semaphore, #tpu.memory_space<semaphore_mem>>
        %dma_wait3A_1780 = tpu.memref_squeeze %dma_wait3A_1779 : memref<1x!tpu.dma_semaphore, #tpu.memory_space<semaphore_mem>> -> memref<!tpu.dma_semaphore, #tpu.memory_space<semaphore_mem>>
        %dma_wait3A_1781 = arith.constant 0 : i32
        %dma_wait3A_1782 = tpu.memref_slice %arg8[%add3A_1775, %dma_wait3A_1781] : memref<65536x512xf32, #tpu.memory_space<hbm>> -> memref<16x512xf32, #tpu.memory_space<hbm>>
        tpu.wait_dma2 semaphore(%dma_wait3A_1780 : memref<!tpu.dma_semaphore, #tpu.memory_space<semaphore_mem>>) src(%arg20 : memref<16x512xf32, #tpu.memory_space<vmem>>) dst(%dma_wait3A_1782 : memref<16x512xf32, #tpu.memory_space<hbm>>)
      } else {
      }
      %add3A_704 = arith.constant 4 : i32
      %add3A_705 = arith.addi %add3A_502, %add3A_704 : i32
      %lt3A_706 = arith.constant 128 : i32
      %lt3A_707 = arith.cmpi slt, %add3A_705, %lt3A_706 : i32
      %convert_element_type3A_708 = arith.extui %lt3A_707 : i1 to i32
      %cond3A_709 = arith.constant 0 : i32
      %cond3A_710 = arith.cmpi ne, %convert_element_type3A_708, %cond3A_709 : i32
      scf.if %cond3A_710 {
        %add3A_1771 = arith.constant 4 : i32
        %add3A_1772 = arith.addi %add3A_502, %add3A_1771 : i32
        %mul3A_1773 = arith.constant 16 : i32
        %mul3A_1774 = arith.muli %add3A_1772, %mul3A_1773 : i32
        %add3A_1775 = arith.addi %mul3A_2, %mul3A_1774 : i32
        %dma_start3A_1776 = arith.constant 6 : i32
        %dma_start3A_1777 = arith.constant 0 : i32
        %dma_start3A_1778 = tpu.memref_slice %arg7[%add3A_1775, %dma_start3A_1777] : memref<65536x512xf32, #tpu.memory_space<hbm>> -> memref<16x512xf32, #tpu.memory_space<hbm>>
        %dma_start3A_1779 = tpu.memref_slice %arg22[%dma_start3A_1776] : memref<8x!tpu.dma_semaphore, #tpu.memory_space<semaphore_mem>> -> memref<1x!tpu.dma_semaphore, #tpu.memory_space<semaphore_mem>>
        %dma_start3A_1780 = tpu.memref_squeeze %dma_start3A_1779 : memref<1x!tpu.dma_semaphore, #tpu.memory_space<semaphore_mem>> -> memref<!tpu.dma_semaphore, #tpu.memory_space<semaphore_mem>>
        %dma_start3A_1781 = arith.constant 0 : i32
        %dma_start3A_1782 = tpu.memref_slice %arg7[%add3A_1775, %dma_start3A_1781] : memref<65536x512xf32, #tpu.memory_space<hbm>> -> memref<16x512xf32, #tpu.memory_space<hbm>>
        tpu.enqueue_dma source(%dma_start3A_1782 : memref<16x512xf32, #tpu.memory_space<hbm>>) target(%arg20 : memref<16x512xf32, #tpu.memory_space<vmem>>) target_semaphore(%dma_start3A_1780 : memref<!tpu.dma_semaphore, #tpu.memory_space<semaphore_mem>>)
      } else {
      }
      %mul3A_711 = arith.constant 8 : i32
      %mul3A_712 = arith.muli %add3A_81, %mul3A_711 : i32
      %add3A_713 = arith.constant 3 : i32
      %add3A_714 = arith.addi %mul3A_712, %add3A_713 : i32
      %mul3A_715 = arith.constant 16 : i32
      %mul3A_716 = arith.muli %add3A_714, %mul3A_715 : i32
      %add3A_717 = arith.addi %mul3A_2, %mul3A_716 : i32
      %dma_wait3A_718 = arith.constant 3 : i32
      %dma_wait3A_719 = arith.constant 0 : i32
      %dma_wait3A_720 = tpu.memref_slice %arg7[%add3A_717, %dma_wait3A_719] : memref<65536x512xf32, #tpu.memory_space<hbm>> -> memref<16x512xf32, #tpu.memory_space<hbm>>
      %dma_wait3A_721 = tpu.memref_slice %arg22[%dma_wait3A_718] : memref<8x!tpu.dma_semaphore, #tpu.memory_space<semaphore_mem>> -> memref<1x!tpu.dma_semaphore, #tpu.memory_space<semaphore_mem>>
      %dma_wait3A_722 = tpu.memref_squeeze %dma_wait3A_721 : memref<1x!tpu.dma_semaphore, #tpu.memory_space<semaphore_mem>> -> memref<!tpu.dma_semaphore, #tpu.memory_space<semaphore_mem>>
      %dma_wait3A_723 = arith.constant 0 : i32
      %dma_wait3A_724 = tpu.memref_slice %arg7[%add3A_717, %dma_wait3A_723] : memref<65536x512xf32, #tpu.memory_space<hbm>> -> memref<16x512xf32, #tpu.memory_space<hbm>>
      tpu.wait_dma2 semaphore(%dma_wait3A_722 : memref<!tpu.dma_semaphore, #tpu.memory_space<semaphore_mem>>) src(%dma_wait3A_724 : memref<16x512xf32, #tpu.memory_space<hbm>>) dst(%arg17 : memref<16x512xf32, #tpu.memory_space<vmem>>)
      %mul3A_725 = arith.constant 16 : i32
      %mul3A_726 = arith.muli %add3A_714, %mul3A_725 : i32
      %add3A_727 = arith.addi %mul3A_2, %mul3A_726 : i32
      %get3A_728 = arith.constant 0 : index
      %get3A_729 = tpu.vector_load %arg9[%get3A_728] {strides = array<i32>} : memref<16xi32, #tpu.memory_space<vmem>>, vector<16xi32>,
      %get3A_730 = arith.constant 0 : index
      %get3A_731 = tpu.vector_load %arg10[%get3A_730] {strides = array<i32>} : memref<16xi32, #tpu.memory_space<vmem>>, vector<16xi32>,
      %get3A_732 = arith.constant 0 : index
      %get3A_733 = tpu.vector_load %arg11[%get3A_732] {strides = array<i32>} : memref<16xf32, #tpu.memory_space<vmem>>, vector<16xf32>,
      %get3A_734 = arith.constant 0 : index
      %get3A_735 = tpu.vector_load %arg12[%get3A_734] {strides = array<i32>} : memref<16xf32, #tpu.memory_space<vmem>>, vector<16xf32>,
      %convert_element_type3A_736 = arith.sitofp %add3A_727 : i32 to f32
      %broadcast_in_dim3A_737 = vector.broadcast %convert_element_type3A_736 : f32 to vector<16xf32>
      %get3A_738 = arith.constant 0 : index
      %get3A_739 = tpu.vector_load %arg13[%get3A_738] {strides = array<i32>} : memref<16xf32, #tpu.memory_space<vmem>>, vector<16xf32>,
      %add3A_740 = arith.addf %broadcast_in_dim3A_737, %get3A_739 : vector<16xf32>
      %add3A_741 = arith.constant 0.000000e+00 : f32
      %add3A_742 = vector.broadcast %add3A_741 : f32 to vector<16xf32>
      %add3A_743 = arith.addf %add3A_740, %add3A_742 : vector<16xf32>
      %mul3A_744 = arith.mulf %add3A_743, %get3A_733 : vector<16xf32>
      %mul3A_745 = arith.mulf %mul3A_744, %mul3A_744 : vector<16xf32>
      %mul3A_746 = arith.constant 0.00833333377 : f32
      %mul3A_747 = vector.broadcast %mul3A_746 : f32 to vector<16xf32>
      %mul3A_748 = arith.mulf %mul3A_745, %mul3A_747 : vector<16xf32>
      %sub3A_749 = arith.constant 0.166666672 : f32
      %sub3A_750 = vector.broadcast %sub3A_749 : f32 to vector<16xf32>
      %sub3A_751 = arith.subf %mul3A_748, %sub3A_750 : vector<16xf32>
      %mul3A_752 = arith.mulf %get3A_735, %mul3A_744 : vector<16xf32>
      %mul3A_753 = arith.mulf %mul3A_745, %sub3A_751 : vector<16xf32>
      %add3A_754 = arith.constant 1.000000e+00 : f32
      %add3A_755 = vector.broadcast %add3A_754 : f32 to vector<16xf32>
      %add3A_756 = arith.addf %mul3A_753, %add3A_755 : vector<16xf32>
      %mul3A_757 = arith.mulf %mul3A_752, %add3A_756 : vector<16xf32>
      %add3A_758 = arith.constant 0 : i32
      %add3A_759 = vector.broadcast %add3A_758 : i32 to vector<16xi32>
      %add3A_760 = arith.addi %get3A_731, %add3A_759 : vector<16xi32>
      tpu.vector_store_idx %arg17[%add3A_760, %get3A_729], %mul3A_757 {add = true} : memref<16x512xf32, #tpu.memory_space<vmem>>[vector<16xi32>, vector<16xi32>], vector<16xf32>,
      %add3A_761 = arith.constant 2.000000e+00 : f32
      %add3A_762 = vector.broadcast %add3A_761 : f32 to vector<16xf32>
      %add3A_763 = arith.addf %add3A_740, %add3A_762 : vector<16xf32>
      %mul3A_764 = arith.mulf %add3A_763, %get3A_733 : vector<16xf32>
      %mul3A_765 = arith.mulf %mul3A_764, %mul3A_764 : vector<16xf32>
      %mul3A_766 = arith.constant 0.00833333377 : f32
      %mul3A_767 = vector.broadcast %mul3A_766 : f32 to vector<16xf32>
      %mul3A_768 = arith.mulf %mul3A_765, %mul3A_767 : vector<16xf32>
      %sub3A_769 = arith.constant 0.166666672 : f32
      %sub3A_770 = vector.broadcast %sub3A_769 : f32 to vector<16xf32>
      %sub3A_771 = arith.subf %mul3A_768, %sub3A_770 : vector<16xf32>
      %mul3A_772 = arith.mulf %get3A_735, %mul3A_764 : vector<16xf32>
      %mul3A_773 = arith.mulf %mul3A_765, %sub3A_771 : vector<16xf32>
      %add3A_774 = arith.constant 1.000000e+00 : f32
      %add3A_775 = vector.broadcast %add3A_774 : f32 to vector<16xf32>
      %add3A_776 = arith.addf %mul3A_773, %add3A_775 : vector<16xf32>
      %mul3A_777 = arith.mulf %mul3A_772, %add3A_776 : vector<16xf32>
      %add3A_778 = arith.constant 2 : i32
      %add3A_779 = vector.broadcast %add3A_778 : i32 to vector<16xi32>
      %add3A_780 = arith.addi %get3A_731, %add3A_779 : vector<16xi32>
      tpu.vector_store_idx %arg17[%add3A_780, %get3A_729], %mul3A_777 {add = true} : memref<16x512xf32, #tpu.memory_space<vmem>>[vector<16xi32>, vector<16xi32>], vector<16xf32>,
      %add3A_781 = arith.constant 4.000000e+00 : f32
      %add3A_782 = vector.broadcast %add3A_781 : f32 to vector<16xf32>
      %add3A_783 = arith.addf %add3A_740, %add3A_782 : vector<16xf32>
      %mul3A_784 = arith.mulf %add3A_783, %get3A_733 : vector<16xf32>
      %mul3A_785 = arith.mulf %mul3A_784, %mul3A_784 : vector<16xf32>
      %mul3A_786 = arith.constant 0.00833333377 : f32
      %mul3A_787 = vector.broadcast %mul3A_786 : f32 to vector<16xf32>
      %mul3A_788 = arith.mulf %mul3A_785, %mul3A_787 : vector<16xf32>
      %sub3A_789 = arith.constant 0.166666672 : f32
      %sub3A_790 = vector.broadcast %sub3A_789 : f32 to vector<16xf32>
      %sub3A_791 = arith.subf %mul3A_788, %sub3A_790 : vector<16xf32>
      %mul3A_792 = arith.mulf %get3A_735, %mul3A_784 : vector<16xf32>
      %mul3A_793 = arith.mulf %mul3A_785, %sub3A_791 : vector<16xf32>
      %add3A_794 = arith.constant 1.000000e+00 : f32
      %add3A_795 = vector.broadcast %add3A_794 : f32 to vector<16xf32>
      %add3A_796 = arith.addf %mul3A_793, %add3A_795 : vector<16xf32>
      %mul3A_797 = arith.mulf %mul3A_792, %add3A_796 : vector<16xf32>
      %add3A_798 = arith.constant 4 : i32
      %add3A_799 = vector.broadcast %add3A_798 : i32 to vector<16xi32>
      %add3A_800 = arith.addi %get3A_731, %add3A_799 : vector<16xi32>
      tpu.vector_store_idx %arg17[%add3A_800, %get3A_729], %mul3A_797 {add = true} : memref<16x512xf32, #tpu.memory_space<vmem>>[vector<16xi32>, vector<16xi32>], vector<16xf32>,
      %add3A_801 = arith.constant 6.000000e+00 : f32
      %add3A_802 = vector.broadcast %add3A_801 : f32 to vector<16xf32>
      %add3A_803 = arith.addf %add3A_740, %add3A_802 : vector<16xf32>
      %mul3A_804 = arith.mulf %add3A_803, %get3A_733 : vector<16xf32>
      %mul3A_805 = arith.mulf %mul3A_804, %mul3A_804 : vector<16xf32>
      %mul3A_806 = arith.constant 0.00833333377 : f32
      %mul3A_807 = vector.broadcast %mul3A_806 : f32 to vector<16xf32>
      %mul3A_808 = arith.mulf %mul3A_805, %mul3A_807 : vector<16xf32>
      %sub3A_809 = arith.constant 0.166666672 : f32
      %sub3A_810 = vector.broadcast %sub3A_809 : f32 to vector<16xf32>
      %sub3A_811 = arith.subf %mul3A_808, %sub3A_810 : vector<16xf32>
      %mul3A_812 = arith.mulf %get3A_735, %mul3A_804 : vector<16xf32>
      %mul3A_813 = arith.mulf %mul3A_805, %sub3A_811 : vector<16xf32>
      %add3A_814 = arith.constant 1.000000e+00 : f32
      %add3A_815 = vector.broadcast %add3A_814 : f32 to vector<16xf32>
      %add3A_816 = arith.addf %mul3A_813, %add3A_815 : vector<16xf32>
      %mul3A_817 = arith.mulf %mul3A_812, %add3A_816 : vector<16xf32>
      %add3A_818 = arith.constant 6 : i32
      %add3A_819 = vector.broadcast %add3A_818 : i32 to vector<16xi32>
      %add3A_820 = arith.addi %get3A_731, %add3A_819 : vector<16xi32>
      tpu.vector_store_idx %arg17[%add3A_820, %get3A_729], %mul3A_817 {add = true} : memref<16x512xf32, #tpu.memory_space<vmem>>[vector<16xi32>, vector<16xi32>], vector<16xf32>,
      %add3A_821 = arith.constant 8.000000e+00 : f32
      %add3A_822 = vector.broadcast %add3A_821 : f32 to vector<16xf32>
      %add3A_823 = arith.addf %add3A_740, %add3A_822 : vector<16xf32>
      %mul3A_824 = arith.mulf %add3A_823, %get3A_733 : vector<16xf32>
      %mul3A_825 = arith.mulf %mul3A_824, %mul3A_824 : vector<16xf32>
      %mul3A_826 = arith.constant 0.00833333377 : f32
      %mul3A_827 = vector.broadcast %mul3A_826 : f32 to vector<16xf32>
      %mul3A_828 = arith.mulf %mul3A_825, %mul3A_827 : vector<16xf32>
      %sub3A_829 = arith.constant 0.166666672 : f32
      %sub3A_830 = vector.broadcast %sub3A_829 : f32 to vector<16xf32>
      %sub3A_831 = arith.subf %mul3A_828, %sub3A_830 : vector<16xf32>
      %mul3A_832 = arith.mulf %get3A_735, %mul3A_824 : vector<16xf32>
      %mul3A_833 = arith.mulf %mul3A_825, %sub3A_831 : vector<16xf32>
      %add3A_834 = arith.constant 1.000000e+00 : f32
      %add3A_835 = vector.broadcast %add3A_834 : f32 to vector<16xf32>
      %add3A_836 = arith.addf %mul3A_833, %add3A_835 : vector<16xf32>
      %mul3A_837 = arith.mulf %mul3A_832, %add3A_836 : vector<16xf32>
      %add3A_838 = arith.constant 8 : i32
      %add3A_839 = vector.broadcast %add3A_838 : i32 to vector<16xi32>
      %add3A_840 = arith.addi %get3A_731, %add3A_839 : vector<16xi32>
      tpu.vector_store_idx %arg17[%add3A_840, %get3A_729], %mul3A_837 {add = true} : memref<16x512xf32, #tpu.memory_space<vmem>>[vector<16xi32>, vector<16xi32>], vector<16xf32>,
      %add3A_841 = arith.constant 1.000000e+01 : f32
      %add3A_842 = vector.broadcast %add3A_841 : f32 to vector<16xf32>
      %add3A_843 = arith.addf %add3A_740, %add3A_842 : vector<16xf32>
      %mul3A_844 = arith.mulf %add3A_843, %get3A_733 : vector<16xf32>
      %mul3A_845 = arith.mulf %mul3A_844, %mul3A_844 : vector<16xf32>
      %mul3A_846 = arith.constant 0.00833333377 : f32
      %mul3A_847 = vector.broadcast %mul3A_846 : f32 to vector<16xf32>
      %mul3A_848 = arith.mulf %mul3A_845, %mul3A_847 : vector<16xf32>
      %sub3A_849 = arith.constant 0.166666672 : f32
      %sub3A_850 = vector.broadcast %sub3A_849 : f32 to vector<16xf32>
      %sub3A_851 = arith.subf %mul3A_848, %sub3A_850 : vector<16xf32>
      %mul3A_852 = arith.mulf %get3A_735, %mul3A_844 : vector<16xf32>
      %mul3A_853 = arith.mulf %mul3A_845, %sub3A_851 : vector<16xf32>
      %add3A_854 = arith.constant 1.000000e+00 : f32
      %add3A_855 = vector.broadcast %add3A_854 : f32 to vector<16xf32>
      %add3A_856 = arith.addf %mul3A_853, %add3A_855 : vector<16xf32>
      %mul3A_857 = arith.mulf %mul3A_852, %add3A_856 : vector<16xf32>
      %add3A_858 = arith.constant 10 : i32
      %add3A_859 = vector.broadcast %add3A_858 : i32 to vector<16xi32>
      %add3A_860 = arith.addi %get3A_731, %add3A_859 : vector<16xi32>
      tpu.vector_store_idx %arg17[%add3A_860, %get3A_729], %mul3A_857 {add = true} : memref<16x512xf32, #tpu.memory_space<vmem>>[vector<16xi32>, vector<16xi32>], vector<16xf32>,
      %add3A_861 = arith.constant 1.200000e+01 : f32
      %add3A_862 = vector.broadcast %add3A_861 : f32 to vector<16xf32>
      %add3A_863 = arith.addf %add3A_740, %add3A_862 : vector<16xf32>
      %mul3A_864 = arith.mulf %add3A_863, %get3A_733 : vector<16xf32>
      %mul3A_865 = arith.mulf %mul3A_864, %mul3A_864 : vector<16xf32>
      %mul3A_866 = arith.constant 0.00833333377 : f32
      %mul3A_867 = vector.broadcast %mul3A_866 : f32 to vector<16xf32>
      %mul3A_868 = arith.mulf %mul3A_865, %mul3A_867 : vector<16xf32>
      %sub3A_869 = arith.constant 0.166666672 : f32
      %sub3A_870 = vector.broadcast %sub3A_869 : f32 to vector<16xf32>
      %sub3A_871 = arith.subf %mul3A_868, %sub3A_870 : vector<16xf32>
      %mul3A_872 = arith.mulf %get3A_735, %mul3A_864 : vector<16xf32>
      %mul3A_873 = arith.mulf %mul3A_865, %sub3A_871 : vector<16xf32>
      %add3A_874 = arith.constant 1.000000e+00 : f32
      %add3A_875 = vector.broadcast %add3A_874 : f32 to vector<16xf32>
      %add3A_876 = arith.addf %mul3A_873, %add3A_875 : vector<16xf32>
      %mul3A_877 = arith.mulf %mul3A_872, %add3A_876 : vector<16xf32>
      %add3A_878 = arith.constant 12 : i32
      %add3A_879 = vector.broadcast %add3A_878 : i32 to vector<16xi32>
      %add3A_880 = arith.addi %get3A_731, %add3A_879 : vector<16xi32>
      tpu.vector_store_idx %arg17[%add3A_880, %get3A_729], %mul3A_877 {add = true} : memref<16x512xf32, #tpu.memory_space<vmem>>[vector<16xi32>, vector<16xi32>], vector<16xf32>,
      %add3A_881 = arith.constant 1.400000e+01 : f32
      %add3A_882 = vector.broadcast %add3A_881 : f32 to vector<16xf32>
      %add3A_883 = arith.addf %add3A_740, %add3A_882 : vector<16xf32>
      %mul3A_884 = arith.mulf %add3A_883, %get3A_733 : vector<16xf32>
      %mul3A_885 = arith.mulf %mul3A_884, %mul3A_884 : vector<16xf32>
      %mul3A_886 = arith.constant 0.00833333377 : f32
      %mul3A_887 = vector.broadcast %mul3A_886 : f32 to vector<16xf32>
      %mul3A_888 = arith.mulf %mul3A_885, %mul3A_887 : vector<16xf32>
      %sub3A_889 = arith.constant 0.166666672 : f32
      %sub3A_890 = vector.broadcast %sub3A_889 : f32 to vector<16xf32>
      %sub3A_891 = arith.subf %mul3A_888, %sub3A_890 : vector<16xf32>
      %mul3A_892 = arith.mulf %get3A_735, %mul3A_884 : vector<16xf32>
      %mul3A_893 = arith.mulf %mul3A_885, %sub3A_891 : vector<16xf32>
      %add3A_894 = arith.constant 1.000000e+00 : f32
      %add3A_895 = vector.broadcast %add3A_894 : f32 to vector<16xf32>
      %add3A_896 = arith.addf %mul3A_893, %add3A_895 : vector<16xf32>
      %mul3A_897 = arith.mulf %mul3A_892, %add3A_896 : vector<16xf32>
      %add3A_898 = arith.constant 14 : i32
      %add3A_899 = vector.broadcast %add3A_898 : i32 to vector<16xi32>
      %add3A_900 = arith.addi %get3A_731, %add3A_899 : vector<16xi32>
      tpu.vector_store_idx %arg17[%add3A_900, %get3A_729], %mul3A_897 {add = true} : memref<16x512xf32, #tpu.memory_space<vmem>>[vector<16xi32>, vector<16xi32>], vector<16xf32>,
      %mul3A_901 = arith.constant 16 : i32
      %mul3A_902 = arith.muli %add3A_714, %mul3A_901 : i32
      %add3A_903 = arith.addi %mul3A_2, %mul3A_902 : i32
      %dma_start3A_904 = arith.constant 3 : i32
      %dma_start3A_905 = arith.constant 0 : i32
      %dma_start3A_906 = tpu.memref_slice %arg8[%add3A_903, %dma_start3A_905] : memref<65536x512xf32, #tpu.memory_space<hbm>> -> memref<16x512xf32, #tpu.memory_space<hbm>>
      %dma_start3A_907 = tpu.memref_slice %arg23[%dma_start3A_904] : memref<8x!tpu.dma_semaphore, #tpu.memory_space<semaphore_mem>> -> memref<1x!tpu.dma_semaphore, #tpu.memory_space<semaphore_mem>>
      %dma_start3A_908 = tpu.memref_squeeze %dma_start3A_907 : memref<1x!tpu.dma_semaphore, #tpu.memory_space<semaphore_mem>> -> memref<!tpu.dma_semaphore, #tpu.memory_space<semaphore_mem>>
      %dma_start3A_909 = arith.constant 0 : i32
      %dma_start3A_910 = tpu.memref_slice %arg8[%add3A_903, %dma_start3A_909] : memref<65536x512xf32, #tpu.memory_space<hbm>> -> memref<16x512xf32, #tpu.memory_space<hbm>>
      tpu.enqueue_dma source(%arg17 : memref<16x512xf32, #tpu.memory_space<vmem>>) target(%dma_start3A_910 : memref<16x512xf32, #tpu.memory_space<hbm>>) target_semaphore(%dma_start3A_908 : memref<!tpu.dma_semaphore, #tpu.memory_space<semaphore_mem>>)
      %ge3A_911 = arith.constant 4 : i32
      %ge3A_912 = arith.cmpi sge, %add3A_714, %ge3A_911 : i32
      %convert_element_type3A_913 = arith.extui %ge3A_912 : i1 to i32
      %cond3A_914 = arith.constant 0 : i32
      %cond3A_915 = arith.cmpi ne, %convert_element_type3A_913, %cond3A_914 : i32
      scf.if %cond3A_915 {
        %sub3A_1771 = arith.constant 4 : i32
        %sub3A_1772 = arith.subi %add3A_714, %sub3A_1771 : i32
        %mul3A_1773 = arith.constant 16 : i32
        %mul3A_1774 = arith.muli %sub3A_1772, %mul3A_1773 : i32
        %add3A_1775 = arith.addi %mul3A_2, %mul3A_1774 : i32
        %dma_wait3A_1776 = arith.constant 7 : i32
        %dma_wait3A_1777 = arith.constant 0 : i32
        %dma_wait3A_1778 = tpu.memref_slice %arg8[%add3A_1775, %dma_wait3A_1777] : memref<65536x512xf32, #tpu.memory_space<hbm>> -> memref<16x512xf32, #tpu.memory_space<hbm>>
        %dma_wait3A_1779 = tpu.memref_slice %arg23[%dma_wait3A_1776] : memref<8x!tpu.dma_semaphore, #tpu.memory_space<semaphore_mem>> -> memref<1x!tpu.dma_semaphore, #tpu.memory_space<semaphore_mem>>
        %dma_wait3A_1780 = tpu.memref_squeeze %dma_wait3A_1779 : memref<1x!tpu.dma_semaphore, #tpu.memory_space<semaphore_mem>> -> memref<!tpu.dma_semaphore, #tpu.memory_space<semaphore_mem>>
        %dma_wait3A_1781 = arith.constant 0 : i32
        %dma_wait3A_1782 = tpu.memref_slice %arg8[%add3A_1775, %dma_wait3A_1781] : memref<65536x512xf32, #tpu.memory_space<hbm>> -> memref<16x512xf32, #tpu.memory_space<hbm>>
        tpu.wait_dma2 semaphore(%dma_wait3A_1780 : memref<!tpu.dma_semaphore, #tpu.memory_space<semaphore_mem>>) src(%arg21 : memref<16x512xf32, #tpu.memory_space<vmem>>) dst(%dma_wait3A_1782 : memref<16x512xf32, #tpu.memory_space<hbm>>)
      } else {
      }
      %add3A_916 = arith.constant 4 : i32
      %add3A_917 = arith.addi %add3A_714, %add3A_916 : i32
      %lt3A_918 = arith.constant 128 : i32
      %lt3A_919 = arith.cmpi slt, %add3A_917, %lt3A_918 : i32
      %convert_element_type3A_920 = arith.extui %lt3A_919 : i1 to i32
      %cond3A_921 = arith.constant 0 : i32
      %cond3A_922 = arith.cmpi ne, %convert_element_type3A_920, %cond3A_921 : i32
      scf.if %cond3A_922 {
        %add3A_1771 = arith.constant 4 : i32
        %add3A_1772 = arith.addi %add3A_714, %add3A_1771 : i32
        %mul3A_1773 = arith.constant 16 : i32
        %mul3A_1774 = arith.muli %add3A_1772, %mul3A_1773 : i32
        %add3A_1775 = arith.addi %mul3A_2, %mul3A_1774 : i32
        %dma_start3A_1776 = arith.constant 7 : i32
        %dma_start3A_1777 = arith.constant 0 : i32
        %dma_start3A_1778 = tpu.memref_slice %arg7[%add3A_1775, %dma_start3A_1777] : memref<65536x512xf32, #tpu.memory_space<hbm>> -> memref<16x512xf32, #tpu.memory_space<hbm>>
        %dma_start3A_1779 = tpu.memref_slice %arg22[%dma_start3A_1776] : memref<8x!tpu.dma_semaphore, #tpu.memory_space<semaphore_mem>> -> memref<1x!tpu.dma_semaphore, #tpu.memory_space<semaphore_mem>>
        %dma_start3A_1780 = tpu.memref_squeeze %dma_start3A_1779 : memref<1x!tpu.dma_semaphore, #tpu.memory_space<semaphore_mem>> -> memref<!tpu.dma_semaphore, #tpu.memory_space<semaphore_mem>>
        %dma_start3A_1781 = arith.constant 0 : i32
        %dma_start3A_1782 = tpu.memref_slice %arg7[%add3A_1775, %dma_start3A_1781] : memref<65536x512xf32, #tpu.memory_space<hbm>> -> memref<16x512xf32, #tpu.memory_space<hbm>>
        tpu.enqueue_dma source(%dma_start3A_1782 : memref<16x512xf32, #tpu.memory_space<hbm>>) target(%arg21 : memref<16x512xf32, #tpu.memory_space<vmem>>) target_semaphore(%dma_start3A_1780 : memref<!tpu.dma_semaphore, #tpu.memory_space<semaphore_mem>>)
      } else {
      }
      %mul3A_923 = arith.constant 8 : i32
      %mul3A_924 = arith.muli %add3A_81, %mul3A_923 : i32
      %add3A_925 = arith.constant 4 : i32
      %add3A_926 = arith.addi %mul3A_924, %add3A_925 : i32
      %mul3A_927 = arith.constant 16 : i32
      %mul3A_928 = arith.muli %add3A_926, %mul3A_927 : i32
      %add3A_929 = arith.addi %mul3A_2, %mul3A_928 : i32
      %dma_wait3A_930 = arith.constant 4 : i32
      %dma_wait3A_931 = arith.constant 0 : i32
      %dma_wait3A_932 = tpu.memref_slice %arg7[%add3A_929, %dma_wait3A_931] : memref<65536x512xf32, #tpu.memory_space<hbm>> -> memref<16x512xf32, #tpu.memory_space<hbm>>
      %dma_wait3A_933 = tpu.memref_slice %arg22[%dma_wait3A_930] : memref<8x!tpu.dma_semaphore, #tpu.memory_space<semaphore_mem>> -> memref<1x!tpu.dma_semaphore, #tpu.memory_space<semaphore_mem>>
      %dma_wait3A_934 = tpu.memref_squeeze %dma_wait3A_933 : memref<1x!tpu.dma_semaphore, #tpu.memory_space<semaphore_mem>> -> memref<!tpu.dma_semaphore, #tpu.memory_space<semaphore_mem>>
      %dma_wait3A_935 = arith.constant 0 : i32
      %dma_wait3A_936 = tpu.memref_slice %arg7[%add3A_929, %dma_wait3A_935] : memref<65536x512xf32, #tpu.memory_space<hbm>> -> memref<16x512xf32, #tpu.memory_space<hbm>>
      tpu.wait_dma2 semaphore(%dma_wait3A_934 : memref<!tpu.dma_semaphore, #tpu.memory_space<semaphore_mem>>) src(%dma_wait3A_936 : memref<16x512xf32, #tpu.memory_space<hbm>>) dst(%arg18 : memref<16x512xf32, #tpu.memory_space<vmem>>)
      %mul3A_937 = arith.constant 16 : i32
      %mul3A_938 = arith.muli %add3A_926, %mul3A_937 : i32
      %add3A_939 = arith.addi %mul3A_2, %mul3A_938 : i32
      %get3A_940 = arith.constant 0 : index
      %get3A_941 = tpu.vector_load %arg9[%get3A_940] {strides = array<i32>} : memref<16xi32, #tpu.memory_space<vmem>>, vector<16xi32>,
      %get3A_942 = arith.constant 0 : index
      %get3A_943 = tpu.vector_load %arg10[%get3A_942] {strides = array<i32>} : memref<16xi32, #tpu.memory_space<vmem>>, vector<16xi32>,
      %get3A_944 = arith.constant 0 : index
      %get3A_945 = tpu.vector_load %arg11[%get3A_944] {strides = array<i32>} : memref<16xf32, #tpu.memory_space<vmem>>, vector<16xf32>,
      %get3A_946 = arith.constant 0 : index
      %get3A_947 = tpu.vector_load %arg12[%get3A_946] {strides = array<i32>} : memref<16xf32, #tpu.memory_space<vmem>>, vector<16xf32>,
      %convert_element_type3A_948 = arith.sitofp %add3A_939 : i32 to f32
      %broadcast_in_dim3A_949 = vector.broadcast %convert_element_type3A_948 : f32 to vector<16xf32>
      %get3A_950 = arith.constant 0 : index
      %get3A_951 = tpu.vector_load %arg13[%get3A_950] {strides = array<i32>} : memref<16xf32, #tpu.memory_space<vmem>>, vector<16xf32>,
      %add3A_952 = arith.addf %broadcast_in_dim3A_949, %get3A_951 : vector<16xf32>
      %add3A_953 = arith.constant 0.000000e+00 : f32
      %add3A_954 = vector.broadcast %add3A_953 : f32 to vector<16xf32>
      %add3A_955 = arith.addf %add3A_952, %add3A_954 : vector<16xf32>
      %mul3A_956 = arith.mulf %add3A_955, %get3A_945 : vector<16xf32>
      %mul3A_957 = arith.mulf %mul3A_956, %mul3A_956 : vector<16xf32>
      %mul3A_958 = arith.constant 0.00833333377 : f32
      %mul3A_959 = vector.broadcast %mul3A_958 : f32 to vector<16xf32>
      %mul3A_960 = arith.mulf %mul3A_957, %mul3A_959 : vector<16xf32>
      %sub3A_961 = arith.constant 0.166666672 : f32
      %sub3A_962 = vector.broadcast %sub3A_961 : f32 to vector<16xf32>
      %sub3A_963 = arith.subf %mul3A_960, %sub3A_962 : vector<16xf32>
      %mul3A_964 = arith.mulf %get3A_947, %mul3A_956 : vector<16xf32>
      %mul3A_965 = arith.mulf %mul3A_957, %sub3A_963 : vector<16xf32>
      %add3A_966 = arith.constant 1.000000e+00 : f32
      %add3A_967 = vector.broadcast %add3A_966 : f32 to vector<16xf32>
      %add3A_968 = arith.addf %mul3A_965, %add3A_967 : vector<16xf32>
      %mul3A_969 = arith.mulf %mul3A_964, %add3A_968 : vector<16xf32>
      %add3A_970 = arith.constant 0 : i32
      %add3A_971 = vector.broadcast %add3A_970 : i32 to vector<16xi32>
      %add3A_972 = arith.addi %get3A_943, %add3A_971 : vector<16xi32>
      tpu.vector_store_idx %arg18[%add3A_972, %get3A_941], %mul3A_969 {add = true} : memref<16x512xf32, #tpu.memory_space<vmem>>[vector<16xi32>, vector<16xi32>], vector<16xf32>,
      %add3A_973 = arith.constant 2.000000e+00 : f32
      %add3A_974 = vector.broadcast %add3A_973 : f32 to vector<16xf32>
      %add3A_975 = arith.addf %add3A_952, %add3A_974 : vector<16xf32>
      %mul3A_976 = arith.mulf %add3A_975, %get3A_945 : vector<16xf32>
      %mul3A_977 = arith.mulf %mul3A_976, %mul3A_976 : vector<16xf32>
      %mul3A_978 = arith.constant 0.00833333377 : f32
      %mul3A_979 = vector.broadcast %mul3A_978 : f32 to vector<16xf32>
      %mul3A_980 = arith.mulf %mul3A_977, %mul3A_979 : vector<16xf32>
      %sub3A_981 = arith.constant 0.166666672 : f32
      %sub3A_982 = vector.broadcast %sub3A_981 : f32 to vector<16xf32>
      %sub3A_983 = arith.subf %mul3A_980, %sub3A_982 : vector<16xf32>
      %mul3A_984 = arith.mulf %get3A_947, %mul3A_976 : vector<16xf32>
      %mul3A_985 = arith.mulf %mul3A_977, %sub3A_983 : vector<16xf32>
      %add3A_986 = arith.constant 1.000000e+00 : f32
      %add3A_987 = vector.broadcast %add3A_986 : f32 to vector<16xf32>
      %add3A_988 = arith.addf %mul3A_985, %add3A_987 : vector<16xf32>
      %mul3A_989 = arith.mulf %mul3A_984, %add3A_988 : vector<16xf32>
      %add3A_990 = arith.constant 2 : i32
      %add3A_991 = vector.broadcast %add3A_990 : i32 to vector<16xi32>
      %add3A_992 = arith.addi %get3A_943, %add3A_991 : vector<16xi32>
      tpu.vector_store_idx %arg18[%add3A_992, %get3A_941], %mul3A_989 {add = true} : memref<16x512xf32, #tpu.memory_space<vmem>>[vector<16xi32>, vector<16xi32>], vector<16xf32>,
      %add3A_993 = arith.constant 4.000000e+00 : f32
      %add3A_994 = vector.broadcast %add3A_993 : f32 to vector<16xf32>
      %add3A_995 = arith.addf %add3A_952, %add3A_994 : vector<16xf32>
      %mul3A_996 = arith.mulf %add3A_995, %get3A_945 : vector<16xf32>
      %mul3A_997 = arith.mulf %mul3A_996, %mul3A_996 : vector<16xf32>
      %mul3A_998 = arith.constant 0.00833333377 : f32
      %mul3A_999 = vector.broadcast %mul3A_998 : f32 to vector<16xf32>
      %mul3A_1000 = arith.mulf %mul3A_997, %mul3A_999 : vector<16xf32>
      %sub3A_1001 = arith.constant 0.166666672 : f32
      %sub3A_1002 = vector.broadcast %sub3A_1001 : f32 to vector<16xf32>
      %sub3A_1003 = arith.subf %mul3A_1000, %sub3A_1002 : vector<16xf32>
      %mul3A_1004 = arith.mulf %get3A_947, %mul3A_996 : vector<16xf32>
      %mul3A_1005 = arith.mulf %mul3A_997, %sub3A_1003 : vector<16xf32>
      %add3A_1006 = arith.constant 1.000000e+00 : f32
      %add3A_1007 = vector.broadcast %add3A_1006 : f32 to vector<16xf32>
      %add3A_1008 = arith.addf %mul3A_1005, %add3A_1007 : vector<16xf32>
      %mul3A_1009 = arith.mulf %mul3A_1004, %add3A_1008 : vector<16xf32>
      %add3A_1010 = arith.constant 4 : i32
      %add3A_1011 = vector.broadcast %add3A_1010 : i32 to vector<16xi32>
      %add3A_1012 = arith.addi %get3A_943, %add3A_1011 : vector<16xi32>
      tpu.vector_store_idx %arg18[%add3A_1012, %get3A_941], %mul3A_1009 {add = true} : memref<16x512xf32, #tpu.memory_space<vmem>>[vector<16xi32>, vector<16xi32>], vector<16xf32>,
      %add3A_1013 = arith.constant 6.000000e+00 : f32
      %add3A_1014 = vector.broadcast %add3A_1013 : f32 to vector<16xf32>
      %add3A_1015 = arith.addf %add3A_952, %add3A_1014 : vector<16xf32>
      %mul3A_1016 = arith.mulf %add3A_1015, %get3A_945 : vector<16xf32>
      %mul3A_1017 = arith.mulf %mul3A_1016, %mul3A_1016 : vector<16xf32>
      %mul3A_1018 = arith.constant 0.00833333377 : f32
      %mul3A_1019 = vector.broadcast %mul3A_1018 : f32 to vector<16xf32>
      %mul3A_1020 = arith.mulf %mul3A_1017, %mul3A_1019 : vector<16xf32>
      %sub3A_1021 = arith.constant 0.166666672 : f32
      %sub3A_1022 = vector.broadcast %sub3A_1021 : f32 to vector<16xf32>
      %sub3A_1023 = arith.subf %mul3A_1020, %sub3A_1022 : vector<16xf32>
      %mul3A_1024 = arith.mulf %get3A_947, %mul3A_1016 : vector<16xf32>
      %mul3A_1025 = arith.mulf %mul3A_1017, %sub3A_1023 : vector<16xf32>
      %add3A_1026 = arith.constant 1.000000e+00 : f32
      %add3A_1027 = vector.broadcast %add3A_1026 : f32 to vector<16xf32>
      %add3A_1028 = arith.addf %mul3A_1025, %add3A_1027 : vector<16xf32>
      %mul3A_1029 = arith.mulf %mul3A_1024, %add3A_1028 : vector<16xf32>
      %add3A_1030 = arith.constant 6 : i32
      %add3A_1031 = vector.broadcast %add3A_1030 : i32 to vector<16xi32>
      %add3A_1032 = arith.addi %get3A_943, %add3A_1031 : vector<16xi32>
      tpu.vector_store_idx %arg18[%add3A_1032, %get3A_941], %mul3A_1029 {add = true} : memref<16x512xf32, #tpu.memory_space<vmem>>[vector<16xi32>, vector<16xi32>], vector<16xf32>,
      %add3A_1033 = arith.constant 8.000000e+00 : f32
      %add3A_1034 = vector.broadcast %add3A_1033 : f32 to vector<16xf32>
      %add3A_1035 = arith.addf %add3A_952, %add3A_1034 : vector<16xf32>
      %mul3A_1036 = arith.mulf %add3A_1035, %get3A_945 : vector<16xf32>
      %mul3A_1037 = arith.mulf %mul3A_1036, %mul3A_1036 : vector<16xf32>
      %mul3A_1038 = arith.constant 0.00833333377 : f32
      %mul3A_1039 = vector.broadcast %mul3A_1038 : f32 to vector<16xf32>
      %mul3A_1040 = arith.mulf %mul3A_1037, %mul3A_1039 : vector<16xf32>
      %sub3A_1041 = arith.constant 0.166666672 : f32
      %sub3A_1042 = vector.broadcast %sub3A_1041 : f32 to vector<16xf32>
      %sub3A_1043 = arith.subf %mul3A_1040, %sub3A_1042 : vector<16xf32>
      %mul3A_1044 = arith.mulf %get3A_947, %mul3A_1036 : vector<16xf32>
      %mul3A_1045 = arith.mulf %mul3A_1037, %sub3A_1043 : vector<16xf32>
      %add3A_1046 = arith.constant 1.000000e+00 : f32
      %add3A_1047 = vector.broadcast %add3A_1046 : f32 to vector<16xf32>
      %add3A_1048 = arith.addf %mul3A_1045, %add3A_1047 : vector<16xf32>
      %mul3A_1049 = arith.mulf %mul3A_1044, %add3A_1048 : vector<16xf32>
      %add3A_1050 = arith.constant 8 : i32
      %add3A_1051 = vector.broadcast %add3A_1050 : i32 to vector<16xi32>
      %add3A_1052 = arith.addi %get3A_943, %add3A_1051 : vector<16xi32>
      tpu.vector_store_idx %arg18[%add3A_1052, %get3A_941], %mul3A_1049 {add = true} : memref<16x512xf32, #tpu.memory_space<vmem>>[vector<16xi32>, vector<16xi32>], vector<16xf32>,
      %add3A_1053 = arith.constant 1.000000e+01 : f32
      %add3A_1054 = vector.broadcast %add3A_1053 : f32 to vector<16xf32>
      %add3A_1055 = arith.addf %add3A_952, %add3A_1054 : vector<16xf32>
      %mul3A_1056 = arith.mulf %add3A_1055, %get3A_945 : vector<16xf32>
      %mul3A_1057 = arith.mulf %mul3A_1056, %mul3A_1056 : vector<16xf32>
      %mul3A_1058 = arith.constant 0.00833333377 : f32
      %mul3A_1059 = vector.broadcast %mul3A_1058 : f32 to vector<16xf32>
      %mul3A_1060 = arith.mulf %mul3A_1057, %mul3A_1059 : vector<16xf32>
      %sub3A_1061 = arith.constant 0.166666672 : f32
      %sub3A_1062 = vector.broadcast %sub3A_1061 : f32 to vector<16xf32>
      %sub3A_1063 = arith.subf %mul3A_1060, %sub3A_1062 : vector<16xf32>
      %mul3A_1064 = arith.mulf %get3A_947, %mul3A_1056 : vector<16xf32>
      %mul3A_1065 = arith.mulf %mul3A_1057, %sub3A_1063 : vector<16xf32>
      %add3A_1066 = arith.constant 1.000000e+00 : f32
      %add3A_1067 = vector.broadcast %add3A_1066 : f32 to vector<16xf32>
      %add3A_1068 = arith.addf %mul3A_1065, %add3A_1067 : vector<16xf32>
      %mul3A_1069 = arith.mulf %mul3A_1064, %add3A_1068 : vector<16xf32>
      %add3A_1070 = arith.constant 10 : i32
      %add3A_1071 = vector.broadcast %add3A_1070 : i32 to vector<16xi32>
      %add3A_1072 = arith.addi %get3A_943, %add3A_1071 : vector<16xi32>
      tpu.vector_store_idx %arg18[%add3A_1072, %get3A_941], %mul3A_1069 {add = true} : memref<16x512xf32, #tpu.memory_space<vmem>>[vector<16xi32>, vector<16xi32>], vector<16xf32>,
      %add3A_1073 = arith.constant 1.200000e+01 : f32
      %add3A_1074 = vector.broadcast %add3A_1073 : f32 to vector<16xf32>
      %add3A_1075 = arith.addf %add3A_952, %add3A_1074 : vector<16xf32>
      %mul3A_1076 = arith.mulf %add3A_1075, %get3A_945 : vector<16xf32>
      %mul3A_1077 = arith.mulf %mul3A_1076, %mul3A_1076 : vector<16xf32>
      %mul3A_1078 = arith.constant 0.00833333377 : f32
      %mul3A_1079 = vector.broadcast %mul3A_1078 : f32 to vector<16xf32>
      %mul3A_1080 = arith.mulf %mul3A_1077, %mul3A_1079 : vector<16xf32>
      %sub3A_1081 = arith.constant 0.166666672 : f32
      %sub3A_1082 = vector.broadcast %sub3A_1081 : f32 to vector<16xf32>
      %sub3A_1083 = arith.subf %mul3A_1080, %sub3A_1082 : vector<16xf32>
      %mul3A_1084 = arith.mulf %get3A_947, %mul3A_1076 : vector<16xf32>
      %mul3A_1085 = arith.mulf %mul3A_1077, %sub3A_1083 : vector<16xf32>
      %add3A_1086 = arith.constant 1.000000e+00 : f32
      %add3A_1087 = vector.broadcast %add3A_1086 : f32 to vector<16xf32>
      %add3A_1088 = arith.addf %mul3A_1085, %add3A_1087 : vector<16xf32>
      %mul3A_1089 = arith.mulf %mul3A_1084, %add3A_1088 : vector<16xf32>
      %add3A_1090 = arith.constant 12 : i32
      %add3A_1091 = vector.broadcast %add3A_1090 : i32 to vector<16xi32>
      %add3A_1092 = arith.addi %get3A_943, %add3A_1091 : vector<16xi32>
      tpu.vector_store_idx %arg18[%add3A_1092, %get3A_941], %mul3A_1089 {add = true} : memref<16x512xf32, #tpu.memory_space<vmem>>[vector<16xi32>, vector<16xi32>], vector<16xf32>,
      %add3A_1093 = arith.constant 1.400000e+01 : f32
      %add3A_1094 = vector.broadcast %add3A_1093 : f32 to vector<16xf32>
      %add3A_1095 = arith.addf %add3A_952, %add3A_1094 : vector<16xf32>
      %mul3A_1096 = arith.mulf %add3A_1095, %get3A_945 : vector<16xf32>
      %mul3A_1097 = arith.mulf %mul3A_1096, %mul3A_1096 : vector<16xf32>
      %mul3A_1098 = arith.constant 0.00833333377 : f32
      %mul3A_1099 = vector.broadcast %mul3A_1098 : f32 to vector<16xf32>
      %mul3A_1100 = arith.mulf %mul3A_1097, %mul3A_1099 : vector<16xf32>
      %sub3A_1101 = arith.constant 0.166666672 : f32
      %sub3A_1102 = vector.broadcast %sub3A_1101 : f32 to vector<16xf32>
      %sub3A_1103 = arith.subf %mul3A_1100, %sub3A_1102 : vector<16xf32>
      %mul3A_1104 = arith.mulf %get3A_947, %mul3A_1096 : vector<16xf32>
      %mul3A_1105 = arith.mulf %mul3A_1097, %sub3A_1103 : vector<16xf32>
      %add3A_1106 = arith.constant 1.000000e+00 : f32
      %add3A_1107 = vector.broadcast %add3A_1106 : f32 to vector<16xf32>
      %add3A_1108 = arith.addf %mul3A_1105, %add3A_1107 : vector<16xf32>
      %mul3A_1109 = arith.mulf %mul3A_1104, %add3A_1108 : vector<16xf32>
      %add3A_1110 = arith.constant 14 : i32
      %add3A_1111 = vector.broadcast %add3A_1110 : i32 to vector<16xi32>
      %add3A_1112 = arith.addi %get3A_943, %add3A_1111 : vector<16xi32>
      tpu.vector_store_idx %arg18[%add3A_1112, %get3A_941], %mul3A_1109 {add = true} : memref<16x512xf32, #tpu.memory_space<vmem>>[vector<16xi32>, vector<16xi32>], vector<16xf32>,
      %mul3A_1113 = arith.constant 16 : i32
      %mul3A_1114 = arith.muli %add3A_926, %mul3A_1113 : i32
      %add3A_1115 = arith.addi %mul3A_2, %mul3A_1114 : i32
      %dma_start3A_1116 = arith.constant 4 : i32
      %dma_start3A_1117 = arith.constant 0 : i32
      %dma_start3A_1118 = tpu.memref_slice %arg8[%add3A_1115, %dma_start3A_1117] : memref<65536x512xf32, #tpu.memory_space<hbm>> -> memref<16x512xf32, #tpu.memory_space<hbm>>
      %dma_start3A_1119 = tpu.memref_slice %arg23[%dma_start3A_1116] : memref<8x!tpu.dma_semaphore, #tpu.memory_space<semaphore_mem>> -> memref<1x!tpu.dma_semaphore, #tpu.memory_space<semaphore_mem>>
      %dma_start3A_1120 = tpu.memref_squeeze %dma_start3A_1119 : memref<1x!tpu.dma_semaphore, #tpu.memory_space<semaphore_mem>> -> memref<!tpu.dma_semaphore, #tpu.memory_space<semaphore_mem>>
      %dma_start3A_1121 = arith.constant 0 : i32
      %dma_start3A_1122 = tpu.memref_slice %arg8[%add3A_1115, %dma_start3A_1121] : memref<65536x512xf32, #tpu.memory_space<hbm>> -> memref<16x512xf32, #tpu.memory_space<hbm>>
      tpu.enqueue_dma source(%arg18 : memref<16x512xf32, #tpu.memory_space<vmem>>) target(%dma_start3A_1122 : memref<16x512xf32, #tpu.memory_space<hbm>>) target_semaphore(%dma_start3A_1120 : memref<!tpu.dma_semaphore, #tpu.memory_space<semaphore_mem>>)
      %ge3A_1123 = arith.constant 4 : i32
      %ge3A_1124 = arith.cmpi sge, %add3A_926, %ge3A_1123 : i32
      %convert_element_type3A_1125 = arith.extui %ge3A_1124 : i1 to i32
      %cond3A_1126 = arith.constant 0 : i32
      %cond3A_1127 = arith.cmpi ne, %convert_element_type3A_1125, %cond3A_1126 : i32
      scf.if %cond3A_1127 {
        %sub3A_1771 = arith.constant 4 : i32
        %sub3A_1772 = arith.subi %add3A_926, %sub3A_1771 : i32
        %mul3A_1773 = arith.constant 16 : i32
        %mul3A_1774 = arith.muli %sub3A_1772, %mul3A_1773 : i32
        %add3A_1775 = arith.addi %mul3A_2, %mul3A_1774 : i32
        %dma_wait3A_1776 = arith.constant 0 : i32
        %dma_wait3A_1777 = arith.constant 0 : i32
        %dma_wait3A_1778 = tpu.memref_slice %arg8[%add3A_1775, %dma_wait3A_1777] : memref<65536x512xf32, #tpu.memory_space<hbm>> -> memref<16x512xf32, #tpu.memory_space<hbm>>
        %dma_wait3A_1779 = tpu.memref_slice %arg23[%dma_wait3A_1776] : memref<8x!tpu.dma_semaphore, #tpu.memory_space<semaphore_mem>> -> memref<1x!tpu.dma_semaphore, #tpu.memory_space<semaphore_mem>>
        %dma_wait3A_1780 = tpu.memref_squeeze %dma_wait3A_1779 : memref<1x!tpu.dma_semaphore, #tpu.memory_space<semaphore_mem>> -> memref<!tpu.dma_semaphore, #tpu.memory_space<semaphore_mem>>
        %dma_wait3A_1781 = arith.constant 0 : i32
        %dma_wait3A_1782 = tpu.memref_slice %arg8[%add3A_1775, %dma_wait3A_1781] : memref<65536x512xf32, #tpu.memory_space<hbm>> -> memref<16x512xf32, #tpu.memory_space<hbm>>
        tpu.wait_dma2 semaphore(%dma_wait3A_1780 : memref<!tpu.dma_semaphore, #tpu.memory_space<semaphore_mem>>) src(%arg14 : memref<16x512xf32, #tpu.memory_space<vmem>>) dst(%dma_wait3A_1782 : memref<16x512xf32, #tpu.memory_space<hbm>>)
      } else {
      }
      %add3A_1128 = arith.constant 4 : i32
      %add3A_1129 = arith.addi %add3A_926, %add3A_1128 : i32
      %lt3A_1130 = arith.constant 128 : i32
      %lt3A_1131 = arith.cmpi slt, %add3A_1129, %lt3A_1130 : i32
      %convert_element_type3A_1132 = arith.extui %lt3A_1131 : i1 to i32
      %cond3A_1133 = arith.constant 0 : i32
      %cond3A_1134 = arith.cmpi ne, %convert_element_type3A_1132, %cond3A_1133 : i32
      scf.if %cond3A_1134 {
        %add3A_1771 = arith.constant 4 : i32
        %add3A_1772 = arith.addi %add3A_926, %add3A_1771 : i32
        %mul3A_1773 = arith.constant 16 : i32
        %mul3A_1774 = arith.muli %add3A_1772, %mul3A_1773 : i32
        %add3A_1775 = arith.addi %mul3A_2, %mul3A_1774 : i32
        %dma_start3A_1776 = arith.constant 0 : i32
        %dma_start3A_1777 = arith.constant 0 : i32
        %dma_start3A_1778 = tpu.memref_slice %arg7[%add3A_1775, %dma_start3A_1777] : memref<65536x512xf32, #tpu.memory_space<hbm>> -> memref<16x512xf32, #tpu.memory_space<hbm>>
        %dma_start3A_1779 = tpu.memref_slice %arg22[%dma_start3A_1776] : memref<8x!tpu.dma_semaphore, #tpu.memory_space<semaphore_mem>> -> memref<1x!tpu.dma_semaphore, #tpu.memory_space<semaphore_mem>>
        %dma_start3A_1780 = tpu.memref_squeeze %dma_start3A_1779 : memref<1x!tpu.dma_semaphore, #tpu.memory_space<semaphore_mem>> -> memref<!tpu.dma_semaphore, #tpu.memory_space<semaphore_mem>>
        %dma_start3A_1781 = arith.constant 0 : i32
        %dma_start3A_1782 = tpu.memref_slice %arg7[%add3A_1775, %dma_start3A_1781] : memref<65536x512xf32, #tpu.memory_space<hbm>> -> memref<16x512xf32, #tpu.memory_space<hbm>>
        tpu.enqueue_dma source(%dma_start3A_1782 : memref<16x512xf32, #tpu.memory_space<hbm>>) target(%arg14 : memref<16x512xf32, #tpu.memory_space<vmem>>) target_semaphore(%dma_start3A_1780 : memref<!tpu.dma_semaphore, #tpu.memory_space<semaphore_mem>>)
      } else {
      }
      %mul3A_1135 = arith.constant 8 : i32
      %mul3A_1136 = arith.muli %add3A_81, %mul3A_1135 : i32
      %add3A_1137 = arith.constant 5 : i32
      %add3A_1138 = arith.addi %mul3A_1136, %add3A_1137 : i32
      %mul3A_1139 = arith.constant 16 : i32
      %mul3A_1140 = arith.muli %add3A_1138, %mul3A_1139 : i32
      %add3A_1141 = arith.addi %mul3A_2, %mul3A_1140 : i32
      %dma_wait3A_1142 = arith.constant 5 : i32
      %dma_wait3A_1143 = arith.constant 0 : i32
      %dma_wait3A_1144 = tpu.memref_slice %arg7[%add3A_1141, %dma_wait3A_1143] : memref<65536x512xf32, #tpu.memory_space<hbm>> -> memref<16x512xf32, #tpu.memory_space<hbm>>
      %dma_wait3A_1145 = tpu.memref_slice %arg22[%dma_wait3A_1142] : memref<8x!tpu.dma_semaphore, #tpu.memory_space<semaphore_mem>> -> memref<1x!tpu.dma_semaphore, #tpu.memory_space<semaphore_mem>>
      %dma_wait3A_1146 = tpu.memref_squeeze %dma_wait3A_1145 : memref<1x!tpu.dma_semaphore, #tpu.memory_space<semaphore_mem>> -> memref<!tpu.dma_semaphore, #tpu.memory_space<semaphore_mem>>
      %dma_wait3A_1147 = arith.constant 0 : i32
      %dma_wait3A_1148 = tpu.memref_slice %arg7[%add3A_1141, %dma_wait3A_1147] : memref<65536x512xf32, #tpu.memory_space<hbm>> -> memref<16x512xf32, #tpu.memory_space<hbm>>
      tpu.wait_dma2 semaphore(%dma_wait3A_1146 : memref<!tpu.dma_semaphore, #tpu.memory_space<semaphore_mem>>) src(%dma_wait3A_1148 : memref<16x512xf32, #tpu.memory_space<hbm>>) dst(%arg19 : memref<16x512xf32, #tpu.memory_space<vmem>>)
      %mul3A_1149 = arith.constant 16 : i32
      %mul3A_1150 = arith.muli %add3A_1138, %mul3A_1149 : i32
      %add3A_1151 = arith.addi %mul3A_2, %mul3A_1150 : i32
      %get3A_1152 = arith.constant 0 : index
      %get3A_1153 = tpu.vector_load %arg9[%get3A_1152] {strides = array<i32>} : memref<16xi32, #tpu.memory_space<vmem>>, vector<16xi32>,
      %get3A_1154 = arith.constant 0 : index
      %get3A_1155 = tpu.vector_load %arg10[%get3A_1154] {strides = array<i32>} : memref<16xi32, #tpu.memory_space<vmem>>, vector<16xi32>,
      %get3A_1156 = arith.constant 0 : index
      %get3A_1157 = tpu.vector_load %arg11[%get3A_1156] {strides = array<i32>} : memref<16xf32, #tpu.memory_space<vmem>>, vector<16xf32>,
      %get3A_1158 = arith.constant 0 : index
      %get3A_1159 = tpu.vector_load %arg12[%get3A_1158] {strides = array<i32>} : memref<16xf32, #tpu.memory_space<vmem>>, vector<16xf32>,
      %convert_element_type3A_1160 = arith.sitofp %add3A_1151 : i32 to f32
      %broadcast_in_dim3A_1161 = vector.broadcast %convert_element_type3A_1160 : f32 to vector<16xf32>
      %get3A_1162 = arith.constant 0 : index
      %get3A_1163 = tpu.vector_load %arg13[%get3A_1162] {strides = array<i32>} : memref<16xf32, #tpu.memory_space<vmem>>, vector<16xf32>,
      %add3A_1164 = arith.addf %broadcast_in_dim3A_1161, %get3A_1163 : vector<16xf32>
      %add3A_1165 = arith.constant 0.000000e+00 : f32
      %add3A_1166 = vector.broadcast %add3A_1165 : f32 to vector<16xf32>
      %add3A_1167 = arith.addf %add3A_1164, %add3A_1166 : vector<16xf32>
      %mul3A_1168 = arith.mulf %add3A_1167, %get3A_1157 : vector<16xf32>
      %mul3A_1169 = arith.mulf %mul3A_1168, %mul3A_1168 : vector<16xf32>
      %mul3A_1170 = arith.constant 0.00833333377 : f32
      %mul3A_1171 = vector.broadcast %mul3A_1170 : f32 to vector<16xf32>
      %mul3A_1172 = arith.mulf %mul3A_1169, %mul3A_1171 : vector<16xf32>
      %sub3A_1173 = arith.constant 0.166666672 : f32
      %sub3A_1174 = vector.broadcast %sub3A_1173 : f32 to vector<16xf32>
      %sub3A_1175 = arith.subf %mul3A_1172, %sub3A_1174 : vector<16xf32>
      %mul3A_1176 = arith.mulf %get3A_1159, %mul3A_1168 : vector<16xf32>
      %mul3A_1177 = arith.mulf %mul3A_1169, %sub3A_1175 : vector<16xf32>
      %add3A_1178 = arith.constant 1.000000e+00 : f32
      %add3A_1179 = vector.broadcast %add3A_1178 : f32 to vector<16xf32>
      %add3A_1180 = arith.addf %mul3A_1177, %add3A_1179 : vector<16xf32>
      %mul3A_1181 = arith.mulf %mul3A_1176, %add3A_1180 : vector<16xf32>
      %add3A_1182 = arith.constant 0 : i32
      %add3A_1183 = vector.broadcast %add3A_1182 : i32 to vector<16xi32>
      %add3A_1184 = arith.addi %get3A_1155, %add3A_1183 : vector<16xi32>
      tpu.vector_store_idx %arg19[%add3A_1184, %get3A_1153], %mul3A_1181 {add = true} : memref<16x512xf32, #tpu.memory_space<vmem>>[vector<16xi32>, vector<16xi32>], vector<16xf32>,
      %add3A_1185 = arith.constant 2.000000e+00 : f32
      %add3A_1186 = vector.broadcast %add3A_1185 : f32 to vector<16xf32>
      %add3A_1187 = arith.addf %add3A_1164, %add3A_1186 : vector<16xf32>
      %mul3A_1188 = arith.mulf %add3A_1187, %get3A_1157 : vector<16xf32>
      %mul3A_1189 = arith.mulf %mul3A_1188, %mul3A_1188 : vector<16xf32>
      %mul3A_1190 = arith.constant 0.00833333377 : f32
      %mul3A_1191 = vector.broadcast %mul3A_1190 : f32 to vector<16xf32>
      %mul3A_1192 = arith.mulf %mul3A_1189, %mul3A_1191 : vector<16xf32>
      %sub3A_1193 = arith.constant 0.166666672 : f32
      %sub3A_1194 = vector.broadcast %sub3A_1193 : f32 to vector<16xf32>
      %sub3A_1195 = arith.subf %mul3A_1192, %sub3A_1194 : vector<16xf32>
      %mul3A_1196 = arith.mulf %get3A_1159, %mul3A_1188 : vector<16xf32>
      %mul3A_1197 = arith.mulf %mul3A_1189, %sub3A_1195 : vector<16xf32>
      %add3A_1198 = arith.constant 1.000000e+00 : f32
      %add3A_1199 = vector.broadcast %add3A_1198 : f32 to vector<16xf32>
      %add3A_1200 = arith.addf %mul3A_1197, %add3A_1199 : vector<16xf32>
      %mul3A_1201 = arith.mulf %mul3A_1196, %add3A_1200 : vector<16xf32>
      %add3A_1202 = arith.constant 2 : i32
      %add3A_1203 = vector.broadcast %add3A_1202 : i32 to vector<16xi32>
      %add3A_1204 = arith.addi %get3A_1155, %add3A_1203 : vector<16xi32>
      tpu.vector_store_idx %arg19[%add3A_1204, %get3A_1153], %mul3A_1201 {add = true} : memref<16x512xf32, #tpu.memory_space<vmem>>[vector<16xi32>, vector<16xi32>], vector<16xf32>,
      %add3A_1205 = arith.constant 4.000000e+00 : f32
      %add3A_1206 = vector.broadcast %add3A_1205 : f32 to vector<16xf32>
      %add3A_1207 = arith.addf %add3A_1164, %add3A_1206 : vector<16xf32>
      %mul3A_1208 = arith.mulf %add3A_1207, %get3A_1157 : vector<16xf32>
      %mul3A_1209 = arith.mulf %mul3A_1208, %mul3A_1208 : vector<16xf32>
      %mul3A_1210 = arith.constant 0.00833333377 : f32
      %mul3A_1211 = vector.broadcast %mul3A_1210 : f32 to vector<16xf32>
      %mul3A_1212 = arith.mulf %mul3A_1209, %mul3A_1211 : vector<16xf32>
      %sub3A_1213 = arith.constant 0.166666672 : f32
      %sub3A_1214 = vector.broadcast %sub3A_1213 : f32 to vector<16xf32>
      %sub3A_1215 = arith.subf %mul3A_1212, %sub3A_1214 : vector<16xf32>
      %mul3A_1216 = arith.mulf %get3A_1159, %mul3A_1208 : vector<16xf32>
      %mul3A_1217 = arith.mulf %mul3A_1209, %sub3A_1215 : vector<16xf32>
      %add3A_1218 = arith.constant 1.000000e+00 : f32
      %add3A_1219 = vector.broadcast %add3A_1218 : f32 to vector<16xf32>
      %add3A_1220 = arith.addf %mul3A_1217, %add3A_1219 : vector<16xf32>
      %mul3A_1221 = arith.mulf %mul3A_1216, %add3A_1220 : vector<16xf32>
      %add3A_1222 = arith.constant 4 : i32
      %add3A_1223 = vector.broadcast %add3A_1222 : i32 to vector<16xi32>
      %add3A_1224 = arith.addi %get3A_1155, %add3A_1223 : vector<16xi32>
      tpu.vector_store_idx %arg19[%add3A_1224, %get3A_1153], %mul3A_1221 {add = true} : memref<16x512xf32, #tpu.memory_space<vmem>>[vector<16xi32>, vector<16xi32>], vector<16xf32>,
      %add3A_1225 = arith.constant 6.000000e+00 : f32
      %add3A_1226 = vector.broadcast %add3A_1225 : f32 to vector<16xf32>
      %add3A_1227 = arith.addf %add3A_1164, %add3A_1226 : vector<16xf32>
      %mul3A_1228 = arith.mulf %add3A_1227, %get3A_1157 : vector<16xf32>
      %mul3A_1229 = arith.mulf %mul3A_1228, %mul3A_1228 : vector<16xf32>
      %mul3A_1230 = arith.constant 0.00833333377 : f32
      %mul3A_1231 = vector.broadcast %mul3A_1230 : f32 to vector<16xf32>
      %mul3A_1232 = arith.mulf %mul3A_1229, %mul3A_1231 : vector<16xf32>
      %sub3A_1233 = arith.constant 0.166666672 : f32
      %sub3A_1234 = vector.broadcast %sub3A_1233 : f32 to vector<16xf32>
      %sub3A_1235 = arith.subf %mul3A_1232, %sub3A_1234 : vector<16xf32>
      %mul3A_1236 = arith.mulf %get3A_1159, %mul3A_1228 : vector<16xf32>
      %mul3A_1237 = arith.mulf %mul3A_1229, %sub3A_1235 : vector<16xf32>
      %add3A_1238 = arith.constant 1.000000e+00 : f32
      %add3A_1239 = vector.broadcast %add3A_1238 : f32 to vector<16xf32>
      %add3A_1240 = arith.addf %mul3A_1237, %add3A_1239 : vector<16xf32>
      %mul3A_1241 = arith.mulf %mul3A_1236, %add3A_1240 : vector<16xf32>
      %add3A_1242 = arith.constant 6 : i32
      %add3A_1243 = vector.broadcast %add3A_1242 : i32 to vector<16xi32>
      %add3A_1244 = arith.addi %get3A_1155, %add3A_1243 : vector<16xi32>
      tpu.vector_store_idx %arg19[%add3A_1244, %get3A_1153], %mul3A_1241 {add = true} : memref<16x512xf32, #tpu.memory_space<vmem>>[vector<16xi32>, vector<16xi32>], vector<16xf32>,
      %add3A_1245 = arith.constant 8.000000e+00 : f32
      %add3A_1246 = vector.broadcast %add3A_1245 : f32 to vector<16xf32>
      %add3A_1247 = arith.addf %add3A_1164, %add3A_1246 : vector<16xf32>
      %mul3A_1248 = arith.mulf %add3A_1247, %get3A_1157 : vector<16xf32>
      %mul3A_1249 = arith.mulf %mul3A_1248, %mul3A_1248 : vector<16xf32>
      %mul3A_1250 = arith.constant 0.00833333377 : f32
      %mul3A_1251 = vector.broadcast %mul3A_1250 : f32 to vector<16xf32>
      %mul3A_1252 = arith.mulf %mul3A_1249, %mul3A_1251 : vector<16xf32>
      %sub3A_1253 = arith.constant 0.166666672 : f32
      %sub3A_1254 = vector.broadcast %sub3A_1253 : f32 to vector<16xf32>
      %sub3A_1255 = arith.subf %mul3A_1252, %sub3A_1254 : vector<16xf32>
      %mul3A_1256 = arith.mulf %get3A_1159, %mul3A_1248 : vector<16xf32>
      %mul3A_1257 = arith.mulf %mul3A_1249, %sub3A_1255 : vector<16xf32>
      %add3A_1258 = arith.constant 1.000000e+00 : f32
      %add3A_1259 = vector.broadcast %add3A_1258 : f32 to vector<16xf32>
      %add3A_1260 = arith.addf %mul3A_1257, %add3A_1259 : vector<16xf32>
      %mul3A_1261 = arith.mulf %mul3A_1256, %add3A_1260 : vector<16xf32>
      %add3A_1262 = arith.constant 8 : i32
      %add3A_1263 = vector.broadcast %add3A_1262 : i32 to vector<16xi32>
      %add3A_1264 = arith.addi %get3A_1155, %add3A_1263 : vector<16xi32>
      tpu.vector_store_idx %arg19[%add3A_1264, %get3A_1153], %mul3A_1261 {add = true} : memref<16x512xf32, #tpu.memory_space<vmem>>[vector<16xi32>, vector<16xi32>], vector<16xf32>,
      %add3A_1265 = arith.constant 1.000000e+01 : f32
      %add3A_1266 = vector.broadcast %add3A_1265 : f32 to vector<16xf32>
      %add3A_1267 = arith.addf %add3A_1164, %add3A_1266 : vector<16xf32>
      %mul3A_1268 = arith.mulf %add3A_1267, %get3A_1157 : vector<16xf32>
      %mul3A_1269 = arith.mulf %mul3A_1268, %mul3A_1268 : vector<16xf32>
      %mul3A_1270 = arith.constant 0.00833333377 : f32
      %mul3A_1271 = vector.broadcast %mul3A_1270 : f32 to vector<16xf32>
      %mul3A_1272 = arith.mulf %mul3A_1269, %mul3A_1271 : vector<16xf32>
      %sub3A_1273 = arith.constant 0.166666672 : f32
      %sub3A_1274 = vector.broadcast %sub3A_1273 : f32 to vector<16xf32>
      %sub3A_1275 = arith.subf %mul3A_1272, %sub3A_1274 : vector<16xf32>
      %mul3A_1276 = arith.mulf %get3A_1159, %mul3A_1268 : vector<16xf32>
      %mul3A_1277 = arith.mulf %mul3A_1269, %sub3A_1275 : vector<16xf32>
      %add3A_1278 = arith.constant 1.000000e+00 : f32
      %add3A_1279 = vector.broadcast %add3A_1278 : f32 to vector<16xf32>
      %add3A_1280 = arith.addf %mul3A_1277, %add3A_1279 : vector<16xf32>
      %mul3A_1281 = arith.mulf %mul3A_1276, %add3A_1280 : vector<16xf32>
      %add3A_1282 = arith.constant 10 : i32
      %add3A_1283 = vector.broadcast %add3A_1282 : i32 to vector<16xi32>
      %add3A_1284 = arith.addi %get3A_1155, %add3A_1283 : vector<16xi32>
      tpu.vector_store_idx %arg19[%add3A_1284, %get3A_1153], %mul3A_1281 {add = true} : memref<16x512xf32, #tpu.memory_space<vmem>>[vector<16xi32>, vector<16xi32>], vector<16xf32>,
      %add3A_1285 = arith.constant 1.200000e+01 : f32
      %add3A_1286 = vector.broadcast %add3A_1285 : f32 to vector<16xf32>
      %add3A_1287 = arith.addf %add3A_1164, %add3A_1286 : vector<16xf32>
      %mul3A_1288 = arith.mulf %add3A_1287, %get3A_1157 : vector<16xf32>
      %mul3A_1289 = arith.mulf %mul3A_1288, %mul3A_1288 : vector<16xf32>
      %mul3A_1290 = arith.constant 0.00833333377 : f32
      %mul3A_1291 = vector.broadcast %mul3A_1290 : f32 to vector<16xf32>
      %mul3A_1292 = arith.mulf %mul3A_1289, %mul3A_1291 : vector<16xf32>
      %sub3A_1293 = arith.constant 0.166666672 : f32
      %sub3A_1294 = vector.broadcast %sub3A_1293 : f32 to vector<16xf32>
      %sub3A_1295 = arith.subf %mul3A_1292, %sub3A_1294 : vector<16xf32>
      %mul3A_1296 = arith.mulf %get3A_1159, %mul3A_1288 : vector<16xf32>
      %mul3A_1297 = arith.mulf %mul3A_1289, %sub3A_1295 : vector<16xf32>
      %add3A_1298 = arith.constant 1.000000e+00 : f32
      %add3A_1299 = vector.broadcast %add3A_1298 : f32 to vector<16xf32>
      %add3A_1300 = arith.addf %mul3A_1297, %add3A_1299 : vector<16xf32>
      %mul3A_1301 = arith.mulf %mul3A_1296, %add3A_1300 : vector<16xf32>
      %add3A_1302 = arith.constant 12 : i32
      %add3A_1303 = vector.broadcast %add3A_1302 : i32 to vector<16xi32>
      %add3A_1304 = arith.addi %get3A_1155, %add3A_1303 : vector<16xi32>
      tpu.vector_store_idx %arg19[%add3A_1304, %get3A_1153], %mul3A_1301 {add = true} : memref<16x512xf32, #tpu.memory_space<vmem>>[vector<16xi32>, vector<16xi32>], vector<16xf32>,
      %add3A_1305 = arith.constant 1.400000e+01 : f32
      %add3A_1306 = vector.broadcast %add3A_1305 : f32 to vector<16xf32>
      %add3A_1307 = arith.addf %add3A_1164, %add3A_1306 : vector<16xf32>
      %mul3A_1308 = arith.mulf %add3A_1307, %get3A_1157 : vector<16xf32>
      %mul3A_1309 = arith.mulf %mul3A_1308, %mul3A_1308 : vector<16xf32>
      %mul3A_1310 = arith.constant 0.00833333377 : f32
      %mul3A_1311 = vector.broadcast %mul3A_1310 : f32 to vector<16xf32>
      %mul3A_1312 = arith.mulf %mul3A_1309, %mul3A_1311 : vector<16xf32>
      %sub3A_1313 = arith.constant 0.166666672 : f32
      %sub3A_1314 = vector.broadcast %sub3A_1313 : f32 to vector<16xf32>
      %sub3A_1315 = arith.subf %mul3A_1312, %sub3A_1314 : vector<16xf32>
      %mul3A_1316 = arith.mulf %get3A_1159, %mul3A_1308 : vector<16xf32>
      %mul3A_1317 = arith.mulf %mul3A_1309, %sub3A_1315 : vector<16xf32>
      %add3A_1318 = arith.constant 1.000000e+00 : f32
      %add3A_1319 = vector.broadcast %add3A_1318 : f32 to vector<16xf32>
      %add3A_1320 = arith.addf %mul3A_1317, %add3A_1319 : vector<16xf32>
      %mul3A_1321 = arith.mulf %mul3A_1316, %add3A_1320 : vector<16xf32>
      %add3A_1322 = arith.constant 14 : i32
      %add3A_1323 = vector.broadcast %add3A_1322 : i32 to vector<16xi32>
      %add3A_1324 = arith.addi %get3A_1155, %add3A_1323 : vector<16xi32>
      tpu.vector_store_idx %arg19[%add3A_1324, %get3A_1153], %mul3A_1321 {add = true} : memref<16x512xf32, #tpu.memory_space<vmem>>[vector<16xi32>, vector<16xi32>], vector<16xf32>,
      %mul3A_1325 = arith.constant 16 : i32
      %mul3A_1326 = arith.muli %add3A_1138, %mul3A_1325 : i32
      %add3A_1327 = arith.addi %mul3A_2, %mul3A_1326 : i32
      %dma_start3A_1328 = arith.constant 5 : i32
      %dma_start3A_1329 = arith.constant 0 : i32
      %dma_start3A_1330 = tpu.memref_slice %arg8[%add3A_1327, %dma_start3A_1329] : memref<65536x512xf32, #tpu.memory_space<hbm>> -> memref<16x512xf32, #tpu.memory_space<hbm>>
      %dma_start3A_1331 = tpu.memref_slice %arg23[%dma_start3A_1328] : memref<8x!tpu.dma_semaphore, #tpu.memory_space<semaphore_mem>> -> memref<1x!tpu.dma_semaphore, #tpu.memory_space<semaphore_mem>>
      %dma_start3A_1332 = tpu.memref_squeeze %dma_start3A_1331 : memref<1x!tpu.dma_semaphore, #tpu.memory_space<semaphore_mem>> -> memref<!tpu.dma_semaphore, #tpu.memory_space<semaphore_mem>>
      %dma_start3A_1333 = arith.constant 0 : i32
      %dma_start3A_1334 = tpu.memref_slice %arg8[%add3A_1327, %dma_start3A_1333] : memref<65536x512xf32, #tpu.memory_space<hbm>> -> memref<16x512xf32, #tpu.memory_space<hbm>>
      tpu.enqueue_dma source(%arg19 : memref<16x512xf32, #tpu.memory_space<vmem>>) target(%dma_start3A_1334 : memref<16x512xf32, #tpu.memory_space<hbm>>) target_semaphore(%dma_start3A_1332 : memref<!tpu.dma_semaphore, #tpu.memory_space<semaphore_mem>>)
      %ge3A_1335 = arith.constant 4 : i32
      %ge3A_1336 = arith.cmpi sge, %add3A_1138, %ge3A_1335 : i32
      %convert_element_type3A_1337 = arith.extui %ge3A_1336 : i1 to i32
      %cond3A_1338 = arith.constant 0 : i32
      %cond3A_1339 = arith.cmpi ne, %convert_element_type3A_1337, %cond3A_1338 : i32
      scf.if %cond3A_1339 {
        %sub3A_1771 = arith.constant 4 : i32
        %sub3A_1772 = arith.subi %add3A_1138, %sub3A_1771 : i32
        %mul3A_1773 = arith.constant 16 : i32
        %mul3A_1774 = arith.muli %sub3A_1772, %mul3A_1773 : i32
        %add3A_1775 = arith.addi %mul3A_2, %mul3A_1774 : i32
        %dma_wait3A_1776 = arith.constant 1 : i32
        %dma_wait3A_1777 = arith.constant 0 : i32
        %dma_wait3A_1778 = tpu.memref_slice %arg8[%add3A_1775, %dma_wait3A_1777] : memref<65536x512xf32, #tpu.memory_space<hbm>> -> memref<16x512xf32, #tpu.memory_space<hbm>>
        %dma_wait3A_1779 = tpu.memref_slice %arg23[%dma_wait3A_1776] : memref<8x!tpu.dma_semaphore, #tpu.memory_space<semaphore_mem>> -> memref<1x!tpu.dma_semaphore, #tpu.memory_space<semaphore_mem>>
        %dma_wait3A_1780 = tpu.memref_squeeze %dma_wait3A_1779 : memref<1x!tpu.dma_semaphore, #tpu.memory_space<semaphore_mem>> -> memref<!tpu.dma_semaphore, #tpu.memory_space<semaphore_mem>>
        %dma_wait3A_1781 = arith.constant 0 : i32
        %dma_wait3A_1782 = tpu.memref_slice %arg8[%add3A_1775, %dma_wait3A_1781] : memref<65536x512xf32, #tpu.memory_space<hbm>> -> memref<16x512xf32, #tpu.memory_space<hbm>>
        tpu.wait_dma2 semaphore(%dma_wait3A_1780 : memref<!tpu.dma_semaphore, #tpu.memory_space<semaphore_mem>>) src(%arg15 : memref<16x512xf32, #tpu.memory_space<vmem>>) dst(%dma_wait3A_1782 : memref<16x512xf32, #tpu.memory_space<hbm>>)
      } else {
      }
      %add3A_1340 = arith.constant 4 : i32
      %add3A_1341 = arith.addi %add3A_1138, %add3A_1340 : i32
      %lt3A_1342 = arith.constant 128 : i32
      %lt3A_1343 = arith.cmpi slt, %add3A_1341, %lt3A_1342 : i32
      %convert_element_type3A_1344 = arith.extui %lt3A_1343 : i1 to i32
      %cond3A_1345 = arith.constant 0 : i32
      %cond3A_1346 = arith.cmpi ne, %convert_element_type3A_1344, %cond3A_1345 : i32
      scf.if %cond3A_1346 {
        %add3A_1771 = arith.constant 4 : i32
        %add3A_1772 = arith.addi %add3A_1138, %add3A_1771 : i32
        %mul3A_1773 = arith.constant 16 : i32
        %mul3A_1774 = arith.muli %add3A_1772, %mul3A_1773 : i32
        %add3A_1775 = arith.addi %mul3A_2, %mul3A_1774 : i32
        %dma_start3A_1776 = arith.constant 1 : i32
        %dma_start3A_1777 = arith.constant 0 : i32
        %dma_start3A_1778 = tpu.memref_slice %arg7[%add3A_1775, %dma_start3A_1777] : memref<65536x512xf32, #tpu.memory_space<hbm>> -> memref<16x512xf32, #tpu.memory_space<hbm>>
        %dma_start3A_1779 = tpu.memref_slice %arg22[%dma_start3A_1776] : memref<8x!tpu.dma_semaphore, #tpu.memory_space<semaphore_mem>> -> memref<1x!tpu.dma_semaphore, #tpu.memory_space<semaphore_mem>>
        %dma_start3A_1780 = tpu.memref_squeeze %dma_start3A_1779 : memref<1x!tpu.dma_semaphore, #tpu.memory_space<semaphore_mem>> -> memref<!tpu.dma_semaphore, #tpu.memory_space<semaphore_mem>>
        %dma_start3A_1781 = arith.constant 0 : i32
        %dma_start3A_1782 = tpu.memref_slice %arg7[%add3A_1775, %dma_start3A_1781] : memref<65536x512xf32, #tpu.memory_space<hbm>> -> memref<16x512xf32, #tpu.memory_space<hbm>>
        tpu.enqueue_dma source(%dma_start3A_1782 : memref<16x512xf32, #tpu.memory_space<hbm>>) target(%arg15 : memref<16x512xf32, #tpu.memory_space<vmem>>) target_semaphore(%dma_start3A_1780 : memref<!tpu.dma_semaphore, #tpu.memory_space<semaphore_mem>>)
      } else {
      }
      %mul3A_1347 = arith.constant 8 : i32
      %mul3A_1348 = arith.muli %add3A_81, %mul3A_1347 : i32
      %add3A_1349 = arith.constant 6 : i32
      %add3A_1350 = arith.addi %mul3A_1348, %add3A_1349 : i32
      %mul3A_1351 = arith.constant 16 : i32
      %mul3A_1352 = arith.muli %add3A_1350, %mul3A_1351 : i32
      %add3A_1353 = arith.addi %mul3A_2, %mul3A_1352 : i32
      %dma_wait3A_1354 = arith.constant 6 : i32
      %dma_wait3A_1355 = arith.constant 0 : i32
      %dma_wait3A_1356 = tpu.memref_slice %arg7[%add3A_1353, %dma_wait3A_1355] : memref<65536x512xf32, #tpu.memory_space<hbm>> -> memref<16x512xf32, #tpu.memory_space<hbm>>
      %dma_wait3A_1357 = tpu.memref_slice %arg22[%dma_wait3A_1354] : memref<8x!tpu.dma_semaphore, #tpu.memory_space<semaphore_mem>> -> memref<1x!tpu.dma_semaphore, #tpu.memory_space<semaphore_mem>>
      %dma_wait3A_1358 = tpu.memref_squeeze %dma_wait3A_1357 : memref<1x!tpu.dma_semaphore, #tpu.memory_space<semaphore_mem>> -> memref<!tpu.dma_semaphore, #tpu.memory_space<semaphore_mem>>
      %dma_wait3A_1359 = arith.constant 0 : i32
      %dma_wait3A_1360 = tpu.memref_slice %arg7[%add3A_1353, %dma_wait3A_1359] : memref<65536x512xf32, #tpu.memory_space<hbm>> -> memref<16x512xf32, #tpu.memory_space<hbm>>
      tpu.wait_dma2 semaphore(%dma_wait3A_1358 : memref<!tpu.dma_semaphore, #tpu.memory_space<semaphore_mem>>) src(%dma_wait3A_1360 : memref<16x512xf32, #tpu.memory_space<hbm>>) dst(%arg20 : memref<16x512xf32, #tpu.memory_space<vmem>>)
      %mul3A_1361 = arith.constant 16 : i32
      %mul3A_1362 = arith.muli %add3A_1350, %mul3A_1361 : i32
      %add3A_1363 = arith.addi %mul3A_2, %mul3A_1362 : i32
      %get3A_1364 = arith.constant 0 : index
      %get3A_1365 = tpu.vector_load %arg9[%get3A_1364] {strides = array<i32>} : memref<16xi32, #tpu.memory_space<vmem>>, vector<16xi32>,
      %get3A_1366 = arith.constant 0 : index
      %get3A_1367 = tpu.vector_load %arg10[%get3A_1366] {strides = array<i32>} : memref<16xi32, #tpu.memory_space<vmem>>, vector<16xi32>,
      %get3A_1368 = arith.constant 0 : index
      %get3A_1369 = tpu.vector_load %arg11[%get3A_1368] {strides = array<i32>} : memref<16xf32, #tpu.memory_space<vmem>>, vector<16xf32>,
      %get3A_1370 = arith.constant 0 : index
      %get3A_1371 = tpu.vector_load %arg12[%get3A_1370] {strides = array<i32>} : memref<16xf32, #tpu.memory_space<vmem>>, vector<16xf32>,
      %convert_element_type3A_1372 = arith.sitofp %add3A_1363 : i32 to f32
      %broadcast_in_dim3A_1373 = vector.broadcast %convert_element_type3A_1372 : f32 to vector<16xf32>
      %get3A_1374 = arith.constant 0 : index
      %get3A_1375 = tpu.vector_load %arg13[%get3A_1374] {strides = array<i32>} : memref<16xf32, #tpu.memory_space<vmem>>, vector<16xf32>,
      %add3A_1376 = arith.addf %broadcast_in_dim3A_1373, %get3A_1375 : vector<16xf32>
      %add3A_1377 = arith.constant 0.000000e+00 : f32
      %add3A_1378 = vector.broadcast %add3A_1377 : f32 to vector<16xf32>
      %add3A_1379 = arith.addf %add3A_1376, %add3A_1378 : vector<16xf32>
      %mul3A_1380 = arith.mulf %add3A_1379, %get3A_1369 : vector<16xf32>
      %mul3A_1381 = arith.mulf %mul3A_1380, %mul3A_1380 : vector<16xf32>
      %mul3A_1382 = arith.constant 0.00833333377 : f32
      %mul3A_1383 = vector.broadcast %mul3A_1382 : f32 to vector<16xf32>
      %mul3A_1384 = arith.mulf %mul3A_1381, %mul3A_1383 : vector<16xf32>
      %sub3A_1385 = arith.constant 0.166666672 : f32
      %sub3A_1386 = vector.broadcast %sub3A_1385 : f32 to vector<16xf32>
      %sub3A_1387 = arith.subf %mul3A_1384, %sub3A_1386 : vector<16xf32>
      %mul3A_1388 = arith.mulf %get3A_1371, %mul3A_1380 : vector<16xf32>
      %mul3A_1389 = arith.mulf %mul3A_1381, %sub3A_1387 : vector<16xf32>
      %add3A_1390 = arith.constant 1.000000e+00 : f32
      %add3A_1391 = vector.broadcast %add3A_1390 : f32 to vector<16xf32>
      %add3A_1392 = arith.addf %mul3A_1389, %add3A_1391 : vector<16xf32>
      %mul3A_1393 = arith.mulf %mul3A_1388, %add3A_1392 : vector<16xf32>
      %add3A_1394 = arith.constant 0 : i32
      %add3A_1395 = vector.broadcast %add3A_1394 : i32 to vector<16xi32>
      %add3A_1396 = arith.addi %get3A_1367, %add3A_1395 : vector<16xi32>
      tpu.vector_store_idx %arg20[%add3A_1396, %get3A_1365], %mul3A_1393 {add = true} : memref<16x512xf32, #tpu.memory_space<vmem>>[vector<16xi32>, vector<16xi32>], vector<16xf32>,
      %add3A_1397 = arith.constant 2.000000e+00 : f32
      %add3A_1398 = vector.broadcast %add3A_1397 : f32 to vector<16xf32>
      %add3A_1399 = arith.addf %add3A_1376, %add3A_1398 : vector<16xf32>
      %mul3A_1400 = arith.mulf %add3A_1399, %get3A_1369 : vector<16xf32>
      %mul3A_1401 = arith.mulf %mul3A_1400, %mul3A_1400 : vector<16xf32>
      %mul3A_1402 = arith.constant 0.00833333377 : f32
      %mul3A_1403 = vector.broadcast %mul3A_1402 : f32 to vector<16xf32>
      %mul3A_1404 = arith.mulf %mul3A_1401, %mul3A_1403 : vector<16xf32>
      %sub3A_1405 = arith.constant 0.166666672 : f32
      %sub3A_1406 = vector.broadcast %sub3A_1405 : f32 to vector<16xf32>
      %sub3A_1407 = arith.subf %mul3A_1404, %sub3A_1406 : vector<16xf32>
      %mul3A_1408 = arith.mulf %get3A_1371, %mul3A_1400 : vector<16xf32>
      %mul3A_1409 = arith.mulf %mul3A_1401, %sub3A_1407 : vector<16xf32>
      %add3A_1410 = arith.constant 1.000000e+00 : f32
      %add3A_1411 = vector.broadcast %add3A_1410 : f32 to vector<16xf32>
      %add3A_1412 = arith.addf %mul3A_1409, %add3A_1411 : vector<16xf32>
      %mul3A_1413 = arith.mulf %mul3A_1408, %add3A_1412 : vector<16xf32>
      %add3A_1414 = arith.constant 2 : i32
      %add3A_1415 = vector.broadcast %add3A_1414 : i32 to vector<16xi32>
      %add3A_1416 = arith.addi %get3A_1367, %add3A_1415 : vector<16xi32>
      tpu.vector_store_idx %arg20[%add3A_1416, %get3A_1365], %mul3A_1413 {add = true} : memref<16x512xf32, #tpu.memory_space<vmem>>[vector<16xi32>, vector<16xi32>], vector<16xf32>,
      %add3A_1417 = arith.constant 4.000000e+00 : f32
      %add3A_1418 = vector.broadcast %add3A_1417 : f32 to vector<16xf32>
      %add3A_1419 = arith.addf %add3A_1376, %add3A_1418 : vector<16xf32>
      %mul3A_1420 = arith.mulf %add3A_1419, %get3A_1369 : vector<16xf32>
      %mul3A_1421 = arith.mulf %mul3A_1420, %mul3A_1420 : vector<16xf32>
      %mul3A_1422 = arith.constant 0.00833333377 : f32
      %mul3A_1423 = vector.broadcast %mul3A_1422 : f32 to vector<16xf32>
      %mul3A_1424 = arith.mulf %mul3A_1421, %mul3A_1423 : vector<16xf32>
      %sub3A_1425 = arith.constant 0.166666672 : f32
      %sub3A_1426 = vector.broadcast %sub3A_1425 : f32 to vector<16xf32>
      %sub3A_1427 = arith.subf %mul3A_1424, %sub3A_1426 : vector<16xf32>
      %mul3A_1428 = arith.mulf %get3A_1371, %mul3A_1420 : vector<16xf32>
      %mul3A_1429 = arith.mulf %mul3A_1421, %sub3A_1427 : vector<16xf32>
      %add3A_1430 = arith.constant 1.000000e+00 : f32
      %add3A_1431 = vector.broadcast %add3A_1430 : f32 to vector<16xf32>
      %add3A_1432 = arith.addf %mul3A_1429, %add3A_1431 : vector<16xf32>
      %mul3A_1433 = arith.mulf %mul3A_1428, %add3A_1432 : vector<16xf32>
      %add3A_1434 = arith.constant 4 : i32
      %add3A_1435 = vector.broadcast %add3A_1434 : i32 to vector<16xi32>
      %add3A_1436 = arith.addi %get3A_1367, %add3A_1435 : vector<16xi32>
      tpu.vector_store_idx %arg20[%add3A_1436, %get3A_1365], %mul3A_1433 {add = true} : memref<16x512xf32, #tpu.memory_space<vmem>>[vector<16xi32>, vector<16xi32>], vector<16xf32>,
      %add3A_1437 = arith.constant 6.000000e+00 : f32
      %add3A_1438 = vector.broadcast %add3A_1437 : f32 to vector<16xf32>
      %add3A_1439 = arith.addf %add3A_1376, %add3A_1438 : vector<16xf32>
      %mul3A_1440 = arith.mulf %add3A_1439, %get3A_1369 : vector<16xf32>
      %mul3A_1441 = arith.mulf %mul3A_1440, %mul3A_1440 : vector<16xf32>
      %mul3A_1442 = arith.constant 0.00833333377 : f32
      %mul3A_1443 = vector.broadcast %mul3A_1442 : f32 to vector<16xf32>
      %mul3A_1444 = arith.mulf %mul3A_1441, %mul3A_1443 : vector<16xf32>
      %sub3A_1445 = arith.constant 0.166666672 : f32
      %sub3A_1446 = vector.broadcast %sub3A_1445 : f32 to vector<16xf32>
      %sub3A_1447 = arith.subf %mul3A_1444, %sub3A_1446 : vector<16xf32>
      %mul3A_1448 = arith.mulf %get3A_1371, %mul3A_1440 : vector<16xf32>
      %mul3A_1449 = arith.mulf %mul3A_1441, %sub3A_1447 : vector<16xf32>
      %add3A_1450 = arith.constant 1.000000e+00 : f32
      %add3A_1451 = vector.broadcast %add3A_1450 : f32 to vector<16xf32>
      %add3A_1452 = arith.addf %mul3A_1449, %add3A_1451 : vector<16xf32>
      %mul3A_1453 = arith.mulf %mul3A_1448, %add3A_1452 : vector<16xf32>
      %add3A_1454 = arith.constant 6 : i32
      %add3A_1455 = vector.broadcast %add3A_1454 : i32 to vector<16xi32>
      %add3A_1456 = arith.addi %get3A_1367, %add3A_1455 : vector<16xi32>
      tpu.vector_store_idx %arg20[%add3A_1456, %get3A_1365], %mul3A_1453 {add = true} : memref<16x512xf32, #tpu.memory_space<vmem>>[vector<16xi32>, vector<16xi32>], vector<16xf32>,
      %add3A_1457 = arith.constant 8.000000e+00 : f32
      %add3A_1458 = vector.broadcast %add3A_1457 : f32 to vector<16xf32>
      %add3A_1459 = arith.addf %add3A_1376, %add3A_1458 : vector<16xf32>
      %mul3A_1460 = arith.mulf %add3A_1459, %get3A_1369 : vector<16xf32>
      %mul3A_1461 = arith.mulf %mul3A_1460, %mul3A_1460 : vector<16xf32>
      %mul3A_1462 = arith.constant 0.00833333377 : f32
      %mul3A_1463 = vector.broadcast %mul3A_1462 : f32 to vector<16xf32>
      %mul3A_1464 = arith.mulf %mul3A_1461, %mul3A_1463 : vector<16xf32>
      %sub3A_1465 = arith.constant 0.166666672 : f32
      %sub3A_1466 = vector.broadcast %sub3A_1465 : f32 to vector<16xf32>
      %sub3A_1467 = arith.subf %mul3A_1464, %sub3A_1466 : vector<16xf32>
      %mul3A_1468 = arith.mulf %get3A_1371, %mul3A_1460 : vector<16xf32>
      %mul3A_1469 = arith.mulf %mul3A_1461, %sub3A_1467 : vector<16xf32>
      %add3A_1470 = arith.constant 1.000000e+00 : f32
      %add3A_1471 = vector.broadcast %add3A_1470 : f32 to vector<16xf32>
      %add3A_1472 = arith.addf %mul3A_1469, %add3A_1471 : vector<16xf32>
      %mul3A_1473 = arith.mulf %mul3A_1468, %add3A_1472 : vector<16xf32>
      %add3A_1474 = arith.constant 8 : i32
      %add3A_1475 = vector.broadcast %add3A_1474 : i32 to vector<16xi32>
      %add3A_1476 = arith.addi %get3A_1367, %add3A_1475 : vector<16xi32>
      tpu.vector_store_idx %arg20[%add3A_1476, %get3A_1365], %mul3A_1473 {add = true} : memref<16x512xf32, #tpu.memory_space<vmem>>[vector<16xi32>, vector<16xi32>], vector<16xf32>,
      %add3A_1477 = arith.constant 1.000000e+01 : f32
      %add3A_1478 = vector.broadcast %add3A_1477 : f32 to vector<16xf32>
      %add3A_1479 = arith.addf %add3A_1376, %add3A_1478 : vector<16xf32>
      %mul3A_1480 = arith.mulf %add3A_1479, %get3A_1369 : vector<16xf32>
      %mul3A_1481 = arith.mulf %mul3A_1480, %mul3A_1480 : vector<16xf32>
      %mul3A_1482 = arith.constant 0.00833333377 : f32
      %mul3A_1483 = vector.broadcast %mul3A_1482 : f32 to vector<16xf32>
      %mul3A_1484 = arith.mulf %mul3A_1481, %mul3A_1483 : vector<16xf32>
      %sub3A_1485 = arith.constant 0.166666672 : f32
      %sub3A_1486 = vector.broadcast %sub3A_1485 : f32 to vector<16xf32>
      %sub3A_1487 = arith.subf %mul3A_1484, %sub3A_1486 : vector<16xf32>
      %mul3A_1488 = arith.mulf %get3A_1371, %mul3A_1480 : vector<16xf32>
      %mul3A_1489 = arith.mulf %mul3A_1481, %sub3A_1487 : vector<16xf32>
      %add3A_1490 = arith.constant 1.000000e+00 : f32
      %add3A_1491 = vector.broadcast %add3A_1490 : f32 to vector<16xf32>
      %add3A_1492 = arith.addf %mul3A_1489, %add3A_1491 : vector<16xf32>
      %mul3A_1493 = arith.mulf %mul3A_1488, %add3A_1492 : vector<16xf32>
      %add3A_1494 = arith.constant 10 : i32
      %add3A_1495 = vector.broadcast %add3A_1494 : i32 to vector<16xi32>
      %add3A_1496 = arith.addi %get3A_1367, %add3A_1495 : vector<16xi32>
      tpu.vector_store_idx %arg20[%add3A_1496, %get3A_1365], %mul3A_1493 {add = true} : memref<16x512xf32, #tpu.memory_space<vmem>>[vector<16xi32>, vector<16xi32>], vector<16xf32>,
      %add3A_1497 = arith.constant 1.200000e+01 : f32
      %add3A_1498 = vector.broadcast %add3A_1497 : f32 to vector<16xf32>
      %add3A_1499 = arith.addf %add3A_1376, %add3A_1498 : vector<16xf32>
      %mul3A_1500 = arith.mulf %add3A_1499, %get3A_1369 : vector<16xf32>
      %mul3A_1501 = arith.mulf %mul3A_1500, %mul3A_1500 : vector<16xf32>
      %mul3A_1502 = arith.constant 0.00833333377 : f32
      %mul3A_1503 = vector.broadcast %mul3A_1502 : f32 to vector<16xf32>
      %mul3A_1504 = arith.mulf %mul3A_1501, %mul3A_1503 : vector<16xf32>
      %sub3A_1505 = arith.constant 0.166666672 : f32
      %sub3A_1506 = vector.broadcast %sub3A_1505 : f32 to vector<16xf32>
      %sub3A_1507 = arith.subf %mul3A_1504, %sub3A_1506 : vector<16xf32>
      %mul3A_1508 = arith.mulf %get3A_1371, %mul3A_1500 : vector<16xf32>
      %mul3A_1509 = arith.mulf %mul3A_1501, %sub3A_1507 : vector<16xf32>
      %add3A_1510 = arith.constant 1.000000e+00 : f32
      %add3A_1511 = vector.broadcast %add3A_1510 : f32 to vector<16xf32>
      %add3A_1512 = arith.addf %mul3A_1509, %add3A_1511 : vector<16xf32>
      %mul3A_1513 = arith.mulf %mul3A_1508, %add3A_1512 : vector<16xf32>
      %add3A_1514 = arith.constant 12 : i32
      %add3A_1515 = vector.broadcast %add3A_1514 : i32 to vector<16xi32>
      %add3A_1516 = arith.addi %get3A_1367, %add3A_1515 : vector<16xi32>
      tpu.vector_store_idx %arg20[%add3A_1516, %get3A_1365], %mul3A_1513 {add = true} : memref<16x512xf32, #tpu.memory_space<vmem>>[vector<16xi32>, vector<16xi32>], vector<16xf32>,
      %add3A_1517 = arith.constant 1.400000e+01 : f32
      %add3A_1518 = vector.broadcast %add3A_1517 : f32 to vector<16xf32>
      %add3A_1519 = arith.addf %add3A_1376, %add3A_1518 : vector<16xf32>
      %mul3A_1520 = arith.mulf %add3A_1519, %get3A_1369 : vector<16xf32>
      %mul3A_1521 = arith.mulf %mul3A_1520, %mul3A_1520 : vector<16xf32>
      %mul3A_1522 = arith.constant 0.00833333377 : f32
      %mul3A_1523 = vector.broadcast %mul3A_1522 : f32 to vector<16xf32>
      %mul3A_1524 = arith.mulf %mul3A_1521, %mul3A_1523 : vector<16xf32>
      %sub3A_1525 = arith.constant 0.166666672 : f32
      %sub3A_1526 = vector.broadcast %sub3A_1525 : f32 to vector<16xf32>
      %sub3A_1527 = arith.subf %mul3A_1524, %sub3A_1526 : vector<16xf32>
      %mul3A_1528 = arith.mulf %get3A_1371, %mul3A_1520 : vector<16xf32>
      %mul3A_1529 = arith.mulf %mul3A_1521, %sub3A_1527 : vector<16xf32>
      %add3A_1530 = arith.constant 1.000000e+00 : f32
      %add3A_1531 = vector.broadcast %add3A_1530 : f32 to vector<16xf32>
      %add3A_1532 = arith.addf %mul3A_1529, %add3A_1531 : vector<16xf32>
      %mul3A_1533 = arith.mulf %mul3A_1528, %add3A_1532 : vector<16xf32>
      %add3A_1534 = arith.constant 14 : i32
      %add3A_1535 = vector.broadcast %add3A_1534 : i32 to vector<16xi32>
      %add3A_1536 = arith.addi %get3A_1367, %add3A_1535 : vector<16xi32>
      tpu.vector_store_idx %arg20[%add3A_1536, %get3A_1365], %mul3A_1533 {add = true} : memref<16x512xf32, #tpu.memory_space<vmem>>[vector<16xi32>, vector<16xi32>], vector<16xf32>,
      %mul3A_1537 = arith.constant 16 : i32
      %mul3A_1538 = arith.muli %add3A_1350, %mul3A_1537 : i32
      %add3A_1539 = arith.addi %mul3A_2, %mul3A_1538 : i32
      %dma_start3A_1540 = arith.constant 6 : i32
      %dma_start3A_1541 = arith.constant 0 : i32
      %dma_start3A_1542 = tpu.memref_slice %arg8[%add3A_1539, %dma_start3A_1541] : memref<65536x512xf32, #tpu.memory_space<hbm>> -> memref<16x512xf32, #tpu.memory_space<hbm>>
      %dma_start3A_1543 = tpu.memref_slice %arg23[%dma_start3A_1540] : memref<8x!tpu.dma_semaphore, #tpu.memory_space<semaphore_mem>> -> memref<1x!tpu.dma_semaphore, #tpu.memory_space<semaphore_mem>>
      %dma_start3A_1544 = tpu.memref_squeeze %dma_start3A_1543 : memref<1x!tpu.dma_semaphore, #tpu.memory_space<semaphore_mem>> -> memref<!tpu.dma_semaphore, #tpu.memory_space<semaphore_mem>>
      %dma_start3A_1545 = arith.constant 0 : i32
      %dma_start3A_1546 = tpu.memref_slice %arg8[%add3A_1539, %dma_start3A_1545] : memref<65536x512xf32, #tpu.memory_space<hbm>> -> memref<16x512xf32, #tpu.memory_space<hbm>>
      tpu.enqueue_dma source(%arg20 : memref<16x512xf32, #tpu.memory_space<vmem>>) target(%dma_start3A_1546 : memref<16x512xf32, #tpu.memory_space<hbm>>) target_semaphore(%dma_start3A_1544 : memref<!tpu.dma_semaphore, #tpu.memory_space<semaphore_mem>>)
      %ge3A_1547 = arith.constant 4 : i32
      %ge3A_1548 = arith.cmpi sge, %add3A_1350, %ge3A_1547 : i32
      %convert_element_type3A_1549 = arith.extui %ge3A_1548 : i1 to i32
      %cond3A_1550 = arith.constant 0 : i32
      %cond3A_1551 = arith.cmpi ne, %convert_element_type3A_1549, %cond3A_1550 : i32
      scf.if %cond3A_1551 {
        %sub3A_1771 = arith.constant 4 : i32
        %sub3A_1772 = arith.subi %add3A_1350, %sub3A_1771 : i32
        %mul3A_1773 = arith.constant 16 : i32
        %mul3A_1774 = arith.muli %sub3A_1772, %mul3A_1773 : i32
        %add3A_1775 = arith.addi %mul3A_2, %mul3A_1774 : i32
        %dma_wait3A_1776 = arith.constant 2 : i32
        %dma_wait3A_1777 = arith.constant 0 : i32
        %dma_wait3A_1778 = tpu.memref_slice %arg8[%add3A_1775, %dma_wait3A_1777] : memref<65536x512xf32, #tpu.memory_space<hbm>> -> memref<16x512xf32, #tpu.memory_space<hbm>>
        %dma_wait3A_1779 = tpu.memref_slice %arg23[%dma_wait3A_1776] : memref<8x!tpu.dma_semaphore, #tpu.memory_space<semaphore_mem>> -> memref<1x!tpu.dma_semaphore, #tpu.memory_space<semaphore_mem>>
        %dma_wait3A_1780 = tpu.memref_squeeze %dma_wait3A_1779 : memref<1x!tpu.dma_semaphore, #tpu.memory_space<semaphore_mem>> -> memref<!tpu.dma_semaphore, #tpu.memory_space<semaphore_mem>>
        %dma_wait3A_1781 = arith.constant 0 : i32
        %dma_wait3A_1782 = tpu.memref_slice %arg8[%add3A_1775, %dma_wait3A_1781] : memref<65536x512xf32, #tpu.memory_space<hbm>> -> memref<16x512xf32, #tpu.memory_space<hbm>>
        tpu.wait_dma2 semaphore(%dma_wait3A_1780 : memref<!tpu.dma_semaphore, #tpu.memory_space<semaphore_mem>>) src(%arg16 : memref<16x512xf32, #tpu.memory_space<vmem>>) dst(%dma_wait3A_1782 : memref<16x512xf32, #tpu.memory_space<hbm>>)
      } else {
      }
      %add3A_1552 = arith.constant 4 : i32
      %add3A_1553 = arith.addi %add3A_1350, %add3A_1552 : i32
      %lt3A_1554 = arith.constant 128 : i32
      %lt3A_1555 = arith.cmpi slt, %add3A_1553, %lt3A_1554 : i32
      %convert_element_type3A_1556 = arith.extui %lt3A_1555 : i1 to i32
      %cond3A_1557 = arith.constant 0 : i32
      %cond3A_1558 = arith.cmpi ne, %convert_element_type3A_1556, %cond3A_1557 : i32
      scf.if %cond3A_1558 {
        %add3A_1771 = arith.constant 4 : i32
        %add3A_1772 = arith.addi %add3A_1350, %add3A_1771 : i32
        %mul3A_1773 = arith.constant 16 : i32
        %mul3A_1774 = arith.muli %add3A_1772, %mul3A_1773 : i32
        %add3A_1775 = arith.addi %mul3A_2, %mul3A_1774 : i32
        %dma_start3A_1776 = arith.constant 2 : i32
        %dma_start3A_1777 = arith.constant 0 : i32
        %dma_start3A_1778 = tpu.memref_slice %arg7[%add3A_1775, %dma_start3A_1777] : memref<65536x512xf32, #tpu.memory_space<hbm>> -> memref<16x512xf32, #tpu.memory_space<hbm>>
        %dma_start3A_1779 = tpu.memref_slice %arg22[%dma_start3A_1776] : memref<8x!tpu.dma_semaphore, #tpu.memory_space<semaphore_mem>> -> memref<1x!tpu.dma_semaphore, #tpu.memory_space<semaphore_mem>>
        %dma_start3A_1780 = tpu.memref_squeeze %dma_start3A_1779 : memref<1x!tpu.dma_semaphore, #tpu.memory_space<semaphore_mem>> -> memref<!tpu.dma_semaphore, #tpu.memory_space<semaphore_mem>>
        %dma_start3A_1781 = arith.constant 0 : i32
        %dma_start3A_1782 = tpu.memref_slice %arg7[%add3A_1775, %dma_start3A_1781] : memref<65536x512xf32, #tpu.memory_space<hbm>> -> memref<16x512xf32, #tpu.memory_space<hbm>>
        tpu.enqueue_dma source(%dma_start3A_1782 : memref<16x512xf32, #tpu.memory_space<hbm>>) target(%arg16 : memref<16x512xf32, #tpu.memory_space<vmem>>) target_semaphore(%dma_start3A_1780 : memref<!tpu.dma_semaphore, #tpu.memory_space<semaphore_mem>>)
      } else {
      }
      %mul3A_1559 = arith.constant 8 : i32
      %mul3A_1560 = arith.muli %add3A_81, %mul3A_1559 : i32
      %add3A_1561 = arith.constant 7 : i32
      %add3A_1562 = arith.addi %mul3A_1560, %add3A_1561 : i32
      %mul3A_1563 = arith.constant 16 : i32
      %mul3A_1564 = arith.muli %add3A_1562, %mul3A_1563 : i32
      %add3A_1565 = arith.addi %mul3A_2, %mul3A_1564 : i32
      %dma_wait3A_1566 = arith.constant 7 : i32
      %dma_wait3A_1567 = arith.constant 0 : i32
      %dma_wait3A_1568 = tpu.memref_slice %arg7[%add3A_1565, %dma_wait3A_1567] : memref<65536x512xf32, #tpu.memory_space<hbm>> -> memref<16x512xf32, #tpu.memory_space<hbm>>
      %dma_wait3A_1569 = tpu.memref_slice %arg22[%dma_wait3A_1566] : memref<8x!tpu.dma_semaphore, #tpu.memory_space<semaphore_mem>> -> memref<1x!tpu.dma_semaphore, #tpu.memory_space<semaphore_mem>>
      %dma_wait3A_1570 = tpu.memref_squeeze %dma_wait3A_1569 : memref<1x!tpu.dma_semaphore, #tpu.memory_space<semaphore_mem>> -> memref<!tpu.dma_semaphore, #tpu.memory_space<semaphore_mem>>
      %dma_wait3A_1571 = arith.constant 0 : i32
      %dma_wait3A_1572 = tpu.memref_slice %arg7[%add3A_1565, %dma_wait3A_1571] : memref<65536x512xf32, #tpu.memory_space<hbm>> -> memref<16x512xf32, #tpu.memory_space<hbm>>
      tpu.wait_dma2 semaphore(%dma_wait3A_1570 : memref<!tpu.dma_semaphore, #tpu.memory_space<semaphore_mem>>) src(%dma_wait3A_1572 : memref<16x512xf32, #tpu.memory_space<hbm>>) dst(%arg21 : memref<16x512xf32, #tpu.memory_space<vmem>>)
      %mul3A_1573 = arith.constant 16 : i32
      %mul3A_1574 = arith.muli %add3A_1562, %mul3A_1573 : i32
      %add3A_1575 = arith.addi %mul3A_2, %mul3A_1574 : i32
      %get3A_1576 = arith.constant 0 : index
      %get3A_1577 = tpu.vector_load %arg9[%get3A_1576] {strides = array<i32>} : memref<16xi32, #tpu.memory_space<vmem>>, vector<16xi32>,
      %get3A_1578 = arith.constant 0 : index
      %get3A_1579 = tpu.vector_load %arg10[%get3A_1578] {strides = array<i32>} : memref<16xi32, #tpu.memory_space<vmem>>, vector<16xi32>,
      %get3A_1580 = arith.constant 0 : index
      %get3A_1581 = tpu.vector_load %arg11[%get3A_1580] {strides = array<i32>} : memref<16xf32, #tpu.memory_space<vmem>>, vector<16xf32>,
      %get3A_1582 = arith.constant 0 : index
      %get3A_1583 = tpu.vector_load %arg12[%get3A_1582] {strides = array<i32>} : memref<16xf32, #tpu.memory_space<vmem>>, vector<16xf32>,
      %convert_element_type3A_1584 = arith.sitofp %add3A_1575 : i32 to f32
      %broadcast_in_dim3A_1585 = vector.broadcast %convert_element_type3A_1584 : f32 to vector<16xf32>
      %get3A_1586 = arith.constant 0 : index
      %get3A_1587 = tpu.vector_load %arg13[%get3A_1586] {strides = array<i32>} : memref<16xf32, #tpu.memory_space<vmem>>, vector<16xf32>,
      %add3A_1588 = arith.addf %broadcast_in_dim3A_1585, %get3A_1587 : vector<16xf32>
      %add3A_1589 = arith.constant 0.000000e+00 : f32
      %add3A_1590 = vector.broadcast %add3A_1589 : f32 to vector<16xf32>
      %add3A_1591 = arith.addf %add3A_1588, %add3A_1590 : vector<16xf32>
      %mul3A_1592 = arith.mulf %add3A_1591, %get3A_1581 : vector<16xf32>
      %mul3A_1593 = arith.mulf %mul3A_1592, %mul3A_1592 : vector<16xf32>
      %mul3A_1594 = arith.constant 0.00833333377 : f32
      %mul3A_1595 = vector.broadcast %mul3A_1594 : f32 to vector<16xf32>
      %mul3A_1596 = arith.mulf %mul3A_1593, %mul3A_1595 : vector<16xf32>
      %sub3A_1597 = arith.constant 0.166666672 : f32
      %sub3A_1598 = vector.broadcast %sub3A_1597 : f32 to vector<16xf32>
      %sub3A_1599 = arith.subf %mul3A_1596, %sub3A_1598 : vector<16xf32>
      %mul3A_1600 = arith.mulf %get3A_1583, %mul3A_1592 : vector<16xf32>
      %mul3A_1601 = arith.mulf %mul3A_1593, %sub3A_1599 : vector<16xf32>
      %add3A_1602 = arith.constant 1.000000e+00 : f32
      %add3A_1603 = vector.broadcast %add3A_1602 : f32 to vector<16xf32>
      %add3A_1604 = arith.addf %mul3A_1601, %add3A_1603 : vector<16xf32>
      %mul3A_1605 = arith.mulf %mul3A_1600, %add3A_1604 : vector<16xf32>
      %add3A_1606 = arith.constant 0 : i32
      %add3A_1607 = vector.broadcast %add3A_1606 : i32 to vector<16xi32>
      %add3A_1608 = arith.addi %get3A_1579, %add3A_1607 : vector<16xi32>
      tpu.vector_store_idx %arg21[%add3A_1608, %get3A_1577], %mul3A_1605 {add = true} : memref<16x512xf32, #tpu.memory_space<vmem>>[vector<16xi32>, vector<16xi32>], vector<16xf32>,
      %add3A_1609 = arith.constant 2.000000e+00 : f32
      %add3A_1610 = vector.broadcast %add3A_1609 : f32 to vector<16xf32>
      %add3A_1611 = arith.addf %add3A_1588, %add3A_1610 : vector<16xf32>
      %mul3A_1612 = arith.mulf %add3A_1611, %get3A_1581 : vector<16xf32>
      %mul3A_1613 = arith.mulf %mul3A_1612, %mul3A_1612 : vector<16xf32>
      %mul3A_1614 = arith.constant 0.00833333377 : f32
      %mul3A_1615 = vector.broadcast %mul3A_1614 : f32 to vector<16xf32>
      %mul3A_1616 = arith.mulf %mul3A_1613, %mul3A_1615 : vector<16xf32>
      %sub3A_1617 = arith.constant 0.166666672 : f32
      %sub3A_1618 = vector.broadcast %sub3A_1617 : f32 to vector<16xf32>
      %sub3A_1619 = arith.subf %mul3A_1616, %sub3A_1618 : vector<16xf32>
      %mul3A_1620 = arith.mulf %get3A_1583, %mul3A_1612 : vector<16xf32>
      %mul3A_1621 = arith.mulf %mul3A_1613, %sub3A_1619 : vector<16xf32>
      %add3A_1622 = arith.constant 1.000000e+00 : f32
      %add3A_1623 = vector.broadcast %add3A_1622 : f32 to vector<16xf32>
      %add3A_1624 = arith.addf %mul3A_1621, %add3A_1623 : vector<16xf32>
      %mul3A_1625 = arith.mulf %mul3A_1620, %add3A_1624 : vector<16xf32>
      %add3A_1626 = arith.constant 2 : i32
      %add3A_1627 = vector.broadcast %add3A_1626 : i32 to vector<16xi32>
      %add3A_1628 = arith.addi %get3A_1579, %add3A_1627 : vector<16xi32>
      tpu.vector_store_idx %arg21[%add3A_1628, %get3A_1577], %mul3A_1625 {add = true} : memref<16x512xf32, #tpu.memory_space<vmem>>[vector<16xi32>, vector<16xi32>], vector<16xf32>,
      %add3A_1629 = arith.constant 4.000000e+00 : f32
      %add3A_1630 = vector.broadcast %add3A_1629 : f32 to vector<16xf32>
      %add3A_1631 = arith.addf %add3A_1588, %add3A_1630 : vector<16xf32>
      %mul3A_1632 = arith.mulf %add3A_1631, %get3A_1581 : vector<16xf32>
      %mul3A_1633 = arith.mulf %mul3A_1632, %mul3A_1632 : vector<16xf32>
      %mul3A_1634 = arith.constant 0.00833333377 : f32
      %mul3A_1635 = vector.broadcast %mul3A_1634 : f32 to vector<16xf32>
      %mul3A_1636 = arith.mulf %mul3A_1633, %mul3A_1635 : vector<16xf32>
      %sub3A_1637 = arith.constant 0.166666672 : f32
      %sub3A_1638 = vector.broadcast %sub3A_1637 : f32 to vector<16xf32>
      %sub3A_1639 = arith.subf %mul3A_1636, %sub3A_1638 : vector<16xf32>
      %mul3A_1640 = arith.mulf %get3A_1583, %mul3A_1632 : vector<16xf32>
      %mul3A_1641 = arith.mulf %mul3A_1633, %sub3A_1639 : vector<16xf32>
      %add3A_1642 = arith.constant 1.000000e+00 : f32
      %add3A_1643 = vector.broadcast %add3A_1642 : f32 to vector<16xf32>
      %add3A_1644 = arith.addf %mul3A_1641, %add3A_1643 : vector<16xf32>
      %mul3A_1645 = arith.mulf %mul3A_1640, %add3A_1644 : vector<16xf32>
      %add3A_1646 = arith.constant 4 : i32
      %add3A_1647 = vector.broadcast %add3A_1646 : i32 to vector<16xi32>
      %add3A_1648 = arith.addi %get3A_1579, %add3A_1647 : vector<16xi32>
      tpu.vector_store_idx %arg21[%add3A_1648, %get3A_1577], %mul3A_1645 {add = true} : memref<16x512xf32, #tpu.memory_space<vmem>>[vector<16xi32>, vector<16xi32>], vector<16xf32>,
      %add3A_1649 = arith.constant 6.000000e+00 : f32
      %add3A_1650 = vector.broadcast %add3A_1649 : f32 to vector<16xf32>
      %add3A_1651 = arith.addf %add3A_1588, %add3A_1650 : vector<16xf32>
      %mul3A_1652 = arith.mulf %add3A_1651, %get3A_1581 : vector<16xf32>
      %mul3A_1653 = arith.mulf %mul3A_1652, %mul3A_1652 : vector<16xf32>
      %mul3A_1654 = arith.constant 0.00833333377 : f32
      %mul3A_1655 = vector.broadcast %mul3A_1654 : f32 to vector<16xf32>
      %mul3A_1656 = arith.mulf %mul3A_1653, %mul3A_1655 : vector<16xf32>
      %sub3A_1657 = arith.constant 0.166666672 : f32
      %sub3A_1658 = vector.broadcast %sub3A_1657 : f32 to vector<16xf32>
      %sub3A_1659 = arith.subf %mul3A_1656, %sub3A_1658 : vector<16xf32>
      %mul3A_1660 = arith.mulf %get3A_1583, %mul3A_1652 : vector<16xf32>
      %mul3A_1661 = arith.mulf %mul3A_1653, %sub3A_1659 : vector<16xf32>
      %add3A_1662 = arith.constant 1.000000e+00 : f32
      %add3A_1663 = vector.broadcast %add3A_1662 : f32 to vector<16xf32>
      %add3A_1664 = arith.addf %mul3A_1661, %add3A_1663 : vector<16xf32>
      %mul3A_1665 = arith.mulf %mul3A_1660, %add3A_1664 : vector<16xf32>
      %add3A_1666 = arith.constant 6 : i32
      %add3A_1667 = vector.broadcast %add3A_1666 : i32 to vector<16xi32>
      %add3A_1668 = arith.addi %get3A_1579, %add3A_1667 : vector<16xi32>
      tpu.vector_store_idx %arg21[%add3A_1668, %get3A_1577], %mul3A_1665 {add = true} : memref<16x512xf32, #tpu.memory_space<vmem>>[vector<16xi32>, vector<16xi32>], vector<16xf32>,
      %add3A_1669 = arith.constant 8.000000e+00 : f32
      %add3A_1670 = vector.broadcast %add3A_1669 : f32 to vector<16xf32>
      %add3A_1671 = arith.addf %add3A_1588, %add3A_1670 : vector<16xf32>
      %mul3A_1672 = arith.mulf %add3A_1671, %get3A_1581 : vector<16xf32>
      %mul3A_1673 = arith.mulf %mul3A_1672, %mul3A_1672 : vector<16xf32>
      %mul3A_1674 = arith.constant 0.00833333377 : f32
      %mul3A_1675 = vector.broadcast %mul3A_1674 : f32 to vector<16xf32>
      %mul3A_1676 = arith.mulf %mul3A_1673, %mul3A_1675 : vector<16xf32>
      %sub3A_1677 = arith.constant 0.166666672 : f32
      %sub3A_1678 = vector.broadcast %sub3A_1677 : f32 to vector<16xf32>
      %sub3A_1679 = arith.subf %mul3A_1676, %sub3A_1678 : vector<16xf32>
      %mul3A_1680 = arith.mulf %get3A_1583, %mul3A_1672 : vector<16xf32>
      %mul3A_1681 = arith.mulf %mul3A_1673, %sub3A_1679 : vector<16xf32>
      %add3A_1682 = arith.constant 1.000000e+00 : f32
      %add3A_1683 = vector.broadcast %add3A_1682 : f32 to vector<16xf32>
      %add3A_1684 = arith.addf %mul3A_1681, %add3A_1683 : vector<16xf32>
      %mul3A_1685 = arith.mulf %mul3A_1680, %add3A_1684 : vector<16xf32>
      %add3A_1686 = arith.constant 8 : i32
      %add3A_1687 = vector.broadcast %add3A_1686 : i32 to vector<16xi32>
      %add3A_1688 = arith.addi %get3A_1579, %add3A_1687 : vector<16xi32>
      tpu.vector_store_idx %arg21[%add3A_1688, %get3A_1577], %mul3A_1685 {add = true} : memref<16x512xf32, #tpu.memory_space<vmem>>[vector<16xi32>, vector<16xi32>], vector<16xf32>,
      %add3A_1689 = arith.constant 1.000000e+01 : f32
      %add3A_1690 = vector.broadcast %add3A_1689 : f32 to vector<16xf32>
      %add3A_1691 = arith.addf %add3A_1588, %add3A_1690 : vector<16xf32>
      %mul3A_1692 = arith.mulf %add3A_1691, %get3A_1581 : vector<16xf32>
      %mul3A_1693 = arith.mulf %mul3A_1692, %mul3A_1692 : vector<16xf32>
      %mul3A_1694 = arith.constant 0.00833333377 : f32
      %mul3A_1695 = vector.broadcast %mul3A_1694 : f32 to vector<16xf32>
      %mul3A_1696 = arith.mulf %mul3A_1693, %mul3A_1695 : vector<16xf32>
      %sub3A_1697 = arith.constant 0.166666672 : f32
      %sub3A_1698 = vector.broadcast %sub3A_1697 : f32 to vector<16xf32>
      %sub3A_1699 = arith.subf %mul3A_1696, %sub3A_1698 : vector<16xf32>
      %mul3A_1700 = arith.mulf %get3A_1583, %mul3A_1692 : vector<16xf32>
      %mul3A_1701 = arith.mulf %mul3A_1693, %sub3A_1699 : vector<16xf32>
      %add3A_1702 = arith.constant 1.000000e+00 : f32
      %add3A_1703 = vector.broadcast %add3A_1702 : f32 to vector<16xf32>
      %add3A_1704 = arith.addf %mul3A_1701, %add3A_1703 : vector<16xf32>
      %mul3A_1705 = arith.mulf %mul3A_1700, %add3A_1704 : vector<16xf32>
      %add3A_1706 = arith.constant 10 : i32
      %add3A_1707 = vector.broadcast %add3A_1706 : i32 to vector<16xi32>
      %add3A_1708 = arith.addi %get3A_1579, %add3A_1707 : vector<16xi32>
      tpu.vector_store_idx %arg21[%add3A_1708, %get3A_1577], %mul3A_1705 {add = true} : memref<16x512xf32, #tpu.memory_space<vmem>>[vector<16xi32>, vector<16xi32>], vector<16xf32>,
      %add3A_1709 = arith.constant 1.200000e+01 : f32
      %add3A_1710 = vector.broadcast %add3A_1709 : f32 to vector<16xf32>
      %add3A_1711 = arith.addf %add3A_1588, %add3A_1710 : vector<16xf32>
      %mul3A_1712 = arith.mulf %add3A_1711, %get3A_1581 : vector<16xf32>
      %mul3A_1713 = arith.mulf %mul3A_1712, %mul3A_1712 : vector<16xf32>
      %mul3A_1714 = arith.constant 0.00833333377 : f32
      %mul3A_1715 = vector.broadcast %mul3A_1714 : f32 to vector<16xf32>
      %mul3A_1716 = arith.mulf %mul3A_1713, %mul3A_1715 : vector<16xf32>
      %sub3A_1717 = arith.constant 0.166666672 : f32
      %sub3A_1718 = vector.broadcast %sub3A_1717 : f32 to vector<16xf32>
      %sub3A_1719 = arith.subf %mul3A_1716, %sub3A_1718 : vector<16xf32>
      %mul3A_1720 = arith.mulf %get3A_1583, %mul3A_1712 : vector<16xf32>
      %mul3A_1721 = arith.mulf %mul3A_1713, %sub3A_1719 : vector<16xf32>
      %add3A_1722 = arith.constant 1.000000e+00 : f32
      %add3A_1723 = vector.broadcast %add3A_1722 : f32 to vector<16xf32>
      %add3A_1724 = arith.addf %mul3A_1721, %add3A_1723 : vector<16xf32>
      %mul3A_1725 = arith.mulf %mul3A_1720, %add3A_1724 : vector<16xf32>
      %add3A_1726 = arith.constant 12 : i32
      %add3A_1727 = vector.broadcast %add3A_1726 : i32 to vector<16xi32>
      %add3A_1728 = arith.addi %get3A_1579, %add3A_1727 : vector<16xi32>
      tpu.vector_store_idx %arg21[%add3A_1728, %get3A_1577], %mul3A_1725 {add = true} : memref<16x512xf32, #tpu.memory_space<vmem>>[vector<16xi32>, vector<16xi32>], vector<16xf32>,
      %add3A_1729 = arith.constant 1.400000e+01 : f32
      %add3A_1730 = vector.broadcast %add3A_1729 : f32 to vector<16xf32>
      %add3A_1731 = arith.addf %add3A_1588, %add3A_1730 : vector<16xf32>
      %mul3A_1732 = arith.mulf %add3A_1731, %get3A_1581 : vector<16xf32>
      %mul3A_1733 = arith.mulf %mul3A_1732, %mul3A_1732 : vector<16xf32>
      %mul3A_1734 = arith.constant 0.00833333377 : f32
      %mul3A_1735 = vector.broadcast %mul3A_1734 : f32 to vector<16xf32>
      %mul3A_1736 = arith.mulf %mul3A_1733, %mul3A_1735 : vector<16xf32>
      %sub3A_1737 = arith.constant 0.166666672 : f32
      %sub3A_1738 = vector.broadcast %sub3A_1737 : f32 to vector<16xf32>
      %sub3A_1739 = arith.subf %mul3A_1736, %sub3A_1738 : vector<16xf32>
      %mul3A_1740 = arith.mulf %get3A_1583, %mul3A_1732 : vector<16xf32>
      %mul3A_1741 = arith.mulf %mul3A_1733, %sub3A_1739 : vector<16xf32>
      %add3A_1742 = arith.constant 1.000000e+00 : f32
      %add3A_1743 = vector.broadcast %add3A_1742 : f32 to vector<16xf32>
      %add3A_1744 = arith.addf %mul3A_1741, %add3A_1743 : vector<16xf32>
      %mul3A_1745 = arith.mulf %mul3A_1740, %add3A_1744 : vector<16xf32>
      %add3A_1746 = arith.constant 14 : i32
      %add3A_1747 = vector.broadcast %add3A_1746 : i32 to vector<16xi32>
      %add3A_1748 = arith.addi %get3A_1579, %add3A_1747 : vector<16xi32>
      tpu.vector_store_idx %arg21[%add3A_1748, %get3A_1577], %mul3A_1745 {add = true} : memref<16x512xf32, #tpu.memory_space<vmem>>[vector<16xi32>, vector<16xi32>], vector<16xf32>,
      %mul3A_1749 = arith.constant 16 : i32
      %mul3A_1750 = arith.muli %add3A_1562, %mul3A_1749 : i32
      %add3A_1751 = arith.addi %mul3A_2, %mul3A_1750 : i32
      %dma_start3A_1752 = arith.constant 7 : i32
      %dma_start3A_1753 = arith.constant 0 : i32
      %dma_start3A_1754 = tpu.memref_slice %arg8[%add3A_1751, %dma_start3A_1753] : memref<65536x512xf32, #tpu.memory_space<hbm>> -> memref<16x512xf32, #tpu.memory_space<hbm>>
      %dma_start3A_1755 = tpu.memref_slice %arg23[%dma_start3A_1752] : memref<8x!tpu.dma_semaphore, #tpu.memory_space<semaphore_mem>> -> memref<1x!tpu.dma_semaphore, #tpu.memory_space<semaphore_mem>>
      %dma_start3A_1756 = tpu.memref_squeeze %dma_start3A_1755 : memref<1x!tpu.dma_semaphore, #tpu.memory_space<semaphore_mem>> -> memref<!tpu.dma_semaphore, #tpu.memory_space<semaphore_mem>>
      %dma_start3A_1757 = arith.constant 0 : i32
      %dma_start3A_1758 = tpu.memref_slice %arg8[%add3A_1751, %dma_start3A_1757] : memref<65536x512xf32, #tpu.memory_space<hbm>> -> memref<16x512xf32, #tpu.memory_space<hbm>>
      tpu.enqueue_dma source(%arg21 : memref<16x512xf32, #tpu.memory_space<vmem>>) target(%dma_start3A_1758 : memref<16x512xf32, #tpu.memory_space<hbm>>) target_semaphore(%dma_start3A_1756 : memref<!tpu.dma_semaphore, #tpu.memory_space<semaphore_mem>>)
      %ge3A_1759 = arith.constant 4 : i32
      %ge3A_1760 = arith.cmpi sge, %add3A_1562, %ge3A_1759 : i32
      %convert_element_type3A_1761 = arith.extui %ge3A_1760 : i1 to i32
      %cond3A_1762 = arith.constant 0 : i32
      %cond3A_1763 = arith.cmpi ne, %convert_element_type3A_1761, %cond3A_1762 : i32
      scf.if %cond3A_1763 {
        %sub3A_1771 = arith.constant 4 : i32
        %sub3A_1772 = arith.subi %add3A_1562, %sub3A_1771 : i32
        %mul3A_1773 = arith.constant 16 : i32
        %mul3A_1774 = arith.muli %sub3A_1772, %mul3A_1773 : i32
        %add3A_1775 = arith.addi %mul3A_2, %mul3A_1774 : i32
        %dma_wait3A_1776 = arith.constant 3 : i32
        %dma_wait3A_1777 = arith.constant 0 : i32
        %dma_wait3A_1778 = tpu.memref_slice %arg8[%add3A_1775, %dma_wait3A_1777] : memref<65536x512xf32, #tpu.memory_space<hbm>> -> memref<16x512xf32, #tpu.memory_space<hbm>>
        %dma_wait3A_1779 = tpu.memref_slice %arg23[%dma_wait3A_1776] : memref<8x!tpu.dma_semaphore, #tpu.memory_space<semaphore_mem>> -> memref<1x!tpu.dma_semaphore, #tpu.memory_space<semaphore_mem>>
        %dma_wait3A_1780 = tpu.memref_squeeze %dma_wait3A_1779 : memref<1x!tpu.dma_semaphore, #tpu.memory_space<semaphore_mem>> -> memref<!tpu.dma_semaphore, #tpu.memory_space<semaphore_mem>>
        %dma_wait3A_1781 = arith.constant 0 : i32
        %dma_wait3A_1782 = tpu.memref_slice %arg8[%add3A_1775, %dma_wait3A_1781] : memref<65536x512xf32, #tpu.memory_space<hbm>> -> memref<16x512xf32, #tpu.memory_space<hbm>>
        tpu.wait_dma2 semaphore(%dma_wait3A_1780 : memref<!tpu.dma_semaphore, #tpu.memory_space<semaphore_mem>>) src(%arg17 : memref<16x512xf32, #tpu.memory_space<vmem>>) dst(%dma_wait3A_1782 : memref<16x512xf32, #tpu.memory_space<hbm>>)
      } else {
      }
      %add3A_1764 = arith.constant 4 : i32
      %add3A_1765 = arith.addi %add3A_1562, %add3A_1764 : i32
      %lt3A_1766 = arith.constant 128 : i32
      %lt3A_1767 = arith.cmpi slt, %add3A_1765, %lt3A_1766 : i32
      %convert_element_type3A_1768 = arith.extui %lt3A_1767 : i1 to i32
      %cond3A_1769 = arith.constant 0 : i32
      %cond3A_1770 = arith.cmpi ne, %convert_element_type3A_1768, %cond3A_1769 : i32
      scf.if %cond3A_1770 {
        %add3A_1771 = arith.constant 4 : i32
        %add3A_1772 = arith.addi %add3A_1562, %add3A_1771 : i32
        %mul3A_1773 = arith.constant 16 : i32
        %mul3A_1774 = arith.muli %add3A_1772, %mul3A_1773 : i32
        %add3A_1775 = arith.addi %mul3A_2, %mul3A_1774 : i32
        %dma_start3A_1776 = arith.constant 3 : i32
        %dma_start3A_1777 = arith.constant 0 : i32
        %dma_start3A_1778 = tpu.memref_slice %arg7[%add3A_1775, %dma_start3A_1777] : memref<65536x512xf32, #tpu.memory_space<hbm>> -> memref<16x512xf32, #tpu.memory_space<hbm>>
        %dma_start3A_1779 = tpu.memref_slice %arg22[%dma_start3A_1776] : memref<8x!tpu.dma_semaphore, #tpu.memory_space<semaphore_mem>> -> memref<1x!tpu.dma_semaphore, #tpu.memory_space<semaphore_mem>>
        %dma_start3A_1780 = tpu.memref_squeeze %dma_start3A_1779 : memref<1x!tpu.dma_semaphore, #tpu.memory_space<semaphore_mem>> -> memref<!tpu.dma_semaphore, #tpu.memory_space<semaphore_mem>>
        %dma_start3A_1781 = arith.constant 0 : i32
        %dma_start3A_1782 = tpu.memref_slice %arg7[%add3A_1775, %dma_start3A_1781] : memref<65536x512xf32, #tpu.memory_space<hbm>> -> memref<16x512xf32, #tpu.memory_space<hbm>>
        tpu.enqueue_dma source(%dma_start3A_1782 : memref<16x512xf32, #tpu.memory_space<hbm>>) target(%arg17 : memref<16x512xf32, #tpu.memory_space<vmem>>) target_semaphore(%dma_start3A_1780 : memref<!tpu.dma_semaphore, #tpu.memory_space<semaphore_mem>>)
      } else {
      }
    }
    %scan3A_41 = arith.constant 16 : i32
    %add3A_42 = arith.constant 0 : i32
    %add3A_43 = arith.addi %mul3A_2, %add3A_42 : i32
    %dma_wait3A = arith.constant 4 : i32
    %dma_wait3A_44 = arith.constant 0 : i32
    %dma_wait3A_45 = tpu.memref_slice %arg8[%add3A_43, %dma_wait3A_44] : memref<65536x512xf32, #tpu.memory_space<hbm>> -> memref<16x512xf32, #tpu.memory_space<hbm>>
    %dma_wait3A_46 = tpu.memref_slice %arg23[%dma_wait3A] : memref<8x!tpu.dma_semaphore, #tpu.memory_space<semaphore_mem>> -> memref<1x!tpu.dma_semaphore, #tpu.memory_space<semaphore_mem>>
    %dma_wait3A_47 = tpu.memref_squeeze %dma_wait3A_46 : memref<1x!tpu.dma_semaphore, #tpu.memory_space<semaphore_mem>> -> memref<!tpu.dma_semaphore, #tpu.memory_space<semaphore_mem>>
    %dma_wait3A_48 = arith.constant 0 : i32
    %dma_wait3A_49 = tpu.memref_slice %arg8[%add3A_43, %dma_wait3A_48] : memref<65536x512xf32, #tpu.memory_space<hbm>> -> memref<16x512xf32, #tpu.memory_space<hbm>>
    tpu.wait_dma2 semaphore(%dma_wait3A_47 : memref<!tpu.dma_semaphore, #tpu.memory_space<semaphore_mem>>) src(%arg18 : memref<16x512xf32, #tpu.memory_space<vmem>>) dst(%dma_wait3A_49 : memref<16x512xf32, #tpu.memory_space<hbm>>)
    %add3A_50 = arith.constant 0 : i32
    %add3A_51 = arith.addi %mul3A_2, %add3A_50 : i32
    %dma_wait3A_52 = arith.constant 5 : i32
    %dma_wait3A_53 = arith.constant 0 : i32
    %dma_wait3A_54 = tpu.memref_slice %arg8[%add3A_51, %dma_wait3A_53] : memref<65536x512xf32, #tpu.memory_space<hbm>> -> memref<16x512xf32, #tpu.memory_space<hbm>>
    %dma_wait3A_55 = tpu.memref_slice %arg23[%dma_wait3A_52] : memref<8x!tpu.dma_semaphore, #tpu.memory_space<semaphore_mem>> -> memref<1x!tpu.dma_semaphore, #tpu.memory_space<semaphore_mem>>
    %dma_wait3A_56 = tpu.memref_squeeze %dma_wait3A_55 : memref<1x!tpu.dma_semaphore, #tpu.memory_space<semaphore_mem>> -> memref<!tpu.dma_semaphore, #tpu.memory_space<semaphore_mem>>
    %dma_wait3A_57 = arith.constant 0 : i32
    %dma_wait3A_58 = tpu.memref_slice %arg8[%add3A_51, %dma_wait3A_57] : memref<65536x512xf32, #tpu.memory_space<hbm>> -> memref<16x512xf32, #tpu.memory_space<hbm>>
    tpu.wait_dma2 semaphore(%dma_wait3A_56 : memref<!tpu.dma_semaphore, #tpu.memory_space<semaphore_mem>>) src(%arg19 : memref<16x512xf32, #tpu.memory_space<vmem>>) dst(%dma_wait3A_58 : memref<16x512xf32, #tpu.memory_space<hbm>>)
    %add3A_59 = arith.constant 0 : i32
    %add3A_60 = arith.addi %mul3A_2, %add3A_59 : i32
    %dma_wait3A_61 = arith.constant 6 : i32
    %dma_wait3A_62 = arith.constant 0 : i32
    %dma_wait3A_63 = tpu.memref_slice %arg8[%add3A_60, %dma_wait3A_62] : memref<65536x512xf32, #tpu.memory_space<hbm>> -> memref<16x512xf32, #tpu.memory_space<hbm>>
    %dma_wait3A_64 = tpu.memref_slice %arg23[%dma_wait3A_61] : memref<8x!tpu.dma_semaphore, #tpu.memory_space<semaphore_mem>> -> memref<1x!tpu.dma_semaphore, #tpu.memory_space<semaphore_mem>>
    %dma_wait3A_65 = tpu.memref_squeeze %dma_wait3A_64 : memref<1x!tpu.dma_semaphore, #tpu.memory_space<semaphore_mem>> -> memref<!tpu.dma_semaphore, #tpu.memory_space<semaphore_mem>>
    %dma_wait3A_66 = arith.constant 0 : i32
    %dma_wait3A_67 = tpu.memref_slice %arg8[%add3A_60, %dma_wait3A_66] : memref<65536x512xf32, #tpu.memory_space<hbm>> -> memref<16x512xf32, #tpu.memory_space<hbm>>
    tpu.wait_dma2 semaphore(%dma_wait3A_65 : memref<!tpu.dma_semaphore, #tpu.memory_space<semaphore_mem>>) src(%arg20 : memref<16x512xf32, #tpu.memory_space<vmem>>) dst(%dma_wait3A_67 : memref<16x512xf32, #tpu.memory_space<hbm>>)
    %add3A_68 = arith.constant 0 : i32
    %add3A_69 = arith.addi %mul3A_2, %add3A_68 : i32
    %dma_wait3A_70 = arith.constant 7 : i32
    %dma_wait3A_71 = arith.constant 0 : i32
    %dma_wait3A_72 = tpu.memref_slice %arg8[%add3A_69, %dma_wait3A_71] : memref<65536x512xf32, #tpu.memory_space<hbm>> -> memref<16x512xf32, #tpu.memory_space<hbm>>
    %dma_wait3A_73 = tpu.memref_slice %arg23[%dma_wait3A_70] : memref<8x!tpu.dma_semaphore, #tpu.memory_space<semaphore_mem>> -> memref<1x!tpu.dma_semaphore, #tpu.memory_space<semaphore_mem>>
    %dma_wait3A_74 = tpu.memref_squeeze %dma_wait3A_73 : memref<1x!tpu.dma_semaphore, #tpu.memory_space<semaphore_mem>> -> memref<!tpu.dma_semaphore, #tpu.memory_space<semaphore_mem>>
    %dma_wait3A_75 = arith.constant 0 : i32
    %dma_wait3A_76 = tpu.memref_slice %arg8[%add3A_69, %dma_wait3A_75] : memref<65536x512xf32, #tpu.memory_space<hbm>> -> memref<16x512xf32, #tpu.memory_space<hbm>>
    tpu.wait_dma2 semaphore(%dma_wait3A_74 : memref<!tpu.dma_semaphore, #tpu.memory_space<semaphore_mem>>) src(%arg21 : memref<16x512xf32, #tpu.memory_space<vmem>>) dst(%dma_wait3A_76 : memref<16x512xf32, #tpu.memory_space<hbm>>)
    return
  }
}

</mosaic_0001>

<sc_bundles>
// kernel: kernel.3.cloned.1.call-start
scs
__scs_entry_jumppad:
0x0: {  	(pc) =	sbr.rel $0x88, $3  }
0x1: {  	(tag) =	ssettag $0x0;
	lr =	simm.s32 $0x1  }
0x2: {  	[smem:$0x3FA0] =	sst lr;
	_ =	strace $0xD0000000  }
0x3: {  	_ = 	snop  }
0x4: {  	_ = 	snop  }
0x5: {  	_ = 	snop  }
0x6: {  	_ = 	snop  }
0x7: {  	_ = 	snop  }
__scs_overlays_trampoline_lowered:
0x8: {  	[smem:$0x3FAF] =	sst s0  }
0x9: {  	[smem:$0x3FB0] =	sst s1  }
0xa: {  	[smem:$0x3FB1] =	sst s2  }
0xb: {  	[smem:$0x3FB2] =	sst s3  }
0xc: {  	[smem:$0x3FB3] =	sst s4  }
0xd: {  	[smem:$0x3FB4] =	sst s5  }
0xe: {  	[smem:$0x3FB5] =	sst s6  }
0xf: {  	[smem:$0x3FB6] =	sst s7  }
0x10: {  	[smem:$0x3FB7] =	sst s8  }
0x11: {  	[smem:$0x3FB8] =	sst s9;
	s0 =	simm.s32 @!p0 $0x0  }
0x12: {  	s1 =	sld [smem:$0x3F9E];
	s0 =	simm.s32 @p0 $0x1  }
0x13: {  	[smem:$0x3FB9] =	sst s0;
	s0 =	simm.s32 @!p1 $0x0  }
0x14: {  	s2 =	sld [smem:$0x3F9D];
	s0 =	simm.s32 @p1 $0x1  }
0x15: {  	[smem:$0x3FBA] =	sst s0;
	s0 =	simm.s32 @!p2 $0x0  }
0x16: {  	s3 =	sld [smem:$0x3FDB];
	s0 =	simm.s32 @p2 $0x1  }
0x17: {  	s4 =	simm.s32 $0x1BF5;
	[smem:$0x3FBC] =	sst s0  }
0x18: {  	s0 =	sld [smem:$0x3F9F];
	_ =	swait.ge [sflag:s4], $0x0  }
0x19: {  	s7 =	sld [smem:$0x3FA0]  }
0x1a: {  	s8 =	sadd.s32 $0xFFFFE003, lr  }
0x1b: {  	s9 =	sadd.s32 $0xFFFFFEF7, lr;
	s5 =	simm.s32 $0xFFFFFFFF;
	p2 =	slt.u32 s8, $0xFFFFF086  }
0x1c: {  	p1 =	slt.u32 s9, $0xF7A;
	s5 =	simm.s32 @!p2 $0x0  }
0x1d: {  	s5 =	simm.s32 @p1 $0x1;
	p0 =	seq.s32 s7, s2  }
0x1e: {  	s7 =	smul.u32 @!p0 $0xF7A, s2;
	p2 =	seq.s32 @!p0 s5, $0x0  }
0x1f: {  	s9 =	smul.u32 $0xF7A, s1;
	s8 =	simm.s32 @!p0 $0x1BF5;
	p2 =	por !p2, p0  }
0x20: {  	[sflag:s8] =	ssyncset.s32 @!p0 $0xFFFFF086;
	s6 =	sadd.s32 @!p0 s3, s7;
	s7 =	simm.s32 @!p0 $0x108  }
0x21: {  	s3 =	sadd.s32 s3, s9;
	s6 =	sadd.s32 @!p0 $0x88, s6;
	s7 =	simm.s32 @p2 $0x1082  }
0x22: {  	[simem:s7], [sflag:s8] =	dma.local @!p0 [hbm:s6], $0xF7A  }
0x23: {  	s9 =	sor.u32 $0xD0000000, s2;
	s6 =	simm.s32 $0x108;
	_ =	swait.ge @!p0 [sflag:s8], $0x0  }
0x24: {  	s3 =	sadd.s32 $0x88, s3;
	s6 =	simm.s32 @!p1 $0x1082;
	[sflag:s4] =	ssyncset.s32 $0xFFFFF086  }
0x25: {  	[simem:s6], [sflag:s4] =	dma.local [hbm:s3], $0xF7A  }
0x26: {  	[smem:$0x3FA0] =	sst s1;
	(tag) =	ssettag s2;
	_ =	strace s9  }
0x27: {  	s1 =	sld [smem:$0x3FB0]  }
0x28: {  	s2 =	sld [smem:$0x3FB1]  }
0x29: {  	s4 =	sld [smem:$0x3FB3]  }
0x2a: {  	p0 =	seq.s32 s5, $0x0;
	s5 =	sld [smem:$0x3FB4]  }
0x2b: {  	s6 =	sld [smem:$0x3FB5]  }
0x2c: {  	s7 =	sld [smem:$0x3FB6]  }
0x2d: {  	s3 =	simm.s32 $0x108;
	s8 =	sld [smem:$0x3FB7]  }
0x2e: {  	s3 =	simm.s32 @!p0 $0x1082;
	s9 =	sld [smem:$0x3FB8]  }
0x2f: {  	lr =	sadd.s32 s0, s3;
	s0 =	sld [smem:$0x3FAF]  }
0x30: {  	s3 =	sld [smem:$0x3FB2]  }
0x31: {  	[smem:$0x3FBB] =	sst s10  }
0x32: {  	s10 =	sld [smem:$0x3FB9];
	_ =	sdelay $0x3  }
0x33: {  	p0 =	seq.s32 s10, $0x1;
	s10 =	sld [smem:$0x3FBB];
	_ =	sdelay $0x3  }
0x34: {  	[smem:$0x3FBB] =	sst s10  }
0x35: {  	s10 =	sld [smem:$0x3FBA];
	_ =	sdelay $0x3  }
0x36: {  	p1 =	seq.s32 s10, $0x1;
	s10 =	sld [smem:$0x3FBB];
	_ =	sdelay $0x3  }
0x37: {  	[smem:$0x3FBB] =	sst s10  }
0x38: {  	s10 =	sld [smem:$0x3FBC]  }
0x39: {  	_ = 	snop;
	(pc) =	sbr.ind lr, $3  }
0x3a: {  	_ = 	snop  }
0x3b: {  	_ = 	snop  }
0x3c: {  	p2 =	seq.s32 s10, $0x1;
	s10 =	sld [smem:$0x3FBB]  }
0x3d: {  	_ =	shalt  }
0x3e: {  	_ =	shalt  }
0x3f: {  	_ =	shalt  }
0x40: {  	_ =	shalt  }
0x41: {  	_ =	shalt  }
0x42: {  	_ =	shalt  }
0x43: {  	_ =	shalt  }
0x44: {  	_ =	shalt  }
0x45: {  	_ =	shalt  }
0x46: {  	_ =	shalt  }
0x47: {  	_ =	shalt  }
0x48: {  	_ =	shalt  }
0x49: {  	_ =	shalt  }
0x4a: {  	_ =	shalt  }
0x4b: {  	_ =	shalt  }
0x4c: {  	_ =	shalt  }
0x4d: {  	_ =	shalt  }
0x4e: {  	_ =	shalt  }
0x4f: {  	_ =	shalt  }
0x50: {  	_ =	shalt  }
0x51: {  	_ =	shalt  }
0x52: {  	_ =	shalt  }
0x53: {  	_ =	shalt  }
0x54: {  	_ =	shalt  }
0x55: {  	_ =	shalt  }
0x56: {  	_ =	shalt  }
0x57: {  	_ =	shalt  }
0x58: {  	_ =	shalt  }
0x59: {  	_ =	shalt  }
0x5a: {  	_ =	shalt  }
0x5b: {  	_ =	shalt  }
0x5c: {  	_ =	shalt  }
0x5d: {  	_ =	shalt  }
0x5e: {  	_ =	shalt  }
0x5f: {  	_ =	shalt  }
0x60: {  	_ =	shalt  }
0x61: {  	_ =	shalt  }
0x62: {  	_ =	shalt  }
0x63: {  	_ =	shalt  }
0x64: {  	_ =	shalt  }
0x65: {  	_ =	shalt  }
0x66: {  	_ =	shalt  }
0x67: {  	_ =	shalt  }
0x68: {  	_ =	shalt  }
0x69: {  	_ =	shalt  }
0x6a: {  	_ =	shalt  }
0x6b: {  	_ =	shalt  }
0x6c: {  	_ =	shalt  }
0x6d: {  	_ =	shalt  }
0x6e: {  	_ =	shalt  }
0x6f: {  	_ =	shalt  }
0x70: {  	_ =	shalt  }
0x71: {  	_ =	shalt  }
0x72: {  	_ =	shalt  }
0x73: {  	_ =	shalt  }
0x74: {  	_ =	shalt  }
0x75: {  	_ =	shalt  }
0x76: {  	_ =	shalt  }
0x77: {  	_ =	shalt  }
0x78: {  	_ =	shalt  }
0x79: {  	_ =	shalt  }
0x7a: {  	_ =	shalt  }
0x7b: {  	_ =	shalt  }
0x7c: {  	_ =	shalt  }
0x7d: {  	_ =	shalt  }
0x7e: {  	_ =	shalt  }
0x7f: {  	_ =	shalt  }
0x80: {  	_ =	shalt  }
0x81: {  	_ =	shalt  }
0x82: {  	_ =	shalt  }
0x83: {  	_ =	shalt  }
0x84: {  	_ =	shalt  }
0x85: {  	_ =	shalt  }
0x86: {  	_ =	shalt  }
0x87: {  	_ =	shalt  }
.Lfunc_end0:
.L_simem_size_0:
called_computation_lowered:
.L_overlay_start_0:
0x88: {  	s2 =	sld [smem:$0x3FD9]  }
0x89: {  	s3 =	sld [smem:$0x3FFE];
	_ =	sdelay $0x1  }
0x8a: {  	s1 =	srdreg.scid  }
0x8b: {  	s0 =	sand.u32 $0x1, s1  }
0x8c: {  	s17 =	sshll.u32 s0, $0xA;
	s2 =	sadd.s32 s3, s2  }
0x8d: {  	s2 =	sadd.s32 s2, s17  }
0x8e: {  	[smem:$0x3FC7] =	sst s2  }
0x8f: {  	_ = 	snop  }
0x90: {  	s2 =	sld [smem:$0x3FC9]  }
0x91: {  	s18 =	sld [smem:$0x3FD0];
	(tm) =	ssettm $0x1  }
0x92: {  	s4 =	sld [smem:$0x3FFB];
	_ =	sdelay $0x3  }
0x93: {  	_ =	strace s4  }
0x94: {  	s4 =	sld [smem:$0x3FFC];
	_ =	sdelay $0x3  }
0x95: {  	_ =	strace s4  }
0x96: {  	s4 =	sld [smem:$0x3FFD];
	_ =	sdelay $0x3  }
0x97: {  	_ =	strace s4  }
0x98: {  	_ =	strace $0x8FFFFFFF  }
0x99: {  	s19 =	sld [smem:$0x3FDB];
	_ =	sdelay $0x1  }
0x9a: {  	s5 =	simm.s32 $_scs_section_size  }
0x9b: {  	s6 =	simm.s32 $_size__tile_overlayer_lowered;
	s7 =	simm.s32 $_tile_overlayer_lowered  }
0x9c: {  	s22 =	simm.s32 $0x1BFF;
	s21 =	sshll.u32 s7, $0x1;
	s4 =	sadd.s32 s5, s19  }
0x9d: {  	s8 =	simm.s32 $0x0;
	s20 =	sshll.u32 s6, $0x1;
	s6 =	sadd.s32 s21, s4  }
0x9e: {  	[timem:s8], [sflag:s22] =	dma.local [hbm:s6], s20  }
0x9f: {  	_ =	swait.ge [sflag:s22], s20  }
0xa0: {  	s5 =	ssub.s32 $0x0, s20;
	[sflag:s22] =	ssyncset.done $0x0  }
0xa1: {  	[sflag:s22] =	ssyncadd.s32 s5;
	_ =	sdelay $0x1  }
0xa2: {  	s23 =	simm.s32 $0x1B8B  }
0xa3: {  	_ =	swait.ge [sflag:s23], $0x1  }
0xa4: {  	[sflag:s23] =	ssyncset.done $0x0  }
0xa5: {  	s25 =	simm.s32 $0x1B8E;
	s24 =	sld [smem:$0x3FFE];
	[sflag:s23] =	ssyncadd.s32 $0xFFFFFFFF  }
0xa6: {  	s26 =	simm.s32 $execute0_lowered;
	[smem:$0x3FD2] =	sst s25  }
0xa7: {  	s6 =	sshll.u32 s26, $0x1;
	_ =	strace $0x80000046;
	[dreg:$0x1] =	wrdreg $0xFFFFFFFF  }
0xa8: {  	s28 =	simm.s32 $_size_execute0_lowered;
	s4 =	sadd.s32 s4, s6;
	[dreg:$0x0] =	wrdreg $0x0  }
0xa9: {  	s6 =	sshll.u32 s28, $0x1;
	[dreg:$0x2] =	wrdreg s4  }
0xaa: {  	[dreg:$0x3] =	wrdreg s6  }
0xab: {  	[dreg:$0x4] =	wrdreg $0xC0  }
0xac: {  	_ =	task [dreg:s8], $0x5FFFF  }
0xad: {  	[dreg:$0x1] =	wrdreg $0xFFFFFFFF  }
0xae: {  	[dreg:$0x0] =	wrdreg $0x60  }
0xaf: {  	[dreg:$0x2] =	wrdreg s24  }
0xb0: {  	[dreg:$0x3] =	wrdreg s2  }
0xb1: {  	[dreg:$0x4] =	wrdreg s18  }
0xb2: {  	[dreg:$0x5] =	wrdreg $0x9  }
0xb3: {  	_ =	task.clear_ibuf [dreg:s8], $0x6FFFF;
	_ =	strace $0x90000046  }
0xb4: {  	s29 =	simm.s32 $0x9;
	_ =	strace $0x80000048  }
0xb5: {  	_ =	swait.ge [sflag:s29], $0x1  }
0xb6: {  	[sflag:s29] =	ssyncadd.s32 $0xFFFFFFFF  }
0xb7: {  	_ =	strace $0x90000048  }
0xb8: {  	_ =	sfence  }
0xb9: {  	s30 =	sld [smem:$0x0];
	_ =	sdelay $0x2  }
0xba: {  	s31 =	sshll.u32 s1, $0xD;
	s1 =	sshrl.u32 s1, $0x2  }
0xbb: {  	s3 =	sand.u32 $0x4000, s31;
	s1 =	sadd.s32 s1, s30  }
0xbc: {  	s0 =	sor.u32 s3, s0;
	s1 =	sshll.u32 s1, $0x11  }
0xbd: {  	s0 =	sor.u32 s1, s0  }
0xbe: {  	s0 =	sadd.s32 $0x8F2B, s0  }
0xbf: {  	[sflag:s0] =	ssyncadd.remote.s32 $0x1  }
0xc0: {  	_ =	sfence.sel $0xFFFF  }
0xc1: {  	[dreg:$0x0] =	wrdreg $0xFFFFFFFF;
	(pc) =	sbr.abs _section_cstart, $3  }
0xc2: {  	[dreg:$0x1] =	wrdreg $0xFFFFFFFF  }
0xc3: {  	_ =	task.clear_ibuf [dreg:s8], $0x2FFFF;
	_ =	strace $0x9FFFFFFF  }
0xc4: {  	(tm) =	ssettm $0x7FFFFFFF  }
0xc5: {  	_ =	shalt  }
tec
execute0_lowered:
.L_overlay_start_1:
0x0: {  	(tag) =	ssettag $0x1  }
0x1: {  	s0 =	rddreg [dreg:$0x0]  }
0x2: {  	s1 =	rddreg [dreg:$0x1]  }
0x3: {  	s3 =	rddreg [dreg:$0x2];
	s2 =	simm.s32 $0x0;
	s4 =	srdreg.scid  }
0x4: {  	s8 =	stileid.u32;
	s28 =	simm.s32 $0x2;
	s29 =	simm.s32 $0xA280  }
0x5: {  	s30 =	simm.s32 $0x3;
	s31 =	simm.s32 $0xC280;
	s9 =	simm.s32 $0x0  }
0x6: {  	[smem:$0x7FF] =	sst s2;
	s4 =	sand.u32 $0x1, s4;
	s7 =	sadd.s32 $0x6C00, s0  }
0x7: {  	s17 =	sadd.s32 $0x4C00, s0;
	_ =	strace $0x80000047;
	[dreg:$0x4] =	wrdreg s7  }
0x8: {  	s5 =	sshll.u32 s8, $0xC;
	s18 =	sadd.s32 $0x5000, s0;
	[dreg:$0x5] =	wrdreg s17  }
0x9: {  	s20 =	sadd.s32 $0x5400, s0;
	s0 =	sadd.s32 $0x5200, s0;
	[dreg:$0x7] =	wrdreg s18  }
0xa: {  	s26 =	sshll.u32 s8, $0x12;
	s6 =	sshll.u32 s4, $0xB;
	[dreg:$0x8] =	wrdreg s20  }
0xb: {  	s19 =	ssub.s32 $0x2, s4;
	[dreg:$0xa] =	wrdreg s0;
	s4 =	sshll.u32 s4, $0x11  }
0xc: {  	s3 =	sadd.s32 s26, s3;
	s17 =	simm.s32 $0x5;
	s18 =	simm.s32 $0x9  }
0xd: {  	s20 =	simm.s32 $0xA;
	s7 =	simm.s32 $0xC;
	s6 =	sor.u32 s6, s5  }
0xe: {  	s21 =	sshrl.u32 s19, $0x1;
	s15 =	sadd.s32 s4, s3;
	s3 =	simm.s32 $0x7  }
0xf: {  	[dreg:$0x6] =	wrdreg s6;
	s6 =	sshll.u32 s6, $0x6;
	s22 =	ssub.s32 s19, s21  }
0x10: {  	s21 =	simm.s32 $0x280;
	s19 =	simm.s32 $0x6;
	s6 =	sadd.s32 s1, s6  }
0x11: {  	s1 =	sadd.s32 s26, s1;
	s0 =	smax.u32 s22, $0x1;
	s22 =	simm.s32 $0x2280  }
0x12: {  	s26 =	simm.s32 $0x8280;
	s23 =	sadd.s32 $0x400, s6;
	[dreg:$0x9] =	wrdreg s6  }
.Ltmp0:
0x13: {  	s24 =	sadd.s32 $0x800, s6;
	[dreg:$0xe] =	wrdreg s0;
	(pc) =	sbr.rel .LBB2_1-.Ltmp0, $4  }
0x14: {  	s25 =	sadd.s32 $0xC00, s6;
	s14 =	sadd.s32 s4, s1;
	[dreg:$0xb] =	wrdreg s23  }
0x15: {  	s0 =	simm.s32 $0x4;
	s1 =	simm.s32 $0xE280;
	[dreg:$0xc] =	wrdreg s24  }
0x16: {  	s4 =	simm.s32 $0xB;
	s6 =	simm.s32 $0x8;
	[dreg:$0xd] =	wrdreg s25  }
0x17: {  	s23 =	simm.s32 $0x4280;
	s24 =	simm.s32 $0x6280;
	s25 =	simm.s32 $0x1  }
.LBB2_4:
0x18: {  	s5 =	simm.s32 $0xD  }
0x19: {  	_ =	swait.ge [sflag:s5], $0x2000  }
0x1a: {  	[sflag:s5] =	ssyncset.done $0x0  }
0x1b: {  	s12 =	simm.s32 $0xE;
	[sflag:s5] =	ssyncadd.s32 $0xFFFFE000  }
0x1c: {  	_ =	swait.ge [sflag:s12], $0x2000  }
0x1d: {  	[sflag:s12] =	ssyncset.done $0x0  }
0x1e: {  	s13 =	simm.s32 $0xF;
	[sflag:s12] =	ssyncadd.s32 $0xFFFFE000  }
0x1f: {  	_ =	swait.ge [sflag:s13], $0x2000  }
0x20: {  	[sflag:s13] =	ssyncset.done $0x0  }
0x21: {  	s8 =	simm.s32 $0x10;
	[sflag:s13] =	ssyncadd.s32 $0xFFFFE000  }
0x22: {  	_ =	swait.ge [sflag:s8], $0x2000  }
0x23: {  	s9 =	rddreg [dreg:$0xf]  }
0x24: {  	s16 =	rddreg [dreg:$0xe];
	s9 =	sadd.s32 $0x1, s9  }
0x25: {  	p0 =	sne.s32 s9, s16  }
.Ltmp1:
0x26: {  	_ = 	snop;
	(pc) =	sbr.rel @!p0 .LBB2_5-.Ltmp1, $3  }
0x27: {  	_ =	sdelay $0x1  }
0x28: {  	[sflag:s8] =	ssyncset.done $0x0  }
0x29: {  	[sflag:s8] =	ssyncadd.s32 $0xFFFFE000  }
.LBB2_1:
0x2a: {  	[dreg:$0xf] =	wrdreg s9  }
0x2b: {  	s5 =	rddreg [dreg:$0x4];
	s8 =	simm.s32 $0x11  }
0x2c: {  	[tilespmem:s2], [sflag:$0x11] =	stream.linear.gather [hbm4b:s5+s2], $0x80, $0x38;
	[tilespmem:$0x10280] =	vst v63  }
0x2d: {  	_ =	swait.ge [sflag:s8], $0x80  }
0x2e: {  	[sflag:s8] =	ssyncset.done $0x0  }
0x2f: {  	s10 =	simm.s32 $0x80;
	s9 =	rddreg [dreg:$0x5];
	[sflag:s8] =	ssyncadd.s32 $0xFFFFFF80  }
0x30: {  	[tilespmem:s10], [sflag:$0x11] =	stream.linear.gather [hbm4b:s9+s2], $0x80, $0x38;
	[tilespmem:$0x10280] =	vst v63  }
0x31: {  	_ =	swait.ge [sflag:s8], $0x80  }
0x32: {  	[sflag:s8] =	ssyncset.done $0x0  }
0x33: {  	s12 =	simm.s32 $0x100;
	s11 =	rddreg [dreg:$0x7];
	[sflag:s8] =	ssyncadd.s32 $0xFFFFFF80  }
0x34: {  	[tilespmem:s12], [sflag:$0x11] =	stream.linear.gather [hbm4b:s11+s2], $0x80, $0x38;
	[tilespmem:$0x10280] =	vst v63  }
0x35: {  	_ =	swait.ge [sflag:s8], $0x80  }
0x36: {  	[sflag:s8] =	ssyncset.done $0x0  }
0x37: {  	s16 =	simm.s32 $0x180;
	s13 =	rddreg [dreg:$0x8];
	[sflag:s8] =	ssyncadd.s32 $0xFFFFFF80  }
0x38: {  	[tilespmem:s16], [sflag:$0x11] =	stream.linear.gather [hbm4b:s13+s2], $0x80, $0x38;
	[tilespmem:$0x10280] =	vst v63  }
0x39: {  	_ =	swait.ge [sflag:s8], $0x80  }
0x3a: {  	[sflag:s8] =	ssyncset.done $0x0  }
0x3b: {  	s10 =	simm.s32 $0x200;
	s9 =	rddreg [dreg:$0xa];
	[sflag:s8] =	ssyncadd.s32 $0xFFFFFF80  }
0x3c: {  	[tilespmem:s10], [sflag:$0x11] =	stream.linear.gather [hbm4b:s9+s2], $0x80, $0x38;
	[tilespmem:$0x10280] =	vst v63  }
0x3d: {  	_ =	swait.ge [sflag:s8], $0x80  }
0x3e: {  	[sflag:s8] =	ssyncset.done $0x0;
	s11 =	rddreg [dreg:$0x9]  }
0x3f: {  	s12 =	rddreg [dreg:$0xb];
	[sflag:s8] =	ssyncadd.s32 $0xFFFFFF80  }
0x40: {  	[tilespmem:s21], [sflag:$0x1] =	stream.linear.gather [hbm4b:s11+s2], $0x2000, $0x38;
	[tilespmem:$0x10280] =	vst v63  }
0x41: {  	s13 =	rddreg [dreg:$0xc]  }
0x42: {  	[tilespmem:s22], [sflag:$0x2] =	stream.linear.gather [hbm4b:s12+s2], $0x2000, $0x38;
	[tilespmem:$0x10280] =	vst v63  }
0x43: {  	s16 =	rddreg [dreg:$0xd]  }
0x44: {  	[tilespmem:s23], [sflag:$0x3] =	stream.linear.gather [hbm4b:s13+s2], $0x2000, $0x38;
	[tilespmem:$0x10280] =	vst v63  }
0x45: {  	s5 =	rddreg [dreg:$0x6];
	s8 =	simm.s32 $0x0  }
0x46: {  	[tilespmem:s24], [sflag:$0x4] =	stream.linear.gather [hbm4b:s16+s2], $0x2000, $0x38;
	[tilespmem:$0x10280] =	vst v63  }
.LBB2_2:
0x47: {  	_ =	swait.ge [sflag:s25], $0x2000  }
0x48: {  	[sflag:s25] =	ssyncset.done $0x0  }
0x49: {  	[sflag:s25] =	ssyncadd.s32 $0xFFFFE000  }
0x4a: {  	v0 =	vld [tilespmem:$0x200]  }
0x4b: {  	v5 =	vld [tilespmem:$0x0]  }
0x4c: {  	v8 =	vld [tilespmem:$0x80];
	_ =	sdelay $0x2  }
0x4d: {  	s9 =	scvt.s32.f32 s5;
	_ =	sdelay $0x1  }
0x4e: {  	v2 =	vadd.f32 s9, v0;
	v9 =	vshll.u32 v8, $0x9;
	v10 =	vshll.u32 v5, $0x3  }
0x4f: {  	v59 =	vshll.u32 v8, $0x7;
	v5 =	vand.u32 $0x7F, v5;
	v61 =	vadd.s32 $0x2, v8  }
0x50: {  	v26 =	vadd.s32 $0x4, v8;
	v20 =	vadd.s32 $0x6, v8;
	v37 =	vadd.s32 $0xA, v8  }
0x51: {  	v1 =	vld [tilespmem:$0x100];
	v41 =	vadd.s32 $0xC, v8;
	v8 =	vadd.s32 $0xE, v8;
	v57 =	vand.u32 $0xFFFFF000, v9  }
0x52: {  	v58 =	vand.u32 $0xFFFFFC00, v10;
	v10 =	vand.u32 $0x380, v59;
	v15 =	vshll.u32 v61, $0x9  }
0x53: {  	v27 =	vshll.u32 v26, $0x9;
	v32 =	vshll.u32 v20, $0x9;
	v20 =	vshll.u32 v20, $0x7  }
0x54: {  	v38 =	vshll.u32 v37, $0x9;
	v42 =	vshll.u32 v41, $0x9;
	v44 =	vshll.u32 v41, $0x7  }
0x55: {  	v55 =	vld [tilespmem:$0x180];
	v24 =	vshll.u32 v8, $0x9;
	v8 =	vshll.u32 v8, $0x7;
	v7 =	vadd.f32 $2.000000000e+00, v2  }
0x56: {  	v3 =	vmul.f32 v2, v1;
	v12 =	vadd.f32 $4.000000000e+00, v2;
	v14 =	vadd.f32 $6.000000000e+00, v2  }
0x57: {  	v15 =	vand.u32 $0xFFFFF000, v15;
	v19 =	vadd.f32 $8.000000000e+00, v2;
	v30 =	vadd.f32 $1.000000000e+01, v2  }
0x58: {  	v20 =	vand.u32 $0x380, v20;
	v34 =	vadd.f32 $1.200000000e+01, v2;
	v2 =	vadd.f32 $1.400000000e+01, v2  }
0x59: {  	v43 =	vand.u32 $0xFFFFF000, v42;
	v4 =	vmul.f32 v3, v3;
	v7 =	vmul.f32 v7, v1  }
0x5a: {  	v47 =	vand.u32 $0xFFFFF000, v24;
	v3 =	vmul.f32 v3, v55;
	v60 =	vmul.f32 v12, v1  }
0x5b: {  	v8 =	vand.u32 $0x380, v8;
	v14 =	vmul.f32 v14, v1;
	v19 =	vmul.f32 v19, v1  }
0x5c: {  	v15 =	vadd.s32 v58, v15;
	v36 =	vmul.f32 v34, v1;
	v6 =	vmul.f32 $8.333333770e-03, v4  }
0x5d: {  	v49 =	vadd.s32 v58, v47;
	v56 =	vmul.f32 v7, v7;
	v7 =	vmul.f32 v7, v55  }
0x5e: {  	v12 =	vshll.u32 v61, $0x7;
	v16 =	vmul.f32 v60, v60;
	v62 =	vmul.f32 v14, v14  }
0x5f: {  	v12 =	vand.u32 $0x380, v12;
	v28 =	vmul.f32 v19, v19;
	v14 =	vmul.f32 v14, v55  }
0x60: {  	v19 =	vmul.f32 v19, v55;
	v6 =	vadd.f32 $-1.666666720e-01, v6;
	v11 =	vmul.f32 $8.333333770e-03, v56  }
0x61: {  	v12 =	vor.u32 v12, v15;
	v17 =	vmul.f32 $8.333333770e-03, v16;
	v18 =	vmul.f32 $8.333333770e-03, v62  }
0x62: {  	v63 =	vor.u32 v5, v12;
	v31 =	vmul.f32 $8.333333770e-03, v28;
	v4 =	vmul.f32 v6, v4  }
0x63: {  	v11 =	vadd.f32 $-1.666666720e-01, v11;
	v25 =	vadd.f32 $-1.666666720e-01, v17;
	v17 =	vshll.u32 v26, $0x7  }
0x64: {  	v18 =	vadd.f32 $-1.666666720e-01, v18;
	v17 =	vand.u32 $0x380, v17;
	v4 =	vadd.f32 $1.000000000e+00, v4  }
0x65: {  	v6 =	vmul.f32 v11, v56;
	v12 =	vmul.f32 v25, v16;
	v16 =	vand.u32 $0xFFFFF000, v27  }
0x66: {  	v11 =	vmul.f32 v60, v55;
	v15 =	vmul.f32 v18, v62;
	v16 =	vadd.s32 v58, v16  }
0x67: {  	v3 =	vmul.f32 v4, v3;
	v4 =	vadd.s32 v58, v57;
	v6 =	vadd.f32 $1.000000000e+00, v6  }
0x68: {  	v12 =	vadd.f32 $1.000000000e+00, v12;
	v29 =	vor.u32 v17, v16;
	v15 =	vadd.f32 $1.000000000e+00, v15  }
0x69: {  	v16 =	vmul.f32 v30, v1;
	v17 =	vadd.f32 $-1.666666720e-01, v31;
	v13 =	vor.u32 v10, v4  }
0x6a: {  	v1 =	vmul.f32 v2, v1;
	v4 =	vor.u32 v5, v4;
	v13 =	vor.u32 v5, v13  }
0x6b: {  	v6 =	vmul.f32 v6, v7;
	v11 =	vmul.f32 v12, v11;
	v12 =	vor.u32 v5, v29  }
0x6c: {  	v14 =	vmul.f32 v15, v14;
	v15 =	vand.u32 $0xFFFFF000, v32;
	v21 =	vmul.f32 v16, v16  }
0x6d: {  	v17 =	vmul.f32 v17, v28;
	v4 =	vor.u32 v10, v4;
	v16 =	vmul.f32 v16, v55  }
0x6e: {  	v23 =	vmul.f32 v1, v1;
	v15 =	vadd.s32 v58, v15;
	v33 =	vmul.f32 $8.333333770e-03, v21  }
0x6f: {  	v15 =	vor.u32 v20, v15;
	v17 =	vadd.f32 $1.000000000e+00, v17;
	v20 =	vmul.f32 v36, v36  }
0x70: {  	v7 =	vor.u32 v8, v49;
	v45 =	vmul.f32 $8.333333770e-03, v23;
	v35 =	vadd.f32 $-1.666666720e-01, v33  }
0x71: {  	v4 =	vadd.s32 $0x1000, v4;
	v17 =	vmul.f32 v17, v19;
	v22 =	vmul.f32 $8.333333770e-03, v20  }
0x72: {  	v19 =	vshll.u32 v37, $0x7;
	v10 =	vmul.f32 v35, v21;
	v21 =	vand.u32 $0xFFFFF000, v38  }
0x73: {  	v39 =	vand.u32 $0x380, v19;
	v40 =	vadd.f32 $-1.666666720e-01, v22;
	v21 =	vadd.s32 v58, v21  }
0x74: {  	v15 =	vor.u32 v5, v15;
	v46 =	vadd.f32 $-1.666666720e-01, v45;
	v2 =	vor.u32 v39, v21  }
0x75: {  	v19 =	vmul.f32 v40, v20;
	v20 =	vadd.s32 v58, v43;
	v21 =	vand.u32 $0x380, v44  }
0x76: {  	[tilespmem:v13+s21+$0x0] =	vst.idx.add.f32.msk $0xffff, v3;
	v2 =	vor.u32 v5, v2;
	v48 =	vor.u32 v21, v20  }
0x77: {  	[tilespmem:v63+s21+$0x0] =	vst.idx.add.f32.msk $0xffff, v6;
	v3 =	vmul.f32 v46, v23;
	v10 =	vadd.f32 $1.000000000e+00, v10;
	v6 =	vor.u32 v5, v48  }
0x78: {  	v50 =	vmul.f32 v36, v55;
	[tilespmem:v12+s21+$0x0] =	vst.idx.add.f32.msk $0xffff, v11;
	v51 =	vadd.f32 $1.000000000e+00, v19;
	v5 =	vor.u32 v5, v7  }
0x79: {  	v0 =	vmul.f32 v1, v55;
	[tilespmem:v15+s21+$0x0] =	vst.idx.add.f32.msk $0xffff, v14;
	v53 =	vadd.f32 $1.000000000e+00, v3;
	v52 =	vmul.f32 v10, v16  }
0x7a: {  	[tilespmem:v4+s21+$0x0] =	vst.idx.add.f32.msk $0xffff, v17;
	v54 =	vmul.f32 v51, v50  }
0x7b: {  	v0 =	vmul.f32 v53, v0;
	[tilespmem:v2+s21+$0x0] =	vst.idx.add.f32.msk $0xffff, v52  }
0x7c: {  	p0 =	seq.s32 s8, $0x0;
	[tilespmem:v6+s21+$0x0] =	vst.idx.add.f32.msk $0xffff, v54  }
0x7d: {  	s10 =	sadd.s32 s8, s15;
	s11 =	simm.s32 @!p0 $0xD;
	[tilespmem:v5+s21+$0x0] =	vst.idx.add.f32.msk $0xffff, v0  }
0x7e: {  	[hbm4b:s10+s2] =	stream.linear.scatter [tilespmem:s21], [sflag:$0x9], $0x2000, $0x38;
	[tilespmem:$0x10280] =	vst v63  }
0x7f: {  	_ =	swait.ge @!p0 [sflag:s11], $0x2000  }
0x80: {  	s9 =	sadd.s32 s8, s14;
	[sflag:s11] =	ssyncset.done @!p0 $0x0  }
0x81: {  	s16 =	sadd.s32 $0x1000, s9;
	[sflag:s11] =	ssyncadd.s32 @!p0 $0xFFFFE000  }
0x82: {  	[tilespmem:s26], [sflag:$0x5] =	stream.linear.gather [hbm4b:s16+s2], $0x2000, $0x38;
	[tilespmem:$0x10280] =	vst v63  }
0x83: {  	_ =	swait.ge [sflag:s28], $0x2000  }
0x84: {  	[sflag:s28] =	ssyncset.done $0x0  }
0x85: {  	[sflag:s28] =	ssyncadd.s32 $0xFFFFE000  }
0x86: {  	v55 =	vld [tilespmem:$0x200]  }
0x87: {  	v60 =	vld [tilespmem:$0x0]  }
0x88: {  	v63 =	vld [tilespmem:$0x80];
	_ =	sdelay $0x1  }
0x89: {  	s12 =	sadd.s32 $0x10, s5  }
0x8a: {  	s11 =	scvt.s32.f32 s12;
	_ =	sdelay $0x1  }
0x8b: {  	v57 =	vadd.f32 s11, v55;
	v21 =	vshll.u32 v63, $0x9;
	v22 =	vshll.u32 v60, $0x3  }
0x8c: {  	v56 =	vld [tilespmem:$0x100];
	v25 =	vshll.u32 v63, $0x7;
	v5 =	vand.u32 $0x7F, v60;
	v29 =	vadd.s32 $0x2, v63  }
0x8d: {  	v37 =	vadd.s32 $0x4, v63;
	v45 =	vadd.s32 $0x6, v63;
	v52 =	vadd.s32 $0xA, v63  }
0x8e: {  	v8 =	vadd.s32 $0xE, v63;
	v24 =	vand.u32 $0xFFFFF000, v21;
	v9 =	vand.u32 $0xFFFFFC00, v22  }
0x8f: {  	v10 =	vand.u32 $0x380, v25;
	v31 =	vshll.u32 v29, $0x9;
	v12 =	vshll.u32 v29, $0x7  }
0x90: {  	v40 =	vshll.u32 v37, $0x9;
	v17 =	vshll.u32 v37, $0x7;
	v46 =	vshll.u32 v45, $0x9  }
0x91: {  	v53 =	vshll.u32 v52, $0x9;
	v58 =	vmul.f32 v57, v56;
	v62 =	vadd.f32 $2.000000000e+00, v57  }
0x92: {  	v0 =	vld [tilespmem:$0x180];
	v26 =	vadd.f32 $4.000000000e+00, v57;
	v30 =	vadd.f32 $6.000000000e+00, v57;
	v15 =	vand.u32 $0xFFFFF000, v31  }
0x93: {  	v12 =	vand.u32 $0x380, v12;
	v39 =	vadd.f32 $8.000000000e+00, v57;
	v16 =	vand.u32 $0xFFFFF000, v40  }
0x94: {  	v17 =	vand.u32 $0x380, v17;
	v43 =	vadd.f32 $1.000000000e+01, v57;
	v49 =	vadd.f32 $1.200000000e+01, v57  }
0x95: {  	v2 =	vadd.f32 $1.400000000e+01, v57;
	v21 =	vand.u32 $0xFFFFF000, v53;
	v57 =	vadd.s32 $0xC, v63  }
0x96: {  	v63 =	vshll.u32 v8, $0x9;
	v59 =	vmul.f32 v58, v58;
	v7 =	vmul.f32 v62, v56  }
0x97: {  	v8 =	vshll.u32 v8, $0x7;
	v3 =	vmul.f32 v58, v0;
	v28 =	vmul.f32 v26, v56  }
0x98: {  	v16 =	vadd.s32 v9, v16;
	v14 =	vmul.f32 v30, v56;
	v19 =	vmul.f32 v39, v56  }
0x99: {  	v42 =	vor.u32 v17, v16;
	v16 =	vmul.f32 v43, v56;
	v51 =	vmul.f32 v49, v56  }
0x9a: {  	v15 =	vadd.s32 v9, v15;
	v1 =	vmul.f32 v2, v56;
	v61 =	vmul.f32 $8.333333770e-03, v59  }
0x9b: {  	v21 =	vadd.s32 v9, v21;
	v20 =	vmul.f32 v7, v7;
	v7 =	vmul.f32 v7, v0  }
0x9c: {  	v8 =	vand.u32 $0x380, v8;
	v32 =	vmul.f32 v28, v28;
	v34 =	vmul.f32 v14, v14  }
0x9d: {  	v12 =	vor.u32 v12, v15;
	v41 =	vmul.f32 v19, v19;
	v14 =	vmul.f32 v14, v0  }
0x9e: {  	v58 =	vshll.u32 v57, $0x9;
	v47 =	vmul.f32 v16, v16;
	v19 =	vmul.f32 v19, v0  }
0x9f: {  	v35 =	vor.u32 v5, v12;
	v16 =	vmul.f32 v16, v0;
	v23 =	vmul.f32 $8.333333770e-03, v20  }
0xa0: {  	v60 =	vand.u32 $0xFFFFF000, v58;
	v33 =	vmul.f32 $8.333333770e-03, v32;
	v38 =	vmul.f32 $8.333333770e-03, v34  }
0xa1: {  	v6 =	vadd.f32 $-1.666666720e-01, v61;
	v44 =	vmul.f32 $8.333333770e-03, v41;
	v48 =	vmul.f32 $8.333333770e-03, v47  }
0xa2: {  	v61 =	vshll.u32 v57, $0x7;
	v11 =	vadd.f32 $-1.666666720e-01, v23;
	v36 =	vadd.f32 $-1.666666720e-01, v33  }
0xa3: {  	v4 =	vmul.f32 v6, v59;
	v18 =	vadd.f32 $-1.666666720e-01, v38;
	v17 =	vadd.f32 $-1.666666720e-01, v44  }
0xa4: {  	v50 =	vadd.f32 $-1.666666720e-01, v48;
	v59 =	vmul.f32 v1, v1;
	v6 =	vmul.f32 v11, v20  }
0xa5: {  	v4 =	vadd.f32 $1.000000000e+00, v4;
	v11 =	vmul.f32 v28, v0;
	v12 =	vmul.f32 v36, v32  }
0xa6: {  	v15 =	vmul.f32 v18, v34;
	v20 =	vshll.u32 v45, $0x7;
	v17 =	vmul.f32 v17, v41  }
0xa7: {  	v62 =	vmul.f32 $8.333333770e-03, v59;
	v20 =	vand.u32 $0x380, v20;
	v6 =	vadd.f32 $1.000000000e+00, v6  }
0xa8: {  	v3 =	vmul.f32 v4, v3;
	v12 =	vadd.f32 $1.000000000e+00, v12;
	v15 =	vadd.f32 $1.000000000e+00, v15  }
0xa9: {  	v4 =	vadd.s32 v9, v24;
	v17 =	vadd.f32 $1.000000000e+00, v17;
	v26 =	vadd.f32 $-1.666666720e-01, v62  }
0xaa: {  	v27 =	vor.u32 v10, v4;
	v14 =	vmul.f32 v15, v14;
	v15 =	vand.u32 $0xFFFFF000, v46  }
0xab: {  	v4 =	vor.u32 v5, v4;
	v13 =	vor.u32 v5, v27;
	v15 =	vadd.s32 v9, v15  }
0xac: {  	v6 =	vmul.f32 v6, v7;
	v15 =	vor.u32 v20, v15;
	v20 =	vmul.f32 v51, v51  }
0xad: {  	v11 =	vmul.f32 v12, v11;
	v12 =	vor.u32 v5, v42;
	v17 =	vmul.f32 v17, v19  }
0xae: {  	v4 =	vor.u32 v10, v4;
	v10 =	vmul.f32 v50, v47;
	v54 =	vmul.f32 $8.333333770e-03, v20  }
0xaf: {  	v19 =	vshll.u32 v52, $0x7;
	v27 =	vand.u32 $0xFFFFF000, v63;
	v4 =	vadd.s32 $0x1000, v4  }
0xb0: {  	v55 =	vand.u32 $0x380, v19;
	v29 =	vadd.s32 v9, v27;
	v56 =	vadd.f32 $-1.666666720e-01, v54  }
0xb1: {  	v2 =	vor.u32 v55, v21;
	v21 =	vand.u32 $0x380, v61;
	v15 =	vor.u32 v5, v15  }
0xb2: {  	v7 =	vor.u32 v8, v29;
	v19 =	vmul.f32 v56, v20;
	v20 =	vadd.s32 v9, v60  }
0xb3: {  	v2 =	vor.u32 v5, v2;
	[tilespmem:v13+s22+$0x0] =	vst.idx.add.f32.msk $0xffff, v3;
	v28 =	vor.u32 v21, v20  }
0xb4: {  	v10 =	vadd.f32 $1.000000000e+00, v10;
	v3 =	vmul.f32 v26, v59;
	[tilespmem:v35+s22+$0x0] =	vst.idx.add.f32.msk $0xffff, v6;
	v6 =	vor.u32 v5, v28  }
0xb5: {  	v30 =	vmul.f32 v51, v0;
	[tilespmem:v12+s22+$0x0] =	vst.idx.add.f32.msk $0xffff, v11;
	v31 =	vadd.f32 $1.000000000e+00, v19;
	v5 =	vor.u32 v5, v7  }
0xb6: {  	v0 =	vmul.f32 v1, v0;
	v32 =	vmul.f32 v10, v16;
	v33 =	vadd.f32 $1.000000000e+00, v3;
	[tilespmem:v15+s22+$0x0] =	vst.idx.add.f32.msk $0xffff, v14  }
0xb7: {  	[tilespmem:v4+s22+$0x0] =	vst.idx.add.f32.msk $0xffff, v17;
	v34 =	vmul.f32 v31, v30  }
0xb8: {  	v0 =	vmul.f32 v33, v0;
	[tilespmem:v2+s22+$0x0] =	vst.idx.add.f32.msk $0xffff, v32  }
0xb9: {  	[tilespmem:v6+s22+$0x0] =	vst.idx.add.f32.msk $0xffff, v34  }
0xba: {  	s13 =	sadd.s32 $0x400, s10;
	s11 =	simm.s32 @!p0 $0xE;
	[tilespmem:v5+s22+$0x0] =	vst.idx.add.f32.msk $0xffff, v0  }
0xbb: {  	[hbm4b:s13+s2] =	stream.linear.scatter [tilespmem:s22], [sflag:$0xA], $0x2000, $0x38;
	[tilespmem:$0x10280] =	vst v63  }
0xbc: {  	_ =	swait.ge @!p0 [sflag:s11], $0x2000  }
0xbd: {  	[sflag:s11] =	ssyncset.done @!p0 $0x0  }
0xbe: {  	s16 =	sadd.s32 $0x1400, s9;
	[sflag:s11] =	ssyncadd.s32 @!p0 $0xFFFFE000  }
0xbf: {  	[tilespmem:s29], [sflag:$0x6] =	stream.linear.gather [hbm4b:s16+s2], $0x2000, $0x38;
	[tilespmem:$0x10280] =	vst v63  }
0xc0: {  	_ =	swait.ge [sflag:s30], $0x2000  }
0xc1: {  	[sflag:s30] =	ssyncset.done $0x0  }
0xc2: {  	[sflag:s30] =	ssyncadd.s32 $0xFFFFE000  }
0xc3: {  	v35 =	vld [tilespmem:$0x200]  }
0xc4: {  	v39 =	vld [tilespmem:$0x0]  }
0xc5: {  	v8 =	vld [tilespmem:$0x80];
	_ =	sdelay $0x1  }
0xc6: {  	s12 =	sadd.s32 $0x20, s5  }
0xc7: {  	s11 =	scvt.s32.f32 s12;
	_ =	sdelay $0x1  }
0xc8: {  	v36 =	vadd.f32 s11, v35;
	v43 =	vshll.u32 v8, $0x9;
	v44 =	vshll.u32 v39, $0x3  }
0xc9: {  	v47 =	vshll.u32 v8, $0x7;
	v5 =	vand.u32 $0x7F, v39;
	v51 =	vadd.s32 $0x2, v8  }
0xca: {  	v1 =	vld [tilespmem:$0x100];
	v59 =	vadd.s32 $0x4, v8;
	v27 =	vadd.s32 $0x6, v8;
	v34 =	vadd.s32 $0xA, v8  }
0xcb: {  	v39 =	vadd.s32 $0xC, v8;
	v8 =	vadd.s32 $0xE, v8;
	v46 =	vand.u32 $0xFFFFF000, v43  }
0xcc: {  	v9 =	vand.u32 $0xFFFFFC00, v44;
	v10 =	vand.u32 $0x380, v47;
	v53 =	vshll.u32 v51, $0x9  }
0xcd: {  	v12 =	vshll.u32 v51, $0x7;
	v62 =	vshll.u32 v59, $0x9;
	v17 =	vshll.u32 v59, $0x7  }
0xce: {  	v0 =	vld [tilespmem:$0x180];
	v28 =	vshll.u32 v27, $0x9;
	v20 =	vshll.u32 v27, $0x7;
	v35 =	vshll.u32 v34, $0x9  }
0xcf: {  	v43 =	vshll.u32 v39, $0x7;
	v37 =	vmul.f32 v36, v1;
	v41 =	vadd.f32 $2.000000000e+00, v36  }
0xd0: {  	v48 =	vadd.f32 $4.000000000e+00, v36;
	v52 =	vadd.f32 $6.000000000e+00, v36;
	v15 =	vand.u32 $0xFFFFF000, v53  }
0xd1: {  	v61 =	vadd.f32 $8.000000000e+00, v36;
	v16 =	vand.u32 $0xFFFFF000, v62;
	v17 =	vand.u32 $0x380, v17  }
0xd2: {  	v25 =	vadd.f32 $1.000000000e+01, v36;
	v31 =	vadd.f32 $1.200000000e+01, v36;
	v38 =	vmul.f32 v37, v37  }
0xd3: {  	v2 =	vadd.f32 $1.400000000e+01, v36;
	v7 =	vmul.f32 v41, v1;
	v3 =	vmul.f32 v37, v0  }
0xd4: {  	v16 =	vadd.s32 v9, v16;
	v50 =	vmul.f32 v48, v1;
	v14 =	vmul.f32 v52, v1  }
0xd5: {  	v19 =	vmul.f32 v61, v1;
	v24 =	vor.u32 v17, v16;
	v16 =	vmul.f32 v25, v1  }
0xd6: {  	v12 =	vand.u32 $0x380, v12;
	v33 =	vmul.f32 v31, v1;
	v1 =	vmul.f32 v2, v1  }
0xd7: {  	v20 =	vand.u32 $0x380, v20;
	v40 =	vmul.f32 $8.333333770e-03, v38;
	v42 =	vmul.f32 v7, v7  }
0xd8: {  	v21 =	vand.u32 $0xFFFFF000, v35;
	v7 =	vmul.f32 v7, v0;
	v54 =	vmul.f32 v50, v50  }
0xd9: {  	v15 =	vadd.s32 v9, v15;
	v56 =	vmul.f32 v14, v14;
	v63 =	vmul.f32 v19, v19  }
0xda: {  	v21 =	vadd.s32 v9, v21;
	v14 =	vmul.f32 v14, v0;
	v29 =	vmul.f32 v16, v16  }
0xdb: {  	v12 =	vor.u32 v12, v15;
	v19 =	vmul.f32 v19, v0;
	v16 =	vmul.f32 v16, v0  }
0xdc: {  	v57 =	vor.u32 v5, v12;
	v41 =	vmul.f32 v1, v1;
	v45 =	vmul.f32 $8.333333770e-03, v42  }
0xdd: {  	v6 =	vadd.f32 $-1.666666720e-01, v40;
	v55 =	vmul.f32 $8.333333770e-03, v54;
	v60 =	vmul.f32 $8.333333770e-03, v56  }
0xde: {  	v26 =	vmul.f32 $8.333333770e-03, v63;
	v30 =	vmul.f32 $8.333333770e-03, v29;
	v40 =	vshll.u32 v39, $0x9  }
0xdf: {  	v44 =	vmul.f32 $8.333333770e-03, v41;
	v11 =	vadd.f32 $-1.666666720e-01, v45;
	v58 =	vadd.f32 $-1.666666720e-01, v55  }
0xe0: {  	v4 =	vmul.f32 v6, v38;
	v18 =	vadd.f32 $-1.666666720e-01, v60;
	v17 =	vadd.f32 $-1.666666720e-01, v26  }
0xe1: {  	v32 =	vadd.f32 $-1.666666720e-01, v30;
	v45 =	vshll.u32 v8, $0x9;
	v8 =	vshll.u32 v8, $0x7  }
0xe2: {  	v47 =	vand.u32 $0xFFFFF000, v45;
	v8 =	vand.u32 $0x380, v8;
	v6 =	vmul.f32 v11, v42  }
0xe3: {  	v4 =	vadd.f32 $1.000000000e+00, v4;
	v11 =	vmul.f32 v50, v0;
	v15 =	vmul.f32 v18, v56  }
0xe4: {  	v12 =	vmul.f32 v58, v54;
	v17 =	vmul.f32 v17, v63;
	v42 =	vand.u32 $0xFFFFF000, v40  }
0xe5: {  	v3 =	vmul.f32 v4, v3;
	v6 =	vadd.f32 $1.000000000e+00, v6;
	v15 =	vadd.f32 $1.000000000e+00, v15  }
0xe6: {  	v4 =	vadd.s32 v9, v46;
	v12 =	vadd.f32 $1.000000000e+00, v12;
	v17 =	vadd.f32 $1.000000000e+00, v17  }
0xe7: {  	v46 =	vadd.f32 $-1.666666720e-01, v44;
	v14 =	vmul.f32 v15, v14;
	v15 =	vand.u32 $0xFFFFF000, v28  }
0xe8: {  	v49 =	vor.u32 v10, v4;
	v4 =	vor.u32 v5, v4;
	v15 =	vadd.s32 v9, v15  }
0xe9: {  	v13 =	vor.u32 v5, v49;
	v15 =	vor.u32 v20, v15;
	v20 =	vmul.f32 v33, v33  }
0xea: {  	v6 =	vmul.f32 v6, v7;
	v11 =	vmul.f32 v12, v11;
	v12 =	vor.u32 v5, v24  }
0xeb: {  	v4 =	vor.u32 v10, v4;
	v17 =	vmul.f32 v17, v19;
	v36 =	vmul.f32 $8.333333770e-03, v20  }
0xec: {  	v10 =	vmul.f32 v32, v29;
	v19 =	vshll.u32 v34, $0x7;
	v49 =	vadd.s32 v9, v47  }
0xed: {  	v4 =	vadd.s32 $0x1000, v4;
	v37 =	vand.u32 $0x380, v19;
	v38 =	vadd.f32 $-1.666666720e-01, v36  }
0xee: {  	v7 =	vor.u32 v8, v49;
	v2 =	vor.u32 v37, v21;
	v15 =	vor.u32 v5, v15  }
0xef: {  	v21 =	vand.u32 $0x380, v43;
	v19 =	vmul.f32 v38, v20;
	v20 =	vadd.s32 v9, v42  }
0xf0: {  	v2 =	vor.u32 v5, v2;
	[tilespmem:v13+s23+$0x0] =	vst.idx.add.f32.msk $0xffff, v3;
	v48 =	vor.u32 v21, v20  }
0xf1: {  	v10 =	vadd.f32 $1.000000000e+00, v10;
	v3 =	vmul.f32 v46, v41;
	[tilespmem:v57+s23+$0x0] =	vst.idx.add.f32.msk $0xffff, v6;
	v6 =	vor.u32 v5, v48  }
0xf2: {  	v50 =	vmul.f32 v33, v0;
	[tilespmem:v12+s23+$0x0] =	vst.idx.add.f32.msk $0xffff, v11;
	v51 =	vadd.f32 $1.000000000e+00, v19;
	v5 =	vor.u32 v5, v7  }
0xf3: {  	v0 =	vmul.f32 v1, v0;
	v52 =	vmul.f32 v10, v16;
	v53 =	vadd.f32 $1.000000000e+00, v3;
	[tilespmem:v15+s23+$0x0] =	vst.idx.add.f32.msk $0xffff, v14  }
0xf4: {  	[tilespmem:v4+s23+$0x0] =	vst.idx.add.f32.msk $0xffff, v17;
	v54 =	vmul.f32 v51, v50  }
0xf5: {  	v0 =	vmul.f32 v53, v0;
	[tilespmem:v2+s23+$0x0] =	vst.idx.add.f32.msk $0xffff, v52  }
0xf6: {  	[tilespmem:v6+s23+$0x0] =	vst.idx.add.f32.msk $0xffff, v54  }
0xf7: {  	s13 =	sadd.s32 $0x800, s10;
	s11 =	simm.s32 @!p0 $0xF;
	[tilespmem:v5+s23+$0x0] =	vst.idx.add.f32.msk $0xffff, v0  }
0xf8: {  	[hbm4b:s13+s2] =	stream.linear.scatter [tilespmem:s23], [sflag:$0xB], $0x2000, $0x38;
	[tilespmem:$0x10280] =	vst v63  }
0xf9: {  	_ =	swait.ge @!p0 [sflag:s11], $0x2000  }
0xfa: {  	[sflag:s11] =	ssyncset.done @!p0 $0x0  }
0xfb: {  	s16 =	sadd.s32 $0x1800, s9;
	[sflag:s11] =	ssyncadd.s32 @!p0 $0xFFFFE000  }
0xfc: {  	[tilespmem:s31], [sflag:$0x7] =	stream.linear.gather [hbm4b:s16+s2], $0x2000, $0x38;
	[tilespmem:$0x10280] =	vst v63  }
0xfd: {  	_ =	swait.ge [sflag:s0], $0x2000  }
0xfe: {  	[sflag:s0] =	ssyncset.done $0x0  }
0xff: {  	[sflag:s0] =	ssyncadd.s32 $0xFFFFE000  }
0x100: {  	v55 =	vld [tilespmem:$0x200]  }
0x101: {  	v60 =	vld [tilespmem:$0x0]  }
0x102: {  	v63 =	vld [tilespmem:$0x80];
	_ =	sdelay $0x1  }
0x103: {  	s12 =	sadd.s32 $0x30, s5  }
0x104: {  	s11 =	scvt.s32.f32 s12;
	_ =	sdelay $0x1  }
0x105: {  	v57 =	vadd.f32 s11, v55;
	v21 =	vshll.u32 v63, $0x9;
	v22 =	vshll.u32 v60, $0x3  }
0x106: {  	v56 =	vld [tilespmem:$0x100];
	v25 =	vshll.u32 v63, $0x7;
	v5 =	vand.u32 $0x7F, v60;
	v29 =	vadd.s32 $0x2, v63  }
0x107: {  	v37 =	vadd.s32 $0x4, v63;
	v45 =	vadd.s32 $0x6, v63;
	v52 =	vadd.s32 $0xA, v63  }
0x108: {  	v8 =	vadd.s32 $0xE, v63;
	v24 =	vand.u32 $0xFFFFF000, v21;
	v9 =	vand.u32 $0xFFFFFC00, v22  }
0x109: {  	v10 =	vand.u32 $0x380, v25;
	v31 =	vshll.u32 v29, $0x9;
	v12 =	vshll.u32 v29, $0x7  }
0x10a: {  	v40 =	vshll.u32 v37, $0x9;
	v17 =	vshll.u32 v37, $0x7;
	v46 =	vshll.u32 v45, $0x9  }
0x10b: {  	v53 =	vshll.u32 v52, $0x9;
	v58 =	vmul.f32 v57, v56;
	v62 =	vadd.f32 $2.000000000e+00, v57  }
0x10c: {  	v0 =	vld [tilespmem:$0x180];
	v26 =	vadd.f32 $4.000000000e+00, v57;
	v30 =	vadd.f32 $6.000000000e+00, v57;
	v15 =	vand.u32 $0xFFFFF000, v31  }
0x10d: {  	v12 =	vand.u32 $0x380, v12;
	v39 =	vadd.f32 $8.000000000e+00, v57;
	v16 =	vand.u32 $0xFFFFF000, v40  }
0x10e: {  	v17 =	vand.u32 $0x380, v17;
	v43 =	vadd.f32 $1.000000000e+01, v57;
	v49 =	vadd.f32 $1.200000000e+01, v57  }
0x10f: {  	v2 =	vadd.f32 $1.400000000e+01, v57;
	v21 =	vand.u32 $0xFFFFF000, v53;
	v57 =	vadd.s32 $0xC, v63  }
0x110: {  	v63 =	vshll.u32 v8, $0x9;
	v59 =	vmul.f32 v58, v58;
	v7 =	vmul.f32 v62, v56  }
0x111: {  	v8 =	vshll.u32 v8, $0x7;
	v3 =	vmul.f32 v58, v0;
	v28 =	vmul.f32 v26, v56  }
0x112: {  	v16 =	vadd.s32 v9, v16;
	v14 =	vmul.f32 v30, v56;
	v19 =	vmul.f32 v39, v56  }
0x113: {  	v42 =	vor.u32 v17, v16;
	v16 =	vmul.f32 v43, v56;
	v51 =	vmul.f32 v49, v56  }
0x114: {  	v15 =	vadd.s32 v9, v15;
	v1 =	vmul.f32 v2, v56;
	v61 =	vmul.f32 $8.333333770e-03, v59  }
0x115: {  	v21 =	vadd.s32 v9, v21;
	v20 =	vmul.f32 v7, v7;
	v7 =	vmul.f32 v7, v0  }
0x116: {  	v8 =	vand.u32 $0x380, v8;
	v32 =	vmul.f32 v28, v28;
	v34 =	vmul.f32 v14, v14  }
0x117: {  	v12 =	vor.u32 v12, v15;
	v41 =	vmul.f32 v19, v19;
	v14 =	vmul.f32 v14, v0  }
0x118: {  	v58 =	vshll.u32 v57, $0x9;
	v47 =	vmul.f32 v16, v16;
	v19 =	vmul.f32 v19, v0  }
0x119: {  	v35 =	vor.u32 v5, v12;
	v16 =	vmul.f32 v16, v0;
	v23 =	vmul.f32 $8.333333770e-03, v20  }
0x11a: {  	v60 =	vand.u32 $0xFFFFF000, v58;
	v33 =	vmul.f32 $8.333333770e-03, v32;
	v38 =	vmul.f32 $8.333333770e-03, v34  }
0x11b: {  	v6 =	vadd.f32 $-1.666666720e-01, v61;
	v44 =	vmul.f32 $8.333333770e-03, v41;
	v48 =	vmul.f32 $8.333333770e-03, v47  }
0x11c: {  	v61 =	vshll.u32 v57, $0x7;
	v11 =	vadd.f32 $-1.666666720e-01, v23;
	v36 =	vadd.f32 $-1.666666720e-01, v33  }
0x11d: {  	v4 =	vmul.f32 v6, v59;
	v18 =	vadd.f32 $-1.666666720e-01, v38;
	v17 =	vadd.f32 $-1.666666720e-01, v44  }
0x11e: {  	v50 =	vadd.f32 $-1.666666720e-01, v48;
	v59 =	vmul.f32 v1, v1;
	v6 =	vmul.f32 v11, v20  }
0x11f: {  	v4 =	vadd.f32 $1.000000000e+00, v4;
	v11 =	vmul.f32 v28, v0;
	v12 =	vmul.f32 v36, v32  }
0x120: {  	v15 =	vmul.f32 v18, v34;
	v20 =	vshll.u32 v45, $0x7;
	v17 =	vmul.f32 v17, v41  }
0x121: {  	v62 =	vmul.f32 $8.333333770e-03, v59;
	v20 =	vand.u32 $0x380, v20;
	v6 =	vadd.f32 $1.000000000e+00, v6  }
0x122: {  	v3 =	vmul.f32 v4, v3;
	v12 =	vadd.f32 $1.000000000e+00, v12;
	v15 =	vadd.f32 $1.000000000e+00, v15  }
0x123: {  	v4 =	vadd.s32 v9, v24;
	v17 =	vadd.f32 $1.000000000e+00, v17;
	v26 =	vadd.f32 $-1.666666720e-01, v62  }
0x124: {  	v27 =	vor.u32 v10, v4;
	v14 =	vmul.f32 v15, v14;
	v15 =	vand.u32 $0xFFFFF000, v46  }
0x125: {  	v4 =	vor.u32 v5, v4;
	v13 =	vor.u32 v5, v27;
	v15 =	vadd.s32 v9, v15  }
0x126: {  	v6 =	vmul.f32 v6, v7;
	v15 =	vor.u32 v20, v15;
	v20 =	vmul.f32 v51, v51  }
0x127: {  	v11 =	vmul.f32 v12, v11;
	v12 =	vor.u32 v5, v42;
	v17 =	vmul.f32 v17, v19  }
0x128: {  	v4 =	vor.u32 v10, v4;
	v10 =	vmul.f32 v50, v47;
	v54 =	vmul.f32 $8.333333770e-03, v20  }
0x129: {  	v19 =	vshll.u32 v52, $0x7;
	v27 =	vand.u32 $0xFFFFF000, v63;
	v4 =	vadd.s32 $0x1000, v4  }
0x12a: {  	v55 =	vand.u32 $0x380, v19;
	v29 =	vadd.s32 v9, v27;
	v56 =	vadd.f32 $-1.666666720e-01, v54  }
0x12b: {  	v2 =	vor.u32 v55, v21;
	v21 =	vand.u32 $0x380, v61;
	v15 =	vor.u32 v5, v15  }
0x12c: {  	v7 =	vor.u32 v8, v29;
	v19 =	vmul.f32 v56, v20;
	v20 =	vadd.s32 v9, v60  }
0x12d: {  	v2 =	vor.u32 v5, v2;
	[tilespmem:v13+s24+$0x0] =	vst.idx.add.f32.msk $0xffff, v3;
	v28 =	vor.u32 v21, v20  }
0x12e: {  	v10 =	vadd.f32 $1.000000000e+00, v10;
	v3 =	vmul.f32 v26, v59;
	[tilespmem:v35+s24+$0x0] =	vst.idx.add.f32.msk $0xffff, v6;
	v6 =	vor.u32 v5, v28  }
0x12f: {  	v30 =	vmul.f32 v51, v0;
	[tilespmem:v12+s24+$0x0] =	vst.idx.add.f32.msk $0xffff, v11;
	v31 =	vadd.f32 $1.000000000e+00, v19;
	v5 =	vor.u32 v5, v7  }
0x130: {  	v0 =	vmul.f32 v1, v0;
	v32 =	vmul.f32 v10, v16;
	v33 =	vadd.f32 $1.000000000e+00, v3;
	[tilespmem:v15+s24+$0x0] =	vst.idx.add.f32.msk $0xffff, v14  }
0x131: {  	[tilespmem:v4+s24+$0x0] =	vst.idx.add.f32.msk $0xffff, v17;
	v34 =	vmul.f32 v31, v30  }
0x132: {  	v0 =	vmul.f32 v33, v0;
	[tilespmem:v2+s24+$0x0] =	vst.idx.add.f32.msk $0xffff, v32  }
0x133: {  	[tilespmem:v6+s24+$0x0] =	vst.idx.add.f32.msk $0xffff, v34  }
0x134: {  	s13 =	sadd.s32 $0xC00, s10;
	s11 =	simm.s32 @!p0 $0x10;
	[tilespmem:v5+s24+$0x0] =	vst.idx.add.f32.msk $0xffff, v0  }
0x135: {  	[hbm4b:s13+s2] =	stream.linear.scatter [tilespmem:s24], [sflag:$0xC], $0x2000, $0x38;
	[tilespmem:$0x10280] =	vst v63  }
0x136: {  	_ =	swait.ge @!p0 [sflag:s11], $0x2000  }
0x137: {  	[sflag:s11] =	ssyncset.done @!p0 $0x0  }
0x138: {  	s16 =	sadd.s32 $0x1C00, s9;
	[sflag:s11] =	ssyncadd.s32 @!p0 $0xFFFFE000  }
0x139: {  	[tilespmem:s1], [sflag:$0x8] =	stream.linear.gather [hbm4b:s16+s2], $0x2000, $0x38;
	[tilespmem:$0x10280] =	vst v63  }
0x13a: {  	_ =	swait.ge [sflag:s17], $0x2000  }
0x13b: {  	[sflag:s17] =	ssyncset.done $0x0  }
0x13c: {  	[sflag:s17] =	ssyncadd.s32 $0xFFFFE000  }
0x13d: {  	v35 =	vld [tilespmem:$0x200]  }
0x13e: {  	v39 =	vld [tilespmem:$0x0]  }
0x13f: {  	v8 =	vld [tilespmem:$0x80];
	_ =	sdelay $0x1  }
0x140: {  	s12 =	sadd.s32 $0x40, s5  }
0x141: {  	s11 =	scvt.s32.f32 s12;
	_ =	sdelay $0x1  }
0x142: {  	v36 =	vadd.f32 s11, v35;
	v43 =	vshll.u32 v8, $0x9;
	v44 =	vshll.u32 v39, $0x3  }
0x143: {  	v47 =	vshll.u32 v8, $0x7;
	v5 =	vand.u32 $0x7F, v39;
	v51 =	vadd.s32 $0x2, v8  }
0x144: {  	v1 =	vld [tilespmem:$0x100];
	v59 =	vadd.s32 $0x4, v8;
	v27 =	vadd.s32 $0x6, v8;
	v34 =	vadd.s32 $0xA, v8  }
0x145: {  	v39 =	vadd.s32 $0xC, v8;
	v8 =	vadd.s32 $0xE, v8;
	v46 =	vand.u32 $0xFFFFF000, v43  }
0x146: {  	v9 =	vand.u32 $0xFFFFFC00, v44;
	v10 =	vand.u32 $0x380, v47;
	v53 =	vshll.u32 v51, $0x9  }
0x147: {  	v12 =	vshll.u32 v51, $0x7;
	v62 =	vshll.u32 v59, $0x9;
	v17 =	vshll.u32 v59, $0x7  }
0x148: {  	v0 =	vld [tilespmem:$0x180];
	v28 =	vshll.u32 v27, $0x9;
	v20 =	vshll.u32 v27, $0x7;
	v35 =	vshll.u32 v34, $0x9  }
0x149: {  	v43 =	vshll.u32 v39, $0x7;
	v37 =	vmul.f32 v36, v1;
	v41 =	vadd.f32 $2.000000000e+00, v36  }
0x14a: {  	v48 =	vadd.f32 $4.000000000e+00, v36;
	v52 =	vadd.f32 $6.000000000e+00, v36;
	v15 =	vand.u32 $0xFFFFF000, v53  }
0x14b: {  	v61 =	vadd.f32 $8.000000000e+00, v36;
	v16 =	vand.u32 $0xFFFFF000, v62;
	v17 =	vand.u32 $0x380, v17  }
0x14c: {  	v25 =	vadd.f32 $1.000000000e+01, v36;
	v31 =	vadd.f32 $1.200000000e+01, v36;
	v38 =	vmul.f32 v37, v37  }
0x14d: {  	v2 =	vadd.f32 $1.400000000e+01, v36;
	v7 =	vmul.f32 v41, v1;
	v3 =	vmul.f32 v37, v0  }
0x14e: {  	v16 =	vadd.s32 v9, v16;
	v50 =	vmul.f32 v48, v1;
	v14 =	vmul.f32 v52, v1  }
0x14f: {  	v19 =	vmul.f32 v61, v1;
	v24 =	vor.u32 v17, v16;
	v16 =	vmul.f32 v25, v1  }
0x150: {  	v12 =	vand.u32 $0x380, v12;
	v33 =	vmul.f32 v31, v1;
	v1 =	vmul.f32 v2, v1  }
0x151: {  	v20 =	vand.u32 $0x380, v20;
	v40 =	vmul.f32 $8.333333770e-03, v38;
	v42 =	vmul.f32 v7, v7  }
0x152: {  	v21 =	vand.u32 $0xFFFFF000, v35;
	v7 =	vmul.f32 v7, v0;
	v54 =	vmul.f32 v50, v50  }
0x153: {  	v15 =	vadd.s32 v9, v15;
	v56 =	vmul.f32 v14, v14;
	v63 =	vmul.f32 v19, v19  }
0x154: {  	v21 =	vadd.s32 v9, v21;
	v14 =	vmul.f32 v14, v0;
	v29 =	vmul.f32 v16, v16  }
0x155: {  	v12 =	vor.u32 v12, v15;
	v19 =	vmul.f32 v19, v0;
	v16 =	vmul.f32 v16, v0  }
0x156: {  	v57 =	vor.u32 v5, v12;
	v41 =	vmul.f32 v1, v1;
	v45 =	vmul.f32 $8.333333770e-03, v42  }
0x157: {  	v6 =	vadd.f32 $-1.666666720e-01, v40;
	v55 =	vmul.f32 $8.333333770e-03, v54;
	v60 =	vmul.f32 $8.333333770e-03, v56  }
0x158: {  	v26 =	vmul.f32 $8.333333770e-03, v63;
	v30 =	vmul.f32 $8.333333770e-03, v29;
	v40 =	vshll.u32 v39, $0x9  }
0x159: {  	v44 =	vmul.f32 $8.333333770e-03, v41;
	v11 =	vadd.f32 $-1.666666720e-01, v45;
	v58 =	vadd.f32 $-1.666666720e-01, v55  }
0x15a: {  	v4 =	vmul.f32 v6, v38;
	v18 =	vadd.f32 $-1.666666720e-01, v60;
	v17 =	vadd.f32 $-1.666666720e-01, v26  }
0x15b: {  	v32 =	vadd.f32 $-1.666666720e-01, v30;
	v45 =	vshll.u32 v8, $0x9;
	v8 =	vshll.u32 v8, $0x7  }
0x15c: {  	v47 =	vand.u32 $0xFFFFF000, v45;
	v8 =	vand.u32 $0x380, v8;
	v6 =	vmul.f32 v11, v42  }
0x15d: {  	v4 =	vadd.f32 $1.000000000e+00, v4;
	v11 =	vmul.f32 v50, v0;
	v15 =	vmul.f32 v18, v56  }
0x15e: {  	v12 =	vmul.f32 v58, v54;
	v17 =	vmul.f32 v17, v63;
	v42 =	vand.u32 $0xFFFFF000, v40  }
0x15f: {  	v3 =	vmul.f32 v4, v3;
	v6 =	vadd.f32 $1.000000000e+00, v6;
	v15 =	vadd.f32 $1.000000000e+00, v15  }
0x160: {  	v4 =	vadd.s32 v9, v46;
	v12 =	vadd.f32 $1.000000000e+00, v12;
	v17 =	vadd.f32 $1.000000000e+00, v17  }
0x161: {  	v46 =	vadd.f32 $-1.666666720e-01, v44;
	v14 =	vmul.f32 v15, v14;
	v15 =	vand.u32 $0xFFFFF000, v28  }
0x162: {  	v49 =	vor.u32 v10, v4;
	v4 =	vor.u32 v5, v4;
	v15 =	vadd.s32 v9, v15  }
0x163: {  	v13 =	vor.u32 v5, v49;
	v15 =	vor.u32 v20, v15;
	v20 =	vmul.f32 v33, v33  }
0x164: {  	v6 =	vmul.f32 v6, v7;
	v11 =	vmul.f32 v12, v11;
	v12 =	vor.u32 v5, v24  }
0x165: {  	v4 =	vor.u32 v10, v4;
	v17 =	vmul.f32 v17, v19;
	v36 =	vmul.f32 $8.333333770e-03, v20  }
0x166: {  	v10 =	vmul.f32 v32, v29;
	v19 =	vshll.u32 v34, $0x7;
	v49 =	vadd.s32 v9, v47  }
0x167: {  	v4 =	vadd.s32 $0x1000, v4;
	v37 =	vand.u32 $0x380, v19;
	v38 =	vadd.f32 $-1.666666720e-01, v36  }
0x168: {  	v7 =	vor.u32 v8, v49;
	v2 =	vor.u32 v37, v21;
	v15 =	vor.u32 v5, v15  }
0x169: {  	v21 =	vand.u32 $0x380, v43;
	v19 =	vmul.f32 v38, v20;
	v20 =	vadd.s32 v9, v42  }
0x16a: {  	v2 =	vor.u32 v5, v2;
	[tilespmem:v13+s26+$0x0] =	vst.idx.add.f32.msk $0xffff, v3;
	v48 =	vor.u32 v21, v20  }
0x16b: {  	v10 =	vadd.f32 $1.000000000e+00, v10;
	v3 =	vmul.f32 v46, v41;
	[tilespmem:v57+s26+$0x0] =	vst.idx.add.f32.msk $0xffff, v6;
	v6 =	vor.u32 v5, v48  }
0x16c: {  	v50 =	vmul.f32 v33, v0;
	[tilespmem:v12+s26+$0x0] =	vst.idx.add.f32.msk $0xffff, v11;
	v51 =	vadd.f32 $1.000000000e+00, v19;
	v5 =	vor.u32 v5, v7  }
0x16d: {  	v0 =	vmul.f32 v1, v0;
	v52 =	vmul.f32 v10, v16;
	v53 =	vadd.f32 $1.000000000e+00, v3;
	[tilespmem:v15+s26+$0x0] =	vst.idx.add.f32.msk $0xffff, v14  }
0x16e: {  	[tilespmem:v4+s26+$0x0] =	vst.idx.add.f32.msk $0xffff, v17;
	v54 =	vmul.f32 v51, v50  }
0x16f: {  	v0 =	vmul.f32 v53, v0;
	[tilespmem:v2+s26+$0x0] =	vst.idx.add.f32.msk $0xffff, v52  }
0x170: {  	[tilespmem:v6+s26+$0x0] =	vst.idx.add.f32.msk $0xffff, v54  }
0x171: {  	s13 =	sadd.s32 $0x1000, s10;
	[tilespmem:v5+s26+$0x0] =	vst.idx.add.f32.msk $0xffff, v0  }
0x172: {  	[hbm4b:s13+s2] =	stream.linear.scatter [tilespmem:s26], [sflag:$0xD], $0x2000, $0x38;
	[tilespmem:$0x10280] =	vst v63  }
0x173: {  	p0 =	seq.s32 s8, $0x1E000;
	_ =	swait.ge [sflag:s18], $0x2000  }
0x174: {  	s12 =	simm.s32 @!p0 $0x0;
	s11 =	sadd.s32 @!p0 s8, s14;
	[sflag:s18] =	ssyncset.done $0x0  }
0x175: {  	s16 =	simm.s32 @!p0 $0x280;
	s13 =	sadd.s32 @!p0 $0x2000, s11;
	[sflag:s18] =	ssyncadd.s32 $0xFFFFE000  }
0x176: {  	[tilespmem:s16], [sflag:$0x1] =	stream.linear.gather @!p0 [hbm4b:s13+s12], $0x2000, $0x38;
	[tilespmem:$0x10280] =	vst v63  }
0x177: {  	_ =	swait.ge [sflag:s19], $0x2000  }
0x178: {  	[sflag:s19] =	ssyncset.done $0x0  }
0x179: {  	[sflag:s19] =	ssyncadd.s32 $0xFFFFE000  }
0x17a: {  	v55 =	vld [tilespmem:$0x200]  }
0x17b: {  	v60 =	vld [tilespmem:$0x0]  }
0x17c: {  	v63 =	vld [tilespmem:$0x80];
	_ =	sdelay $0x1  }
0x17d: {  	s16 =	sadd.s32 $0x50, s5  }
0x17e: {  	s13 =	scvt.s32.f32 s16;
	_ =	sdelay $0x1  }
0x17f: {  	v57 =	vadd.f32 s13, v55;
	v19 =	vshll.u32 v63, $0x9;
	v20 =	vshll.u32 v60, $0x3  }
0x180: {  	v23 =	vshll.u32 v63, $0x7;
	v5 =	vand.u32 $0x7F, v60;
	v27 =	vadd.s32 $0x2, v63  }
0x181: {  	v56 =	vld [tilespmem:$0x100];
	v35 =	vadd.s32 $0x4, v63;
	v43 =	vadd.s32 $0x6, v63;
	v50 =	vadd.s32 $0xA, v63  }
0x182: {  	v55 =	vadd.s32 $0xC, v63;
	v8 =	vadd.s32 $0xE, v63;
	v22 =	vand.u32 $0xFFFFF000, v19  }
0x183: {  	v9 =	vand.u32 $0xFFFFFC00, v20;
	v10 =	vand.u32 $0x380, v23;
	v29 =	vshll.u32 v27, $0x9  }
0x184: {  	v12 =	vshll.u32 v27, $0x7;
	v38 =	vshll.u32 v35, $0x9;
	v17 =	vshll.u32 v35, $0x7  }
0x185: {  	v0 =	vld [tilespmem:$0x180];
	v44 =	vshll.u32 v43, $0x9;
	v20 =	vshll.u32 v43, $0x7;
	v51 =	vshll.u32 v50, $0x9  }
0x186: {  	v58 =	vmul.f32 v57, v56;
	v62 =	vadd.f32 $2.000000000e+00, v57;
	v24 =	vadd.f32 $4.000000000e+00, v57  }
0x187: {  	v28 =	vadd.f32 $6.000000000e+00, v57;
	v15 =	vand.u32 $0xFFFFF000, v29;
	v37 =	vadd.f32 $8.000000000e+00, v57  }
0x188: {  	v16 =	vand.u32 $0xFFFFF000, v38;
	v17 =	vand.u32 $0x380, v17;
	v41 =	vadd.f32 $1.000000000e+01, v57  }
0x189: {  	v47 =	vadd.f32 $1.200000000e+01, v57;
	v59 =	vmul.f32 v58, v58;
	v7 =	vmul.f32 v62, v56  }
0x18a: {  	v2 =	vadd.f32 $1.400000000e+01, v57;
	v3 =	vmul.f32 v58, v0;
	v26 =	vmul.f32 v24, v56  }
0x18b: {  	v16 =	vadd.s32 v9, v16;
	v14 =	vmul.f32 v28, v56;
	v19 =	vmul.f32 v37, v56  }
0x18c: {  	v40 =	vor.u32 v17, v16;
	v16 =	vmul.f32 v41, v56;
	v49 =	vmul.f32 v47, v56  }
0x18d: {  	v12 =	vand.u32 $0x380, v12;
	v1 =	vmul.f32 v2, v56;
	v61 =	vmul.f32 $8.333333770e-03, v59  }
0x18e: {  	v20 =	vand.u32 $0x380, v20;
	v18 =	vmul.f32 v7, v7;
	v7 =	vmul.f32 v7, v0  }
0x18f: {  	v15 =	vadd.s32 v9, v15;
	v30 =	vmul.f32 v26, v26;
	v32 =	vmul.f32 v14, v14  }
0x190: {  	v12 =	vor.u32 v12, v15;
	v39 =	vmul.f32 v19, v19;
	v14 =	vmul.f32 v14, v0  }
0x191: {  	v56 =	vshll.u32 v55, $0x9;
	v45 =	vmul.f32 v16, v16;
	v19 =	vmul.f32 v19, v0  }
0x192: {  	v33 =	vor.u32 v5, v12;
	v16 =	vmul.f32 v16, v0;
	v57 =	vmul.f32 v1, v1  }
0x193: {  	v58 =	vand.u32 $0xFFFFF000, v56;
	v21 =	vmul.f32 $8.333333770e-03, v18;
	v31 =	vmul.f32 $8.333333770e-03, v30  }
0x194: {  	v6 =	vadd.f32 $-1.666666720e-01, v61;
	v36 =	vmul.f32 $8.333333770e-03, v32;
	v42 =	vmul.f32 $8.333333770e-03, v39  }
0x195: {  	v46 =	vmul.f32 $8.333333770e-03, v45;
	v60 =	vmul.f32 $8.333333770e-03, v57;
	v61 =	vshll.u32 v8, $0x9  }
0x196: {  	v8 =	vshll.u32 v8, $0x7;
	v63 =	vand.u32 $0xFFFFF000, v61;
	v11 =	vadd.f32 $-1.666666720e-01, v21  }
0x197: {  	v8 =	vand.u32 $0x380, v8;
	v4 =	vmul.f32 v6, v59;
	v34 =	vadd.f32 $-1.666666720e-01, v31  }
0x198: {  	v17 =	vadd.f32 $-1.666666720e-01, v42;
	v6 =	vmul.f32 v11, v18;
	v18 =	vadd.f32 $-1.666666720e-01, v36  }
0x199: {  	v48 =	vadd.f32 $-1.666666720e-01, v46;
	v21 =	vand.u32 $0xFFFFF000, v51;
	v59 =	vshll.u32 v55, $0x7  }
0x19a: {  	v62 =	vadd.f32 $-1.666666720e-01, v60;
	v4 =	vadd.f32 $1.000000000e+00, v4;
	v15 =	vmul.f32 v18, v32  }
0x19b: {  	v21 =	vadd.s32 v9, v21;
	v11 =	vmul.f32 v26, v0;
	v12 =	vmul.f32 v34, v30  }
0x19c: {  	v17 =	vmul.f32 v17, v39;
	v3 =	vmul.f32 v4, v3;
	v15 =	vadd.f32 $1.000000000e+00, v15  }
0x19d: {  	v4 =	vadd.s32 v9, v22;
	v6 =	vadd.f32 $1.000000000e+00, v6;
	v12 =	vadd.f32 $1.000000000e+00, v12  }
0x19e: {  	v17 =	vadd.f32 $1.000000000e+00, v17;
	v14 =	vmul.f32 v15, v14;
	v15 =	vand.u32 $0xFFFFF000, v44  }
0x19f: {  	v22 =	vadd.s32 v9, v63;
	v25 =	vor.u32 v10, v4;
	v15 =	vadd.s32 v9, v15  }
0x1a0: {  	v4 =	vor.u32 v5, v4;
	v15 =	vor.u32 v20, v15;
	v20 =	vmul.f32 v49, v49  }
0x1a1: {  	v13 =	vor.u32 v5, v25;
	v6 =	vmul.f32 v6, v7;
	v11 =	vmul.f32 v12, v11  }
0x1a2: {  	v12 =	vor.u32 v5, v40;
	v4 =	vor.u32 v10, v4;
	v52 =	vmul.f32 $8.333333770e-03, v20  }
0x1a3: {  	v17 =	vmul.f32 v17, v19;
	v10 =	vmul.f32 v48, v45;
	v19 =	vshll.u32 v50, $0x7  }
0x1a4: {  	v7 =	vor.u32 v8, v22;
	v53 =	vand.u32 $0x380, v19;
	v54 =	vadd.f32 $-1.666666720e-01, v52  }
0x1a5: {  	v4 =	vadd.s32 $0x1000, v4;
	v2 =	vor.u32 v53, v21;
	v15 =	vor.u32 v5, v15  }
0x1a6: {  	v21 =	vand.u32 $0x380, v59;
	v19 =	vmul.f32 v54, v20;
	v20 =	vadd.s32 v9, v58  }
0x1a7: {  	v2 =	vor.u32 v5, v2;
	[tilespmem:v13+s29+$0x0] =	vst.idx.add.f32.msk $0xffff, v3;
	v21 =	vor.u32 v21, v20  }
0x1a8: {  	v10 =	vadd.f32 $1.000000000e+00, v10;
	v3 =	vmul.f32 v62, v57;
	[tilespmem:v33+s29+$0x0] =	vst.idx.add.f32.msk $0xffff, v6;
	v6 =	vor.u32 v5, v21  }
0x1a9: {  	v24 =	vmul.f32 v49, v0;
	[tilespmem:v12+s29+$0x0] =	vst.idx.add.f32.msk $0xffff, v11;
	v25 =	vadd.f32 $1.000000000e+00, v19;
	v5 =	vor.u32 v5, v7  }
0x1aa: {  	v0 =	vmul.f32 v1, v0;
	v26 =	vmul.f32 v10, v16;
	v27 =	vadd.f32 $1.000000000e+00, v3;
	[tilespmem:v15+s29+$0x0] =	vst.idx.add.f32.msk $0xffff, v14  }
0x1ab: {  	[tilespmem:v4+s29+$0x0] =	vst.idx.add.f32.msk $0xffff, v17;
	v28 =	vmul.f32 v25, v24  }
0x1ac: {  	v0 =	vmul.f32 v27, v0;
	[tilespmem:v2+s29+$0x0] =	vst.idx.add.f32.msk $0xffff, v26  }
0x1ad: {  	[tilespmem:v6+s29+$0x0] =	vst.idx.add.f32.msk $0xffff, v28  }
0x1ae: {  	s16 =	sadd.s32 $0x1400, s10;
	[tilespmem:v5+s29+$0x0] =	vst.idx.add.f32.msk $0xffff, v0  }
0x1af: {  	[hbm4b:s16+s2] =	stream.linear.scatter [tilespmem:s29], [sflag:$0xE], $0x2000, $0x38;
	[tilespmem:$0x10280] =	vst v63  }
0x1b0: {  	_ =	swait.ge [sflag:s20], $0x2000  }
0x1b1: {  	[sflag:s20] =	ssyncset.done $0x0  }
0x1b2: {  	s13 =	sadd.s32 @!p0 $0x2400, s11;
	s16 =	simm.s32 @!p0 $0x2280;
	[sflag:s20] =	ssyncadd.s32 $0xFFFFE000  }
0x1b3: {  	[tilespmem:s16], [sflag:$0x2] =	stream.linear.gather @!p0 [hbm4b:s13+s12], $0x2000, $0x38;
	[tilespmem:$0x10280] =	vst v63  }
0x1b4: {  	_ =	swait.ge [sflag:s3], $0x2000  }
0x1b5: {  	[sflag:s3] =	ssyncset.done $0x0  }
0x1b6: {  	[sflag:s3] =	ssyncadd.s32 $0xFFFFE000  }
0x1b7: {  	v29 =	vld [tilespmem:$0x200]  }
0x1b8: {  	v22 =	vld [tilespmem:$0x0]  }
0x1b9: {  	v25 =	vld [tilespmem:$0x80];
	_ =	sdelay $0x1  }
0x1ba: {  	s16 =	sadd.s32 $0x60, s5  }
0x1bb: {  	s13 =	scvt.s32.f32 s16;
	_ =	sdelay $0x1  }
0x1bc: {  	v31 =	vadd.f32 s13, v29;
	v33 =	vshll.u32 v25, $0x9;
	v34 =	vshll.u32 v22, $0x3  }
0x1bd: {  	v37 =	vshll.u32 v25, $0x7;
	v5 =	vand.u32 $0x7F, v22;
	v41 =	vadd.s32 $0x2, v25  }
0x1be: {  	v30 =	vld [tilespmem:$0x100];
	v49 =	vadd.s32 $0x4, v25;
	v57 =	vadd.s32 $0x6, v25;
	v26 =	vadd.s32 $0xA, v25  }
0x1bf: {  	v8 =	vadd.s32 $0xE, v25;
	v36 =	vand.u32 $0xFFFFF000, v33;
	v9 =	vand.u32 $0xFFFFFC00, v34  }
0x1c0: {  	v10 =	vand.u32 $0x380, v37;
	v43 =	vshll.u32 v41, $0x9;
	v12 =	vshll.u32 v41, $0x7  }
0x1c1: {  	v52 =	vshll.u32 v49, $0x9;
	v17 =	vshll.u32 v49, $0x7;
	v58 =	vshll.u32 v57, $0x9  }
0x1c2: {  	v0 =	vld [tilespmem:$0x180];
	v27 =	vshll.u32 v26, $0x9;
	v37 =	vshll.u32 v8, $0x9;
	v8 =	vshll.u32 v8, $0x7  }
0x1c3: {  	v20 =	vmul.f32 v31, v30;
	v24 =	vadd.f32 $2.000000000e+00, v31;
	v38 =	vadd.f32 $4.000000000e+00, v31  }
0x1c4: {  	v42 =	vadd.f32 $6.000000000e+00, v31;
	v15 =	vand.u32 $0xFFFFF000, v43;
	v12 =	vand.u32 $0x380, v12  }
0x1c5: {  	v51 =	vadd.f32 $8.000000000e+00, v31;
	v16 =	vand.u32 $0xFFFFF000, v52;
	v17 =	vand.u32 $0x380, v17  }
0x1c6: {  	v55 =	vadd.f32 $1.000000000e+01, v31;
	v61 =	vadd.f32 $1.200000000e+01, v31;
	v21 =	vmul.f32 v20, v20  }
0x1c7: {  	v2 =	vadd.f32 $1.400000000e+01, v31;
	v7 =	vmul.f32 v24, v30;
	v3 =	vmul.f32 v20, v0  }
0x1c8: {  	v16 =	vadd.s32 v9, v16;
	v40 =	vmul.f32 v38, v30;
	v14 =	vmul.f32 v42, v30  }
0x1c9: {  	v19 =	vmul.f32 v51, v30;
	v54 =	vor.u32 v17, v16;
	v16 =	vmul.f32 v55, v30  }
0x1ca: {  	v31 =	vadd.s32 $0xC, v25;
	v63 =	vmul.f32 v61, v30;
	v1 =	vmul.f32 v2, v30  }
0x1cb: {  	v8 =	vand.u32 $0x380, v8;
	v23 =	vmul.f32 $8.333333770e-03, v21;
	v32 =	vmul.f32 v7, v7  }
0x1cc: {  	v15 =	vadd.s32 v9, v15;
	v7 =	vmul.f32 v7, v0;
	v44 =	vmul.f32 v40, v40  }
0x1cd: {  	v12 =	vor.u32 v12, v15;
	v46 =	vmul.f32 v14, v14;
	v53 =	vmul.f32 v19, v19  }
0x1ce: {  	v20 =	vshll.u32 v57, $0x7;
	v14 =	vmul.f32 v14, v0;
	v59 =	vmul.f32 v16, v16  }
0x1cf: {  	v47 =	vor.u32 v5, v12;
	v19 =	vmul.f32 v19, v0;
	v16 =	vmul.f32 v16, v0  }
0x1d0: {  	v20 =	vand.u32 $0x380, v20;
	v33 =	vmul.f32 v1, v1;
	v35 =	vmul.f32 $8.333333770e-03, v32  }
0x1d1: {  	v6 =	vadd.f32 $-1.666666720e-01, v23;
	v45 =	vmul.f32 $8.333333770e-03, v44;
	v50 =	vmul.f32 $8.333333770e-03, v46  }
0x1d2: {  	v56 =	vmul.f32 $8.333333770e-03, v53;
	v60 =	vmul.f32 $8.333333770e-03, v59;
	v11 =	vadd.f32 $-1.666666720e-01, v35  }
0x1d3: {  	v4 =	vmul.f32 v6, v21;
	v48 =	vadd.f32 $-1.666666720e-01, v45;
	v18 =	vadd.f32 $-1.666666720e-01, v50  }
0x1d4: {  	v17 =	vadd.f32 $-1.666666720e-01, v56;
	v62 =	vadd.f32 $-1.666666720e-01, v60;
	v21 =	vand.u32 $0xFFFFF000, v27  }
0x1d5: {  	v35 =	vshll.u32 v31, $0x7;
	v21 =	vadd.s32 v9, v21;
	v6 =	vmul.f32 v11, v32  }
0x1d6: {  	v4 =	vadd.f32 $1.000000000e+00, v4;
	v11 =	vmul.f32 v40, v0;
	v12 =	vmul.f32 v48, v44  }
0x1d7: {  	v15 =	vmul.f32 v18, v46;
	v17 =	vmul.f32 v17, v53;
	v32 =	vshll.u32 v31, $0x9  }
0x1d8: {  	v34 =	vand.u32 $0xFFFFF000, v32;
	v3 =	vmul.f32 v4, v3;
	v6 =	vadd.f32 $1.000000000e+00, v6  }
0x1d9: {  	v4 =	vadd.s32 v9, v36;
	v12 =	vadd.f32 $1.000000000e+00, v12;
	v15 =	vadd.f32 $1.000000000e+00, v15  }
0x1da: {  	v17 =	vadd.f32 $1.000000000e+00, v17;
	v36 =	vmul.f32 $8.333333770e-03, v33;
	v39 =	vor.u32 v10, v4  }
0x1db: {  	v4 =	vor.u32 v5, v4;
	v14 =	vmul.f32 v15, v14;
	v15 =	vand.u32 $0xFFFFF000, v58  }
0x1dc: {  	v13 =	vor.u32 v5, v39;
	v6 =	vmul.f32 v6, v7;
	v15 =	vadd.s32 v9, v15  }
0x1dd: {  	v11 =	vmul.f32 v12, v11;
	v15 =	vor.u32 v20, v15;
	v20 =	vmul.f32 v63, v63  }
0x1de: {  	v12 =	vor.u32 v5, v54;
	v4 =	vor.u32 v10, v4;
	v17 =	vmul.f32 v17, v19  }
0x1df: {  	v10 =	vmul.f32 v62, v59;
	v19 =	vshll.u32 v26, $0x7;
	v28 =	vmul.f32 $8.333333770e-03, v20  }
0x1e0: {  	v38 =	vadd.f32 $-1.666666720e-01, v36;
	v39 =	vand.u32 $0xFFFFF000, v37;
	v4 =	vadd.s32 $0x1000, v4  }
0x1e1: {  	v29 =	vand.u32 $0x380, v19;
	v41 =	vadd.s32 v9, v39;
	v30 =	vadd.f32 $-1.666666720e-01, v28  }
0x1e2: {  	v2 =	vor.u32 v29, v21;
	v21 =	vand.u32 $0x380, v35;
	v15 =	vor.u32 v5, v15  }
0x1e3: {  	v7 =	vor.u32 v8, v41;
	v19 =	vmul.f32 v30, v20;
	v20 =	vadd.s32 v9, v34  }
0x1e4: {  	v2 =	vor.u32 v5, v2;
	[tilespmem:v13+s31+$0x0] =	vst.idx.add.f32.msk $0xffff, v3;
	v40 =	vor.u32 v21, v20  }
0x1e5: {  	v10 =	vadd.f32 $1.000000000e+00, v10;
	v3 =	vmul.f32 v38, v33;
	[tilespmem:v47+s31+$0x0] =	vst.idx.add.f32.msk $0xffff, v6;
	v6 =	vor.u32 v5, v40  }
0x1e6: {  	v42 =	vmul.f32 v63, v0;
	[tilespmem:v12+s31+$0x0] =	vst.idx.add.f32.msk $0xffff, v11;
	v43 =	vadd.f32 $1.000000000e+00, v19;
	v5 =	vor.u32 v5, v7  }
0x1e7: {  	v0 =	vmul.f32 v1, v0;
	v44 =	vmul.f32 v10, v16;
	v45 =	vadd.f32 $1.000000000e+00, v3;
	[tilespmem:v15+s31+$0x0] =	vst.idx.add.f32.msk $0xffff, v14  }
0x1e8: {  	[tilespmem:v4+s31+$0x0] =	vst.idx.add.f32.msk $0xffff, v17;
	v46 =	vmul.f32 v43, v42  }
0x1e9: {  	v0 =	vmul.f32 v45, v0;
	[tilespmem:v2+s31+$0x0] =	vst.idx.add.f32.msk $0xffff, v44  }
0x1ea: {  	[tilespmem:v6+s31+$0x0] =	vst.idx.add.f32.msk $0xffff, v46  }
0x1eb: {  	s16 =	sadd.s32 $0x1800, s10;
	[tilespmem:v5+s31+$0x0] =	vst.idx.add.f32.msk $0xffff, v0  }
0x1ec: {  	[hbm4b:s16+s2] =	stream.linear.scatter [tilespmem:s31], [sflag:$0xF], $0x2000, $0x38;
	[tilespmem:$0x10280] =	vst v63  }
0x1ed: {  	_ =	swait.ge [sflag:s4], $0x2000  }
0x1ee: {  	[sflag:s4] =	ssyncset.done $0x0  }
0x1ef: {  	s11 =	sadd.s32 @!p0 $0x2800, s11;
	s13 =	simm.s32 @!p0 $0x4280;
	[sflag:s4] =	ssyncadd.s32 $0xFFFFE000  }
0x1f0: {  	[tilespmem:s13], [sflag:$0x3] =	stream.linear.gather @!p0 [hbm4b:s11+s12], $0x2000, $0x38;
	[tilespmem:$0x10280] =	vst v63  }
0x1f1: {  	_ =	swait.ge [sflag:s6], $0x2000  }
0x1f2: {  	[sflag:s6] =	ssyncset.done $0x0  }
0x1f3: {  	[sflag:s6] =	ssyncadd.s32 $0xFFFFE000  }
0x1f4: {  	v47 =	vld [tilespmem:$0x200]  }
0x1f5: {  	v4 =	vld [tilespmem:$0x80]  }
0x1f6: {  	v53 =	vld [tilespmem:$0x0]  }
0x1f7: {  	s16 =	sadd.s32 $0x70, s5  }
0x1f8: {  	s11 =	scvt.s32.f32 s16;
	_ =	sdelay $0x1  }
0x1f9: {  	v49 =	vadd.f32 s11, v47;
	v56 =	vshll.u32 v4, $0x9  }
0x1fa: {  	v59 =	vshll.u32 v53, $0x3;
	v61 =	vshll.u32 v4, $0x7;
	v63 =	vand.u32 $0x7F, v53  }
0x1fb: {  	v22 =	vadd.s32 $0x2, v4;
	v28 =	vadd.s32 $0x4, v4;
	v34 =	vadd.s32 $0x6, v4  }
0x1fc: {  	v48 =	vld [tilespmem:$0x100];
	v41 =	vadd.s32 $0xA, v4;
	v46 =	vadd.s32 $0xC, v4;
	v4 =	vadd.s32 $0xE, v4  }
0x1fd: {  	v58 =	vand.u32 $0xFFFFF000, v56;
	v10 =	vand.u32 $0xFFFFFC00, v59;
	v13 =	vand.u32 $0x380, v61  }
0x1fe: {  	v24 =	vshll.u32 v22, $0x9;
	v14 =	vshll.u32 v22, $0x7;
	v29 =	vshll.u32 v28, $0x9  }
0x1ff: {  	v0 =	vld [tilespmem:$0x180];
	v36 =	vshll.u32 v34, $0x9;
	v42 =	vshll.u32 v41, $0x9;
	v22 =	vshll.u32 v46, $0x7  }
0x200: {  	v53 =	vshll.u32 v4, $0x9;
	v4 =	vshll.u32 v4, $0x7;
	v51 =	vadd.f32 $2.000000000e+00, v49  }
0x201: {  	v50 =	vmul.f32 v49, v48;
	v60 =	vadd.f32 $4.000000000e+00, v49;
	v23 =	vadd.f32 $6.000000000e+00, v49  }
0x202: {  	v14 =	vand.u32 $0x380, v14;
	v27 =	vadd.f32 $8.000000000e+00, v49;
	v18 =	vand.u32 $0xFFFFF000, v29  }
0x203: {  	v35 =	vadd.f32 $1.000000000e+01, v49;
	v39 =	vadd.f32 $1.200000000e+01, v49;
	v52 =	vmul.f32 v50, v50  }
0x204: {  	v2 =	vadd.f32 $1.400000000e+01, v49;
	v5 =	vmul.f32 v51, v48;
	v3 =	vmul.f32 v50, v0  }
0x205: {  	v44 =	vand.u32 $0xFFFFF000, v42;
	v62 =	vmul.f32 v60, v48;
	v15 =	vmul.f32 v23, v48  }
0x206: {  	v49 =	vshll.u32 v46, $0x9;
	v17 =	vmul.f32 v27, v48;
	v1 =	vmul.f32 v2, v48  }
0x207: {  	v22 =	vand.u32 $0x380, v22;
	v54 =	vmul.f32 $8.333333770e-03, v52;
	v55 =	vmul.f32 v5, v5  }
0x208: {  	v4 =	vand.u32 $0x380, v4;
	v5 =	vmul.f32 v5, v0;
	v12 =	vmul.f32 v62, v62  }
0x209: {  	v32 =	vadd.s32 v10, v18;
	v26 =	vmul.f32 v15, v15;
	v31 =	vmul.f32 v17, v17  }
0x20a: {  	v18 =	vshll.u32 v34, $0x7;
	v15 =	vmul.f32 v15, v0;
	v17 =	vmul.f32 v17, v0  }
0x20b: {  	v51 =	vmul.f32 v1, v1;
	v8 =	vadd.f32 $-1.666666720e-01, v54;
	v57 =	vmul.f32 $8.333333770e-03, v55  }
0x20c: {  	v18 =	vand.u32 $0x380, v18;
	v25 =	vmul.f32 $8.333333770e-03, v12;
	v30 =	vmul.f32 $8.333333770e-03, v26  }
0x20d: {  	v50 =	vand.u32 $0xFFFFF000, v49;
	v33 =	vmul.f32 $8.333333770e-03, v31;
	v6 =	vmul.f32 v8, v52  }
0x20e: {  	v11 =	vadd.f32 $-1.666666720e-01, v57;
	v8 =	vadd.s32 v10, v58;
	v16 =	vadd.f32 $-1.666666720e-01, v25  }
0x20f: {  	v19 =	vadd.f32 $-1.666666720e-01, v30;
	v52 =	vmul.f32 $8.333333770e-03, v51;
	v21 =	vor.u32 v13, v8  }
0x210: {  	v8 =	vor.u32 v63, v8;
	v6 =	vadd.f32 $1.000000000e+00, v6;
	v9 =	vmul.f32 v11, v55  }
0x211: {  	v7 =	vor.u32 v63, v21;
	v12 =	vmul.f32 v16, v12;
	v11 =	vmul.f32 v62, v0  }
0x212: {  	v16 =	vshll.u32 v28, $0x7;
	v21 =	vand.u32 $0xFFFFF000, v36;
	v8 =	vor.u32 v13, v8  }
0x213: {  	v23 =	vadd.f32 $-1.666666720e-01, v52;
	v37 =	vadd.s32 v10, v21;
	v21 =	vmul.f32 v39, v48  }
0x214: {  	v13 =	vadd.s32 v10, v44;
	v9 =	vadd.f32 $1.000000000e+00, v9;
	v12 =	vadd.f32 $1.000000000e+00, v12  }
0x215: {  	v16 =	vand.u32 $0x380, v16;
	v3 =	vmul.f32 v6, v3;
	v43 =	vmul.f32 v21, v21  }
0x216: {  	v5 =	vmul.f32 v9, v5;
	v9 =	vand.u32 $0xFFFFF000, v24;
	v11 =	vmul.f32 v12, v11  }
0x217: {  	v12 =	vor.u32 v16, v32;
	v16 =	vadd.f32 $-1.666666720e-01, v33;
	v9 =	vadd.s32 v10, v9  }
0x218: {  	v9 =	vor.u32 v14, v9;
	v14 =	vmul.f32 v19, v26;
	v19 =	vmul.f32 v35, v48  }
0x219: {  	v55 =	vadd.s32 $0x1000, v8;
	v56 =	vmul.f32 v23, v51;
	v16 =	vmul.f32 v16, v31  }
0x21a: {  	v12 =	vor.u32 v63, v12;
	v45 =	vmul.f32 $8.333333770e-03, v43;
	v38 =	vmul.f32 v19, v19  }
0x21b: {  	v9 =	vor.u32 v63, v9;
	v14 =	vadd.f32 $1.000000000e+00, v14;
	v16 =	vadd.f32 $1.000000000e+00, v16  }
0x21c: {  	v48 =	vadd.f32 $-1.666666720e-01, v45;
	v57 =	vmul.f32 v19, v0;
	v40 =	vmul.f32 $8.333333770e-03, v38  }
0x21d: {  	v14 =	vmul.f32 v14, v15;
	v16 =	vmul.f32 v16, v17;
	v17 =	vshll.u32 v41, $0x7  }
0x21e: {  	v15 =	vor.u32 v18, v37;
	v47 =	vand.u32 $0x380, v17;
	v18 =	vadd.f32 $-1.666666720e-01, v40  }
0x21f: {  	v15 =	vor.u32 v63, v15;
	v2 =	vor.u32 v47, v13;
	v13 =	vadd.s32 v10, v50  }
0x220: {  	[tilespmem:v7+s1+$0x0] =	vst.idx.add.f32.msk $0xffff, v3;
	v13 =	vor.u32 v22, v13;
	v22 =	vand.u32 $0xFFFFF000, v53;
	v18 =	vmul.f32 v18, v38  }
0x221: {  	v17 =	vmul.f32 v48, v43;
	v2 =	vor.u32 v63, v2;
	v54 =	vadd.s32 v10, v22  }
0x222: {  	[tilespmem:v9+s1+$0x0] =	vst.idx.add.f32.msk $0xffff, v5;
	v59 =	vor.u32 v63, v13;
	v3 =	vor.u32 v4, v54;
	v58 =	vadd.f32 $1.000000000e+00, v18  }
0x223: {  	v60 =	vmul.f32 v21, v0;
	[tilespmem:v12+s1+$0x0] =	vst.idx.add.f32.msk $0xffff, v11;
	v61 =	vadd.f32 $1.000000000e+00, v17;
	v3 =	vor.u32 v63, v3  }
0x224: {  	v62 =	vadd.f32 $1.000000000e+00, v56;
	v0 =	vmul.f32 v1, v0;
	[tilespmem:v15+s1+$0x0] =	vst.idx.add.f32.msk $0xffff, v14;
	v4 =	vmul.f32 v58, v57  }
0x225: {  	v63 =	vmul.f32 v61, v60;
	[tilespmem:v55+s1+$0x0] =	vst.idx.add.f32.msk $0xffff, v16  }
0x226: {  	v0 =	vmul.f32 v62, v0;
	[tilespmem:v2+s1+$0x0] =	vst.idx.add.f32.msk $0xffff, v4  }
0x227: {  	[tilespmem:v59+s1+$0x0] =	vst.idx.add.f32.msk $0xffff, v63  }
.Ltmp2:
0x228: {  	s10 =	sadd.s32 $0x1C00, s10;
	[tilespmem:v3+s1+$0x0] =	vst.idx.add.f32.msk $0xffff, v0;
	(pc) =	sbr.rel @p0 .LBB2_4-.Ltmp2, $4  }
0x229: {  	[hbm4b:s10+s2] =	stream.linear.scatter [tilespmem:s1], [sflag:$0x10], $0x2000, $0x38;
	[tilespmem:$0x10280] =	vst v63  }
0x22a: {  	_ =	swait.ge [sflag:s7], $0x2000  }
0x22b: {  	[sflag:s7] =	ssyncset.done $0x0  }
0x22c: {  	[sflag:s7] =	ssyncadd.s32 $0xFFFFE000  }
.Ltmp3:
0x22d: {  	(pc) =	sbr.rel .LBB2_2-.Ltmp3, $3  }
0x22e: {  	_ =	sdelay $0x1  }
0x22f: {  	s9 =	sadd.s32 $0x2C00, s9;
	s8 =	sadd.s32 $0x2000, s8;
	s5 =	sadd.s32 $0x80, s5  }
0x230: {  	[tilespmem:s24], [sflag:$0x4] =	stream.linear.gather [hbm4b:s9+s2], $0x2000, $0x38;
	[tilespmem:$0x10280] =	vst v63  }
.LBB2_5:
0x231: {  	_ =	sfence.sel $0x180000  }
0x232: {  	[bflag:$0x0] =	sbarrier.arrive $0xFFFF  }
0x233: {  	_ =	strace $0x90000047  }
0x234: {  	s0 =	stileid.u32;
	[bflag:$0x2] =	sbarrier.arrive $0xFFFF  }
0x235: {  	p0 =	sne.s32 s0, $0x0;
	s0 =	rddreg [dreg:$0x3]  }
0x236: {  	s0 =	sadd.s32 @!p0 $0x100000, s0  }
0x237: {  	[sflag:s0] =	ssyncadd.tile.s32 @!p0 $0x1;
	_ =	shalt  }
.Lfunc_end2:
_tile_overlayer_lowered:
.L_overlay_start_2:
0x238: {  	(tag) =	ssettag $0x2  }
0x239: {  	s0 =	rddreg [dreg:$0x0];
	s2 =	stileid.u32  }
0x23a: {  	s1 =	rddreg [dreg:$0x1];
	p0 =	sne.s32 s2, $0x0  }
0x23b: {  	s3 =	rddreg [dreg:$0x2];
	[bflag:$0x3] =	sbarrier.arrive $0xFFFF;
	s2 =	simm.s32 @!p0 $0x1C11  }
0x23c: {  	[timem:s3], [sflag:s2] =	dma.local @!p0 [hbm:s0], s1  }
0x23d: {  	s0 =	simm.s32 @!p0 $0x11  }
0x23e: {  	_ =	swait.ge @!p0 [sflag:s0], s1  }
0x23f: {  	s1 =	ssub.s32 @!p0 $0x0, s1;
	[sflag:s0] =	ssyncset.done @!p0 $0x0  }
0x240: {  	[sflag:s0] =	ssyncadd.s32 @!p0 s1  }
0x241: {  	[bflag:$0x3] =	sbarrier.arrive $0xFFFF  }
0x242: {  	_ =	shalt  }

</sc_bundles>
